<compile_context>
chip_gen: v7x
topology: tpu7x:2x2x1
jax: 0.10.2.dev20260603
libtpu: 0.0.44.dev20260713+nightly
codegen_flags: <defaults>
</compile_context>

<pallas_src>
import functools

import jax
import jax.numpy as jnp
from jax import lax
from jax.experimental import pallas as pl
from jax.experimental.pallas import tpu as pltpu
from jax.experimental.pallas import tpu_sc as plsc

N = 10000
E = 320000
D_IN = 128
H1 = 512
H2 = 300
H2P = 320
D_OUT = 40
EPS = 1e-5

CH = 80
TILES = 16
CORES = 2
RPT = 640
RLAST = N - RPT

BLK = 400
GRID = N // BLK



def _sc_degree(col, wrep, zeros):
    chd = 40
    epw = E // (CORES * TILES)
    nch = epw // chd
    mesh = plsc.VectorSubcoreMesh(core_axis_name="c", subcore_axis_name="s")

    @functools.partial(
        pl.kernel,
        out_type=jax.ShapeDtypeStruct((2 * N, 16), jnp.float32),
        mesh=mesh,
        compiler_params=pltpu.CompilerParams(use_tc_tiling_on_sc=False),
        scratch_types=[
            pltpu.VMEM((chd,), jnp.int32),
            pltpu.VMEM((chd, 16), jnp.float32),
            pltpu.VMEM((chd,), jnp.int32),
            pltpu.VMEM((chd, 16), jnp.float32),
            pltpu.VMEM_SHARED((N, 16), jnp.float32),
            pltpu.SemaphoreType.DMA,
            pltpu.SemaphoreType.DMA,
        ],
    )
    def k(col_h, w_h, z_h, out_h, coli0, wv0, coli1, wv1, acc, si0, si1):
        c = lax.axis_index("c")
        s = lax.axis_index("s")
        rbase = jnp.minimum(s * RPT, RLAST)
        pltpu.sync_copy(z_h.at[pl.ds(rbase, RPT)], acc.at[pl.ds(rbase, RPT)])
        plsc.subcore_barrier()
        ebase = (c * TILES + s) * epw

        def issue(i, coli, wv, sem):
            off = ebase + i * chd
            pltpu.async_copy(col_h.at[pl.ds(off, chd)], coli, sem)
            pltpu.async_copy(w_h.at[pl.ds(off, chd)], wv, sem)

        def wait(coli, wv, sem):
            pltpu.make_async_copy(col_h.at[pl.ds(0, chd)], coli, sem).wait()
            pltpu.make_async_copy(w_h.at[pl.ds(0, chd)], wv, sem).wait()

        issue(0, coli0, wv0, si0)

        def body(g, carry):
            i = 2 * g
            issue(i + 1, coli1, wv1, si1)
            wait(coli0, wv0, si0)
            pltpu.sync_copy(wv0, acc.at[coli0], add=True)

            @pl.when(i + 2 < nch)
            def _():
                issue(i + 2, coli0, wv0, si0)

            wait(coli1, wv1, si1)
            pltpu.sync_copy(wv1, acc.at[coli1], add=True)
            return carry

        lax.fori_loop(0, nch // 2, body, 0)
        plsc.subcore_barrier()
        pltpu.sync_copy(acc.at[pl.ds(rbase, RPT)],
                        out_h.at[pl.ds(c * N + rbase, RPT)])

    return k(col, wrep, zeros)


def _sc_scatter(src, rowpc, col, wrep, dh):
    ept = E // TILES
    nch = ept // CH
    mesh = plsc.VectorSubcoreMesh(core_axis_name="c", subcore_axis_name="s")

    @functools.partial(
        pl.kernel,
        out_type=jax.ShapeDtypeStruct((2 * N, dh), jnp.float32),
        mesh=mesh,
        compiler_params=pltpu.CompilerParams(use_tc_tiling_on_sc=False),
        scratch_types=[
            pltpu.VMEM((CH,), jnp.int32),
            pltpu.VMEM((CH,), jnp.int32),
            pltpu.VMEM((CH, 16), jnp.float32),
            pltpu.VMEM((CH, dh), jnp.float32),
            pltpu.VMEM((CH,), jnp.int32),
            pltpu.VMEM((CH,), jnp.int32),
            pltpu.VMEM((CH, 16), jnp.float32),
            pltpu.VMEM((CH, dh), jnp.float32),
            pltpu.VMEM_SHARED((N, dh), jnp.float32),
            pltpu.SemaphoreType.DMA,
            pltpu.SemaphoreType.DMA,
            pltpu.SemaphoreType.DMA,
            pltpu.SemaphoreType.DMA,
        ],
    )
    def k(src_h, row_h, col_h, w_h, out_h,
          rowi0, coli0, wv0, rows0, rowi1, coli1, wv1, rows1,
          acc, si0, si1, sg0, sg1):
        c = lax.axis_index("c")
        s = lax.axis_index("s")
        rbase = jnp.minimum(s * RPT, RLAST)
        cn = c * N
        pltpu.sync_copy(src_h.at[pl.ds(cn + rbase, RPT)],
                        acc.at[pl.ds(rbase, RPT)])
        plsc.subcore_barrier()
        ebase = s * ept
        ce = c * E

        def issue_idx(i, rowi, coli, wv, sem):
            off = ebase + i * CH
            pltpu.async_copy(row_h.at[pl.ds(ce + off, CH)], rowi, sem)
            pltpu.async_copy(col_h.at[pl.ds(off, CH)], coli, sem)
            pltpu.async_copy(w_h.at[pl.ds(off, CH)], wv, sem)

        def wait_idx(rowi, coli, wv, sem):
            pltpu.make_async_copy(row_h.at[pl.ds(0, CH)], rowi, sem).wait()
            pltpu.make_async_copy(col_h.at[pl.ds(0, CH)], coli, sem).wait()
            pltpu.make_async_copy(w_h.at[pl.ds(0, CH)], wv, sem).wait()

        def process(rowi, coli, wv, rows, sem):
            pltpu.make_async_copy(src_h.at[rowi], rows, sem).wait()

            def scale(r, cy):
                wb = wv[r, pl.ds(0, 16)]
                for j in range(dh // 16):
                    rows[r, pl.ds(16 * j, 16)] = rows[r, pl.ds(16 * j, 16)] * wb
                return cy

            lax.fori_loop(0, CH, scale, 0)
            pltpu.sync_copy(rows, acc.at[coli], add=True)

        issue_idx(0, rowi0, coli0, wv0, si0)
        wait_idx(rowi0, coli0, wv0, si0)
        pltpu.async_copy(src_h.at[rowi0], rows0, sg0)
        issue_idx(1, rowi1, coli1, wv1, si1)

        def body(g, carry):
            i = 2 * g
            wait_idx(rowi1, coli1, wv1, si1)
            pltpu.async_copy(src_h.at[rowi1], rows1, sg1)
            process(rowi0, coli0, wv0, rows0, sg0)

            @pl.when(i + 2 < nch)
            def _():
                issue_idx(i + 2, rowi0, coli0, wv0, si0)
                wait_idx(rowi0, coli0, wv0, si0)
                pltpu.async_copy(src_h.at[rowi0], rows0, sg0)

            process(rowi1, coli1, wv1, rows1, sg1)

            @pl.when(i + 3 < nch)
            def _():
                issue_idx(i + 3, rowi1, coli1, wv1, si1)

            return carry

        lax.fori_loop(0, nch // 2, body, 0)
        plsc.subcore_barrier()
        pltpu.sync_copy(acc.at[pl.ds(rbase, RPT)],
                        out_h.at[pl.ds(cn + rbase, RPT)])

    return k(src, rowpc, col, wrep)



def _tc_prep(x, degp):
    def body(x_ref, d0_ref, d1_ref, xs_ref, dis_ref):
        deg = d0_ref[:, 0:1] + d1_ref[:, 0:1] + 1.0
        dis = lax.rsqrt(deg)
        xs = x_ref[...] * dis
        xs_ref[0] = xs[:, : D_IN // 2]
        xs_ref[1] = xs[:, D_IN // 2:]
        dis_ref[...] = dis

    return pl.pallas_call(
        body,
        grid=(GRID,),
        in_specs=[
            pl.BlockSpec((BLK, D_IN), lambda i: (i, 0)),
            pl.BlockSpec((BLK, 16), lambda i: (i, 0)),
            pl.BlockSpec((BLK, 16), lambda i: (i, 0)),
        ],
        out_specs=[
            pl.BlockSpec((2, BLK, D_IN // 2), lambda i: (0, i, 0)),
            pl.BlockSpec((BLK, 1), lambda i: (i, 0)),
        ],
        out_shape=[
            jax.ShapeDtypeStruct((2, N, D_IN // 2), jnp.float32),
            jax.ShapeDtypeStruct((N, 1), jnp.float32),
        ],
    )(x, degp[:N], degp[N:])


def _tc_mm1(s1, dis, W1, b1):
    def body(s1_ref, dis_ref, w_ref, b_ref, y_ref):
        a = jnp.concatenate([s1_ref[0], s1_ref[1]], axis=1) * dis_ref[...]
        y_ref[...] = jnp.dot(a, w_ref[...],
                             preferred_element_type=jnp.float32) + b_ref[...]

    return pl.pallas_call(
        body,
        grid=(GRID,),
        in_specs=[
            pl.BlockSpec((2, BLK, D_IN // 2), lambda i: (0, i, 0)),
            pl.BlockSpec((BLK, 1), lambda i: (i, 0)),
            pl.BlockSpec((D_IN, H1), lambda i: (0, 0)),
            pl.BlockSpec((1, H1), lambda i: (0, 0)),
        ],
        out_specs=pl.BlockSpec((BLK, H1), lambda i: (i, 0)),
        out_shape=jax.ShapeDtypeStruct((N, H1), jnp.float32),
    )(s1, dis, W1, b1.reshape(1, H1))


def _tc_stats(y, h):
    def body(y_ref, mean_ref, rstd_ref, acc_ref):
        i = pl.program_id(0)

        @pl.when(i == 0)
        def _():
            acc_ref[...] = jnp.zeros_like(acc_ref)

        blk = y_ref[...]
        acc_ref[0:1] += jnp.sum(blk, axis=0, keepdims=True)
        acc_ref[1:2] += jnp.sum(blk * blk, axis=0, keepdims=True)

        @pl.when(i == GRID - 1)
        def _():
            m = acc_ref[0:1] / N
            v = acc_ref[1:2] / N - m * m
            mean_ref[...] = m
            rstd_ref[...] = lax.rsqrt(v + EPS)

    return pl.pallas_call(
        body,
        grid=(GRID,),
        in_specs=[pl.BlockSpec((BLK, h), lambda i: (i, 0))],
        out_specs=[
            pl.BlockSpec((1, h), lambda i: (0, 0)),
            pl.BlockSpec((1, h), lambda i: (0, 0)),
        ],
        out_shape=[jax.ShapeDtypeStruct((1, h), jnp.float32)] * 2,
        scratch_shapes=[pltpu.VMEM((2, h), jnp.float32)],
    )(y)


def _tc_mm2(y, mean, rstd, g1, be1, W2p, dis):
    def body(y_ref, m_ref, r_ref, g_ref, be_ref, w_ref, dis_ref, ts_ref):
        hh = jnp.maximum(
            g_ref[...] * (y_ref[...] - m_ref[...]) * r_ref[...] + be_ref[...],
            0.0)
        t = jnp.dot(hh, w_ref[...],
                    preferred_element_type=jnp.float32) * dis_ref[...]
        ts_ref[0] = t[:, : H2P // 2]
        ts_ref[1] = t[:, H2P // 2:]

    return pl.pallas_call(
        body,
        grid=(GRID,),
        in_specs=[
            pl.BlockSpec((BLK, H1), lambda i: (i, 0)),
            pl.BlockSpec((1, H1), lambda i: (0, 0)),
            pl.BlockSpec((1, H1), lambda i: (0, 0)),
            pl.BlockSpec((1, H1), lambda i: (0, 0)),
            pl.BlockSpec((1, H1), lambda i: (0, 0)),
            pl.BlockSpec((H1, H2P), lambda i: (0, 0)),
            pl.BlockSpec((BLK, 1), lambda i: (i, 0)),
        ],
        out_specs=pl.BlockSpec((2, BLK, H2P // 2), lambda i: (0, i, 0)),
        out_shape=jax.ShapeDtypeStruct((2, N, H2P // 2), jnp.float32),
    )(y, mean, rstd, g1.reshape(1, H1), be1.reshape(1, H1), W2p, dis)


def _tc_z(s2, dis, b2p):
    def body(s2_ref, dis_ref, b_ref, z_ref):
        z_ref[...] = (jnp.concatenate([s2_ref[0], s2_ref[1]], axis=1)
                      * dis_ref[...] + b_ref[...])

    return pl.pallas_call(
        body,
        grid=(GRID,),
        in_specs=[
            pl.BlockSpec((2, BLK, H2P // 2), lambda i: (0, i, 0)),
            pl.BlockSpec((BLK, 1), lambda i: (i, 0)),
            pl.BlockSpec((1, H2P), lambda i: (0, 0)),
        ],
        out_specs=pl.BlockSpec((BLK, H2P), lambda i: (i, 0)),
        out_shape=jax.ShapeDtypeStruct((N, H2P), jnp.float32),
    )(s2, dis, b2p)


def _tc_out(z, mean, rstd, g2p, be2p, Wlp, bl):
    def body(z_ref, m_ref, r_ref, g_ref, be_ref, w_ref, bl_ref, o_ref):
        hh = jnp.maximum(
            g_ref[...] * (z_ref[...] - m_ref[...]) * r_ref[...] + be_ref[...],
            0.0)
        lg = jnp.maximum(
            jnp.dot(hh, w_ref[...], preferred_element_type=jnp.float32)
            + bl_ref[...], 0.0)
        mx = jnp.max(lg, axis=1, keepdims=True)
        lse = jnp.log(jnp.sum(jnp.exp(lg - mx), axis=1, keepdims=True)) + mx
        o_ref[...] = lg - lse

    return pl.pallas_call(
        body,
        grid=(GRID,),
        in_specs=[
            pl.BlockSpec((BLK, H2P), lambda i: (i, 0)),
            pl.BlockSpec((1, H2P), lambda i: (0, 0)),
            pl.BlockSpec((1, H2P), lambda i: (0, 0)),
            pl.BlockSpec((1, H2P), lambda i: (0, 0)),
            pl.BlockSpec((1, H2P), lambda i: (0, 0)),
            pl.BlockSpec((H2P, D_OUT), lambda i: (0, 0)),
            pl.BlockSpec((1, D_OUT), lambda i: (0, 0)),
        ],
        out_specs=pl.BlockSpec((BLK, D_OUT), lambda i: (i, 0)),
        out_shape=jax.ShapeDtypeStruct((N, D_OUT), jnp.float32),
    )(z, mean, rstd, g2p, be2p, Wlp, bl.reshape(1, D_OUT))



def kernel(x, edge_index, edge_weight, W1, b1, g1, be1, W2, b2, g2, be2,
           Wl, bl):
    ei = edge_index.astype(jnp.int32)
    row = ei[0]
    col = ei[1]
    w = edge_weight.astype(jnp.float32)

    rowpc = jnp.concatenate([row, row + N])
    wrep = jnp.broadcast_to(w[:, None], (E, 16))

    degp = _sc_degree(col, wrep, jnp.zeros((N, 16), jnp.float32))
    xs, dis = _tc_prep(x, degp)

    s1 = _sc_scatter(xs.reshape(2 * N, D_IN // 2), rowpc, col, wrep,
                     D_IN // 2)
    y = _tc_mm1(s1.reshape(2, N, D_IN // 2), dis, W1, b1)
    m1, r1 = _tc_stats(y, H1)

    W2p = jnp.pad(W2, ((0, 0), (0, H2P - H2)))
    ts = _tc_mm2(y, m1, r1, g1, be1, W2p, dis)

    s2 = _sc_scatter(ts.reshape(2 * N, H2P // 2), rowpc, col, wrep, H2P // 2)
    b2p = jnp.pad(b2, (0, H2P - H2)).reshape(1, H2P)
    z = _tc_z(s2.reshape(2, N, H2P // 2), dis, b2p)
    m2, r2 = _tc_stats(z, H2P)

    g2p = jnp.pad(g2, (0, H2P - H2)).reshape(1, H2P)
    be2p = jnp.pad(be2, (0, H2P - H2)).reshape(1, H2P)
    Wlp = jnp.pad(Wl, ((0, H2P - H2), (0, 0)))
    return _tc_out(z, m2, r2, g2p, be2p, Wlp, bl)

# --- scband reference (transcript-rebuilt; emitter-appended) ---
"""Pipeline reference for scband-gcn-27462020891063 (READ-ONLY COPY).

The authoritative reference and input builder live on the scoring server;
editing this copy changes nothing except your own understanding.
"""

import jax, jax.numpy as jnp
import numpy as np

N = 10000
E = 320000
D_IN = 128
H1 = 512
H2 = 300
D_OUT = 40
EPS = 1e-5


def gcn_conv(x, edge_index, edge_weight, W, b):
    # PyG GCNConv: linear transform, add self loops (weight 1), symmetric normalization, scatter-add aggregation
    x = x @ W
    loop = jnp.arange(N)
    row = jnp.concatenate([edge_index[0], loop])
    col = jnp.concatenate([edge_index[1], loop])
    ew = jnp.concatenate([edge_weight, jnp.ones((N,), dtype=x.dtype)])
    deg = jax.ops.segment_sum(ew, col, num_segments=N)
    deg_safe = jnp.where(deg > 0, deg, 1.0)
    dis = jnp.where(deg > 0, deg_safe ** -0.5, 0.0)
    norm = dis[row] * ew * dis[col]
    msgs = x[row] * norm[:, None]
    out = jax.ops.segment_sum(msgs, col, num_segments=N)
    return out + b


def batch_norm(x, gamma, beta):
    mean = jnp.mean(x, axis=0)
    var = jnp.var(x, axis=0)
    return gamma * (x - mean) * jax.lax.rsqrt(var + EPS) + beta


def setup_inputs(seed: int = 0) -> dict:
    key = jax.random.key(seed)
    ks = jax.random.split(key, 13)
    x = jax.random.normal(ks[0], (N, D_IN), dtype=jnp.float32)
    edge_index = jax.random.randint(ks[1], (2, E), 0, N, dtype=jnp.int64)
    edge_weight = jax.random.uniform(ks[2], (E,), dtype=jnp.float32)
    W1 = jax.random.normal(ks[3], (D_IN, H1), dtype=jnp.float32) * (1.0 / np.sqrt(D_IN))
    b1 = jnp.zeros((H1,), dtype=jnp.float32)
    g1 = jnp.ones((H1,), dtype=jnp.float32)
    be1 = jnp.zeros((H1,), dtype=jnp.float32)
    W2 = jax.random.normal(ks[4], (H1, H2), dtype=jnp.float32) * (1.0 / np.sqrt(H1))
    b2 = jnp.zeros((H2,), dtype=jnp.float32)
    g2 = jnp.ones((H2,), dtype=jnp.float32)
    be2 = jnp.zeros((H2,), dtype=jnp.float32)
    Wl = jax.random.normal(ks[5], (H2, D_OUT), dtype=jnp.float32) * (1.0 / np.sqrt(H2))
    bl = jnp.zeros((D_OUT,), dtype=jnp.float32)
    return {"x": x, "edge_index": edge_index, "edge_weight": edge_weight,
            "W1": W1, "b1": b1, "g1": g1, "be1": be1,
            "W2": W2, "b2": b2, "g2": g2, "be2": be2,
            "Wl": Wl, "bl": bl}


def reference(x, edge_index, edge_weight, W1, b1, g1, be1, W2, b2, g2, be2, Wl, bl):
    h = gcn_conv(x, edge_index, edge_weight, W1, b1)
    h = jax.nn.relu(batch_norm(h, g1, be1))
    h = gcn_conv(h, edge_index, edge_weight, W2, b2)
    h = jax.nn.relu(batch_norm(h, g2, be2))
    h = jax.nn.relu(h @ Wl + bl)
    return jax.nn.log_softmax(h, axis=1)

if __name__ == "__main__":
    import jax
    _d = setup_inputs()
    print(jax.jit(kernel)(*tuple(_d.values())))

</pallas_src>

<mosaic_0001>
#map = affine_map<(d0, d1) -> (0, 0)>
#map1 = affine_map<(d0, d1) -> (0)>
module attributes {stable_mosaic.version = 14 : i64} {
  func.func @k(%arg0: i32, %arg1: i32, %arg2: memref<20000x160xf32, #tpu.memory_space<hbm>>, %arg3: memref<640000xi32, #tpu.memory_space<hbm>>, %arg4: memref<320000xi32, #tpu.memory_space<hbm>>, %arg5: memref<320000x16xf32, #tpu.memory_space<hbm>>, %arg6: memref<20000x160xf32, #tpu.memory_space<hbm>>, %arg7: memref<80xi32, #tpu.memory_space<vmem>>, %arg8: memref<80xi32, #tpu.memory_space<vmem>>, %arg9: memref<80x16xf32, #tpu.memory_space<vmem>>, %arg10: memref<80x160xf32, #tpu.memory_space<vmem>>, %arg11: memref<80xi32, #tpu.memory_space<vmem>>, %arg12: memref<80xi32, #tpu.memory_space<vmem>>, %arg13: memref<80x16xf32, #tpu.memory_space<vmem>>, %arg14: memref<80x160xf32, #tpu.memory_space<vmem>>, %arg15: memref<10000x160xf32, #tpu.memory_space<vmem_shared>>, %arg16: memref<!tpu.dma_semaphore, #tpu.memory_space<semaphore_mem>>, %arg17: memref<!tpu.dma_semaphore, #tpu.memory_space<semaphore_mem>>, %arg18: memref<!tpu.dma_semaphore, #tpu.memory_space<semaphore_mem>>, %arg19: memref<!tpu.dma_semaphore, #tpu.memory_space<semaphore_mem>>) attributes {dimension_semantics = [#tpu.dimension_semantics<core_parallel>, #tpu.dimension_semantics<subcore_parallel>], iteration_bounds = array<i64: 2, 16>, scalar_prefetch = 0 : i64, scratch_operands = 13 : i64, tpu.core_type = #tpu.core_type<sc_vector_subcore>, window_params = [{transform_indices = #map}, {transform_indices = #map1}, {transform_indices = #map1}, {transform_indices = #map}, {transform_indices = #map}]} {
    %mul3A = arith.constant 640 : i32
    %mul3A_0 = arith.muli %arg1, %mul3A : i32
    %min3A = arith.constant 9360 : i32
    %min3A_1 = arith.minsi %mul3A_0, %min3A : i32
    %mul3A_2 = arith.constant 10000 : i32
    %mul3A_3 = arith.muli %arg0, %mul3A_2 : i32
    %add3A = arith.addi %mul3A_3, %min3A_1 : i32
    "tpu.region"() ({
      %run_scoped3A = tpu.sem_alloc : memref<!tpu.dma_semaphore, #tpu.memory_space<semaphore_mem>>
      %dma_start3A_52 = arith.constant 0 : i32
      %dma_start3A_53 = tpu.memref_slice %arg15[%min3A_1, %dma_start3A_52] : memref<10000x160xf32, #tpu.memory_space<vmem_shared>> -> memref<640x160xf32, #tpu.memory_space<vmem_shared>>
      %dma_start3A_54 = arith.constant 0 : i32
      %dma_start3A_55 = tpu.memref_slice %arg2[%add3A, %dma_start3A_54] : memref<20000x160xf32, #tpu.memory_space<hbm>> -> memref<640x160xf32, #tpu.memory_space<hbm>>
      tpu.enqueue_dma source(%dma_start3A_55 : memref<640x160xf32, #tpu.memory_space<hbm>>) target(%dma_start3A_53 : memref<640x160xf32, #tpu.memory_space<vmem_shared>>) target_semaphore(%run_scoped3A : memref<!tpu.dma_semaphore, #tpu.memory_space<semaphore_mem>>)
      %dma_wait3A_56 = arith.constant 0 : i32
      %dma_wait3A_57 = tpu.memref_slice %arg15[%min3A_1, %dma_wait3A_56] : memref<10000x160xf32, #tpu.memory_space<vmem_shared>> -> memref<640x160xf32, #tpu.memory_space<vmem_shared>>
      %dma_wait3A_58 = arith.constant 0 : i32
      %dma_wait3A_59 = tpu.memref_slice %arg2[%add3A, %dma_wait3A_58] : memref<20000x160xf32, #tpu.memory_space<hbm>> -> memref<640x160xf32, #tpu.memory_space<hbm>>
      tpu.wait_dma2 semaphore(%run_scoped3A : memref<!tpu.dma_semaphore, #tpu.memory_space<semaphore_mem>>) src(%dma_wait3A_59 : memref<640x160xf32, #tpu.memory_space<hbm>>) dst(%dma_wait3A_57 : memref<640x160xf32, #tpu.memory_space<vmem_shared>>)
      tpu.yield
    }) : () -> ()
    %barrier3A = arith.constant 0 : index
    tpu.barrier barrier_id(%barrier3A)
    %mul3A_4 = arith.constant 20000 : i32
    %mul3A_5 = arith.muli %arg1, %mul3A_4 : i32
    %mul3A_6 = arith.constant 320000 : i32
    %mul3A_7 = arith.muli %arg0, %mul3A_6 : i32
    %add3A_8 = arith.constant 0 : i32
    %add3A_9 = arith.addi %mul3A_5, %add3A_8 : i32
    %add3A_10 = arith.addi %mul3A_7, %add3A_9 : i32
    %dma_start3A = tpu.memref_slice %arg3[%add3A_10] : memref<640000xi32, #tpu.memory_space<hbm>> -> memref<80xi32, #tpu.memory_space<hbm>>
    %dma_start3A_11 = tpu.memref_slice %arg3[%add3A_10] : memref<640000xi32, #tpu.memory_space<hbm>> -> memref<80xi32, #tpu.memory_space<hbm>>
    tpu.enqueue_dma source(%dma_start3A_11 : memref<80xi32, #tpu.memory_space<hbm>>) target(%arg7 : memref<80xi32, #tpu.memory_space<vmem>>) target_semaphore(%arg16 : memref<!tpu.dma_semaphore, #tpu.memory_space<semaphore_mem>>)
    %dma_start3A_12 = tpu.memref_slice %arg4[%add3A_9] : memref<320000xi32, #tpu.memory_space<hbm>> -> memref<80xi32, #tpu.memory_space<hbm>>
    %dma_start3A_13 = tpu.memref_slice %arg4[%add3A_9] : memref<320000xi32, #tpu.memory_space<hbm>> -> memref<80xi32, #tpu.memory_space<hbm>>
    tpu.enqueue_dma source(%dma_start3A_13 : memref<80xi32, #tpu.memory_space<hbm>>) target(%arg8 : memref<80xi32, #tpu.memory_space<vmem>>) target_semaphore(%arg16 : memref<!tpu.dma_semaphore, #tpu.memory_space<semaphore_mem>>)
    %dma_start3A_14 = arith.constant 0 : i32
    %dma_start3A_15 = tpu.memref_slice %arg5[%add3A_9, %dma_start3A_14] : memref<320000x16xf32, #tpu.memory_space<hbm>> -> memref<80x16xf32, #tpu.memory_space<hbm>>
    %dma_start3A_16 = arith.constant 0 : i32
    %dma_start3A_17 = tpu.memref_slice %arg5[%add3A_9, %dma_start3A_16] : memref<320000x16xf32, #tpu.memory_space<hbm>> -> memref<80x16xf32, #tpu.memory_space<hbm>>
    tpu.enqueue_dma source(%dma_start3A_17 : memref<80x16xf32, #tpu.memory_space<hbm>>) target(%arg9 : memref<80x16xf32, #tpu.memory_space<vmem>>) target_semaphore(%arg16 : memref<!tpu.dma_semaphore, #tpu.memory_space<semaphore_mem>>)
    %dma_wait3A = arith.constant 0 : i32
    %dma_wait3A_18 = tpu.memref_slice %arg3[%dma_wait3A] : memref<640000xi32, #tpu.memory_space<hbm>> -> memref<80xi32, #tpu.memory_space<hbm>>
    %dma_wait3A_19 = arith.constant 0 : i32
    %dma_wait3A_20 = tpu.memref_slice %arg3[%dma_wait3A_19] : memref<640000xi32, #tpu.memory_space<hbm>> -> memref<80xi32, #tpu.memory_space<hbm>>
    tpu.wait_dma2 semaphore(%arg16 : memref<!tpu.dma_semaphore, #tpu.memory_space<semaphore_mem>>) src(%dma_wait3A_20 : memref<80xi32, #tpu.memory_space<hbm>>) dst(%arg7 : memref<80xi32, #tpu.memory_space<vmem>>)
    %dma_wait3A_21 = arith.constant 0 : i32
    %dma_wait3A_22 = tpu.memref_slice %arg4[%dma_wait3A_21] : memref<320000xi32, #tpu.memory_space<hbm>> -> memref<80xi32, #tpu.memory_space<hbm>>
    %dma_wait3A_23 = arith.constant 0 : i32
    %dma_wait3A_24 = tpu.memref_slice %arg4[%dma_wait3A_23] : memref<320000xi32, #tpu.memory_space<hbm>> -> memref<80xi32, #tpu.memory_space<hbm>>
    tpu.wait_dma2 semaphore(%arg16 : memref<!tpu.dma_semaphore, #tpu.memory_space<semaphore_mem>>) src(%dma_wait3A_24 : memref<80xi32, #tpu.memory_space<hbm>>) dst(%arg8 : memref<80xi32, #tpu.memory_space<vmem>>)
    %dma_wait3A_25 = arith.constant 0 : i32
    %dma_wait3A_26 = arith.constant 0 : i32
    %dma_wait3A_27 = tpu.memref_slice %arg5[%dma_wait3A_25, %dma_wait3A_26] : memref<320000x16xf32, #tpu.memory_space<hbm>> -> memref<80x16xf32, #tpu.memory_space<hbm>>
    %dma_wait3A_28 = arith.constant 0 : i32
    %dma_wait3A_29 = arith.constant 0 : i32
    %dma_wait3A_30 = tpu.memref_slice %arg5[%dma_wait3A_28, %dma_wait3A_29] : memref<320000x16xf32, #tpu.memory_space<hbm>> -> memref<80x16xf32, #tpu.memory_space<hbm>>
    tpu.wait_dma2 semaphore(%arg16 : memref<!tpu.dma_semaphore, #tpu.memory_space<semaphore_mem>>) src(%dma_wait3A_30 : memref<80x16xf32, #tpu.memory_space<hbm>>) dst(%arg9 : memref<80x16xf32, #tpu.memory_space<vmem>>)
    %dma_start3A_31 = arith.constant 0 : i32
    %dma_start3A_32 = arith.constant 0 : i32
    %dma_start3A_33 = tpu.memref_slice %arg2[%dma_start3A_31, %dma_start3A_32] : memref<20000x160xf32, #tpu.memory_space<hbm>> -> memref<20000x160xf32, #tpu.memory_space<hbm>>
    tpu.enqueue_indirect_dma source(%dma_start3A_33 : memref<20000x160xf32, #tpu.memory_space<hbm>>) target(%arg10 : memref<80x160xf32, #tpu.memory_space<vmem>>) offsets(%arg7 : memref<80xi32, #tpu.memory_space<vmem>>) semaphore(%arg18 : memref<!tpu.dma_semaphore, #tpu.memory_space<semaphore_mem>>)
    %add3A_34 = arith.constant 80 : i32
    %add3A_35 = arith.addi %mul3A_5, %add3A_34 : i32
    %add3A_36 = arith.addi %mul3A_7, %add3A_35 : i32
    %dma_start3A_37 = tpu.memref_slice %arg3[%add3A_36] : memref<640000xi32, #tpu.memory_space<hbm>> -> memref<80xi32, #tpu.memory_space<hbm>>
    %dma_start3A_38 = tpu.memref_slice %arg3[%add3A_36] : memref<640000xi32, #tpu.memory_space<hbm>> -> memref<80xi32, #tpu.memory_space<hbm>>
    tpu.enqueue_dma source(%dma_start3A_38 : memref<80xi32, #tpu.memory_space<hbm>>) target(%arg11 : memref<80xi32, #tpu.memory_space<vmem>>) target_semaphore(%arg17 : memref<!tpu.dma_semaphore, #tpu.memory_space<semaphore_mem>>)
    %dma_start3A_39 = tpu.memref_slice %arg4[%add3A_35] : memref<320000xi32, #tpu.memory_space<hbm>> -> memref<80xi32, #tpu.memory_space<hbm>>
    %dma_start3A_40 = tpu.memref_slice %arg4[%add3A_35] : memref<320000xi32, #tpu.memory_space<hbm>> -> memref<80xi32, #tpu.memory_space<hbm>>
    tpu.enqueue_dma source(%dma_start3A_40 : memref<80xi32, #tpu.memory_space<hbm>>) target(%arg12 : memref<80xi32, #tpu.memory_space<vmem>>) target_semaphore(%arg17 : memref<!tpu.dma_semaphore, #tpu.memory_space<semaphore_mem>>)
    %dma_start3A_41 = arith.constant 0 : i32
    %dma_start3A_42 = tpu.memref_slice %arg5[%add3A_35, %dma_start3A_41] : memref<320000x16xf32, #tpu.memory_space<hbm>> -> memref<80x16xf32, #tpu.memory_space<hbm>>
    %dma_start3A_43 = arith.constant 0 : i32
    %dma_start3A_44 = tpu.memref_slice %arg5[%add3A_35, %dma_start3A_43] : memref<320000x16xf32, #tpu.memory_space<hbm>> -> memref<80x16xf32, #tpu.memory_space<hbm>>
    tpu.enqueue_dma source(%dma_start3A_44 : memref<80x16xf32, #tpu.memory_space<hbm>>) target(%arg13 : memref<80x16xf32, #tpu.memory_space<vmem>>) target_semaphore(%arg17 : memref<!tpu.dma_semaphore, #tpu.memory_space<semaphore_mem>>)
    %scan3A = arith.constant 0 : i32
    %scan3A_45 = arith.constant 0 : i32
    %scan3A_46 = arith.constant 125 : i32
    %scan3A_47 = arith.addi %scan3A_45, %scan3A_46 : i32
    %scan3A_48 = arith.constant 1 : i32
    scf.for %scan3A_52 = %scan3A_45 to %scan3A_47 step %scan3A_48  : i32 {
      %mul3A_53 = arith.constant 2 : i32
      %mul3A_54 = arith.muli %mul3A_53, %scan3A_52 : i32
      %dma_wait3A_55 = arith.constant 0 : i32
      %dma_wait3A_56 = tpu.memref_slice %arg3[%dma_wait3A_55] : memref<640000xi32, #tpu.memory_space<hbm>> -> memref<80xi32, #tpu.memory_space<hbm>>
      %dma_wait3A_57 = arith.constant 0 : i32
      %dma_wait3A_58 = tpu.memref_slice %arg3[%dma_wait3A_57] : memref<640000xi32, #tpu.memory_space<hbm>> -> memref<80xi32, #tpu.memory_space<hbm>>
      tpu.wait_dma2 semaphore(%arg17 : memref<!tpu.dma_semaphore, #tpu.memory_space<semaphore_mem>>) src(%dma_wait3A_58 : memref<80xi32, #tpu.memory_space<hbm>>) dst(%arg11 : memref<80xi32, #tpu.memory_space<vmem>>)
      %dma_wait3A_59 = arith.constant 0 : i32
      %dma_wait3A_60 = tpu.memref_slice %arg4[%dma_wait3A_59] : memref<320000xi32, #tpu.memory_space<hbm>> -> memref<80xi32, #tpu.memory_space<hbm>>
      %dma_wait3A_61 = arith.constant 0 : i32
      %dma_wait3A_62 = tpu.memref_slice %arg4[%dma_wait3A_61] : memref<320000xi32, #tpu.memory_space<hbm>> -> memref<80xi32, #tpu.memory_space<hbm>>
      tpu.wait_dma2 semaphore(%arg17 : memref<!tpu.dma_semaphore, #tpu.memory_space<semaphore_mem>>) src(%dma_wait3A_62 : memref<80xi32, #tpu.memory_space<hbm>>) dst(%arg12 : memref<80xi32, #tpu.memory_space<vmem>>)
      %dma_wait3A_63 = arith.constant 0 : i32
      %dma_wait3A_64 = arith.constant 0 : i32
      %dma_wait3A_65 = tpu.memref_slice %arg5[%dma_wait3A_63, %dma_wait3A_64] : memref<320000x16xf32, #tpu.memory_space<hbm>> -> memref<80x16xf32, #tpu.memory_space<hbm>>
      %dma_wait3A_66 = arith.constant 0 : i32
      %dma_wait3A_67 = arith.constant 0 : i32
      %dma_wait3A_68 = tpu.memref_slice %arg5[%dma_wait3A_66, %dma_wait3A_67] : memref<320000x16xf32, #tpu.memory_space<hbm>> -> memref<80x16xf32, #tpu.memory_space<hbm>>
      tpu.wait_dma2 semaphore(%arg17 : memref<!tpu.dma_semaphore, #tpu.memory_space<semaphore_mem>>) src(%dma_wait3A_68 : memref<80x16xf32, #tpu.memory_space<hbm>>) dst(%arg13 : memref<80x16xf32, #tpu.memory_space<vmem>>)
      %dma_start3A_69 = arith.constant 0 : i32
      %dma_start3A_70 = arith.constant 0 : i32
      %dma_start3A_71 = tpu.memref_slice %arg2[%dma_start3A_69, %dma_start3A_70] : memref<20000x160xf32, #tpu.memory_space<hbm>> -> memref<20000x160xf32, #tpu.memory_space<hbm>>
      tpu.enqueue_indirect_dma source(%dma_start3A_71 : memref<20000x160xf32, #tpu.memory_space<hbm>>) target(%arg14 : memref<80x160xf32, #tpu.memory_space<vmem>>) offsets(%arg11 : memref<80xi32, #tpu.memory_space<vmem>>) semaphore(%arg19 : memref<!tpu.dma_semaphore, #tpu.memory_space<semaphore_mem>>)
      %dma_wait3A_72 = arith.constant 0 : i32
      %dma_wait3A_73 = arith.constant 0 : i32
      %dma_wait3A_74 = tpu.memref_slice %arg2[%dma_wait3A_72, %dma_wait3A_73] : memref<20000x160xf32, #tpu.memory_space<hbm>> -> memref<20000x160xf32, #tpu.memory_space<hbm>>
      tpu.wait_indirect_dma semaphore(%arg18 : memref<!tpu.dma_semaphore, #tpu.memory_space<semaphore_mem>>) src(%dma_wait3A_74 : memref<20000x160xf32, #tpu.memory_space<hbm>>) dst(%arg10 : memref<80x160xf32, #tpu.memory_space<vmem>>)
      %scan3A_75 = arith.constant 0 : i32
      %scan3A_76 = arith.constant 0 : i32
      %scan3A_77 = arith.constant 80 : i32
      %scan3A_78 = arith.addi %scan3A_76, %scan3A_77 : i32
      %scan3A_79 = arith.constant 1 : i32
      scf.for %scan3A_101 = %scan3A_76 to %scan3A_78 step %scan3A_79  : i32 {
        %get3A = arith.index_cast %scan3A_101 : i32 to index
        %get3A_102 = arith.constant 0 : index
        %get3A_103 = tpu.vector_load %arg9[%get3A, %get3A_102] {strides = array<i32>} : memref<80x16xf32, #tpu.memory_space<vmem>>, vector<1x16xf32>,
        %get3A_104 = vector.shape_cast %get3A_103 : vector<1x16xf32> to vector<16xf32>
        %get3A_105 = arith.index_cast %scan3A_101 : i32 to index
        %get3A_106 = arith.constant 0 : index
        %get3A_107 = tpu.vector_load %arg10[%get3A_105, %get3A_106] {strides = array<i32>} : memref<80x160xf32, #tpu.memory_space<vmem>>, vector<1x16xf32>,
        %get3A_108 = vector.shape_cast %get3A_107 : vector<1x16xf32> to vector<16xf32>
        %mul3A_109 = arith.mulf %get3A_108, %get3A_104 : vector<16xf32>
        %swap3A = arith.index_cast %scan3A_101 : i32 to index
        %swap3A_110 = arith.constant 0 : index
        %swap3A_111 = tpu.vector_load %arg10[%swap3A, %swap3A_110] {strides = array<i32>} : memref<80x160xf32, #tpu.memory_space<vmem>>, vector<1x16xf32>,
        %swap3A_112 = vector.shape_cast %swap3A_111 : vector<1x16xf32> to vector<16xf32>
        %swap3A_113 = vector.shape_cast %mul3A_109 : vector<16xf32> to vector<1x16xf32>
        tpu.vector_store %arg10[%swap3A, %swap3A_110], %swap3A_113 {strides = array<i32>} : memref<80x160xf32, #tpu.memory_space<vmem>>, vector<1x16xf32>,
        %get3A_114 = arith.index_cast %scan3A_101 : i32 to index
        %get3A_115 = arith.constant 16 : index
        %get3A_116 = tpu.vector_load %arg10[%get3A_114, %get3A_115] {strides = array<i32>} : memref<80x160xf32, #tpu.memory_space<vmem>>, vector<1x16xf32>,
        %get3A_117 = vector.shape_cast %get3A_116 : vector<1x16xf32> to vector<16xf32>
        %mul3A_118 = arith.mulf %get3A_117, %get3A_104 : vector<16xf32>
        %swap3A_119 = arith.index_cast %scan3A_101 : i32 to index
        %swap3A_120 = arith.constant 16 : index
        %swap3A_121 = tpu.vector_load %arg10[%swap3A_119, %swap3A_120] {strides = array<i32>} : memref<80x160xf32, #tpu.memory_space<vmem>>, vector<1x16xf32>,
        %swap3A_122 = vector.shape_cast %swap3A_121 : vector<1x16xf32> to vector<16xf32>
        %swap3A_123 = vector.shape_cast %mul3A_118 : vector<16xf32> to vector<1x16xf32>
        tpu.vector_store %arg10[%swap3A_119, %swap3A_120], %swap3A_123 {strides = array<i32>} : memref<80x160xf32, #tpu.memory_space<vmem>>, vector<1x16xf32>,
        %get3A_124 = arith.index_cast %scan3A_101 : i32 to index
        %get3A_125 = arith.constant 32 : index
        %get3A_126 = tpu.vector_load %arg10[%get3A_124, %get3A_125] {strides = array<i32>} : memref<80x160xf32, #tpu.memory_space<vmem>>, vector<1x16xf32>,
        %get3A_127 = vector.shape_cast %get3A_126 : vector<1x16xf32> to vector<16xf32>
        %mul3A_128 = arith.mulf %get3A_127, %get3A_104 : vector<16xf32>
        %swap3A_129 = arith.index_cast %scan3A_101 : i32 to index
        %swap3A_130 = arith.constant 32 : index
        %swap3A_131 = tpu.vector_load %arg10[%swap3A_129, %swap3A_130] {strides = array<i32>} : memref<80x160xf32, #tpu.memory_space<vmem>>, vector<1x16xf32>,
        %swap3A_132 = vector.shape_cast %swap3A_131 : vector<1x16xf32> to vector<16xf32>
        %swap3A_133 = vector.shape_cast %mul3A_128 : vector<16xf32> to vector<1x16xf32>
        tpu.vector_store %arg10[%swap3A_129, %swap3A_130], %swap3A_133 {strides = array<i32>} : memref<80x160xf32, #tpu.memory_space<vmem>>, vector<1x16xf32>,
        %get3A_134 = arith.index_cast %scan3A_101 : i32 to index
        %get3A_135 = arith.constant 48 : index
        %get3A_136 = tpu.vector_load %arg10[%get3A_134, %get3A_135] {strides = array<i32>} : memref<80x160xf32, #tpu.memory_space<vmem>>, vector<1x16xf32>,
        %get3A_137 = vector.shape_cast %get3A_136 : vector<1x16xf32> to vector<16xf32>
        %mul3A_138 = arith.mulf %get3A_137, %get3A_104 : vector<16xf32>
        %swap3A_139 = arith.index_cast %scan3A_101 : i32 to index
        %swap3A_140 = arith.constant 48 : index
        %swap3A_141 = tpu.vector_load %arg10[%swap3A_139, %swap3A_140] {strides = array<i32>} : memref<80x160xf32, #tpu.memory_space<vmem>>, vector<1x16xf32>,
        %swap3A_142 = vector.shape_cast %swap3A_141 : vector<1x16xf32> to vector<16xf32>
        %swap3A_143 = vector.shape_cast %mul3A_138 : vector<16xf32> to vector<1x16xf32>
        tpu.vector_store %arg10[%swap3A_139, %swap3A_140], %swap3A_143 {strides = array<i32>} : memref<80x160xf32, #tpu.memory_space<vmem>>, vector<1x16xf32>,
        %get3A_144 = arith.index_cast %scan3A_101 : i32 to index
        %get3A_145 = arith.constant 64 : index
        %get3A_146 = tpu.vector_load %arg10[%get3A_144, %get3A_145] {strides = array<i32>} : memref<80x160xf32, #tpu.memory_space<vmem>>, vector<1x16xf32>,
        %get3A_147 = vector.shape_cast %get3A_146 : vector<1x16xf32> to vector<16xf32>
        %mul3A_148 = arith.mulf %get3A_147, %get3A_104 : vector<16xf32>
        %swap3A_149 = arith.index_cast %scan3A_101 : i32 to index
        %swap3A_150 = arith.constant 64 : index
        %swap3A_151 = tpu.vector_load %arg10[%swap3A_149, %swap3A_150] {strides = array<i32>} : memref<80x160xf32, #tpu.memory_space<vmem>>, vector<1x16xf32>,
        %swap3A_152 = vector.shape_cast %swap3A_151 : vector<1x16xf32> to vector<16xf32>
        %swap3A_153 = vector.shape_cast %mul3A_148 : vector<16xf32> to vector<1x16xf32>
        tpu.vector_store %arg10[%swap3A_149, %swap3A_150], %swap3A_153 {strides = array<i32>} : memref<80x160xf32, #tpu.memory_space<vmem>>, vector<1x16xf32>,
        %get3A_154 = arith.index_cast %scan3A_101 : i32 to index
        %get3A_155 = arith.constant 80 : index
        %get3A_156 = tpu.vector_load %arg10[%get3A_154, %get3A_155] {strides = array<i32>} : memref<80x160xf32, #tpu.memory_space<vmem>>, vector<1x16xf32>,
        %get3A_157 = vector.shape_cast %get3A_156 : vector<1x16xf32> to vector<16xf32>
        %mul3A_158 = arith.mulf %get3A_157, %get3A_104 : vector<16xf32>
        %swap3A_159 = arith.index_cast %scan3A_101 : i32 to index
        %swap3A_160 = arith.constant 80 : index
        %swap3A_161 = tpu.vector_load %arg10[%swap3A_159, %swap3A_160] {strides = array<i32>} : memref<80x160xf32, #tpu.memory_space<vmem>>, vector<1x16xf32>,
        %swap3A_162 = vector.shape_cast %swap3A_161 : vector<1x16xf32> to vector<16xf32>
        %swap3A_163 = vector.shape_cast %mul3A_158 : vector<16xf32> to vector<1x16xf32>
        tpu.vector_store %arg10[%swap3A_159, %swap3A_160], %swap3A_163 {strides = array<i32>} : memref<80x160xf32, #tpu.memory_space<vmem>>, vector<1x16xf32>,
        %get3A_164 = arith.index_cast %scan3A_101 : i32 to index
        %get3A_165 = arith.constant 96 : index
        %get3A_166 = tpu.vector_load %arg10[%get3A_164, %get3A_165] {strides = array<i32>} : memref<80x160xf32, #tpu.memory_space<vmem>>, vector<1x16xf32>,
        %get3A_167 = vector.shape_cast %get3A_166 : vector<1x16xf32> to vector<16xf32>
        %mul3A_168 = arith.mulf %get3A_167, %get3A_104 : vector<16xf32>
        %swap3A_169 = arith.index_cast %scan3A_101 : i32 to index
        %swap3A_170 = arith.constant 96 : index
        %swap3A_171 = tpu.vector_load %arg10[%swap3A_169, %swap3A_170] {strides = array<i32>} : memref<80x160xf32, #tpu.memory_space<vmem>>, vector<1x16xf32>,
        %swap3A_172 = vector.shape_cast %swap3A_171 : vector<1x16xf32> to vector<16xf32>
        %swap3A_173 = vector.shape_cast %mul3A_168 : vector<16xf32> to vector<1x16xf32>
        tpu.vector_store %arg10[%swap3A_169, %swap3A_170], %swap3A_173 {strides = array<i32>} : memref<80x160xf32, #tpu.memory_space<vmem>>, vector<1x16xf32>,
        %get3A_174 = arith.index_cast %scan3A_101 : i32 to index
        %get3A_175 = arith.constant 112 : index
        %get3A_176 = tpu.vector_load %arg10[%get3A_174, %get3A_175] {strides = array<i32>} : memref<80x160xf32, #tpu.memory_space<vmem>>, vector<1x16xf32>,
        %get3A_177 = vector.shape_cast %get3A_176 : vector<1x16xf32> to vector<16xf32>
        %mul3A_178 = arith.mulf %get3A_177, %get3A_104 : vector<16xf32>
        %swap3A_179 = arith.index_cast %scan3A_101 : i32 to index
        %swap3A_180 = arith.constant 112 : index
        %swap3A_181 = tpu.vector_load %arg10[%swap3A_179, %swap3A_180] {strides = array<i32>} : memref<80x160xf32, #tpu.memory_space<vmem>>, vector<1x16xf32>,
        %swap3A_182 = vector.shape_cast %swap3A_181 : vector<1x16xf32> to vector<16xf32>
        %swap3A_183 = vector.shape_cast %mul3A_178 : vector<16xf32> to vector<1x16xf32>
        tpu.vector_store %arg10[%swap3A_179, %swap3A_180], %swap3A_183 {strides = array<i32>} : memref<80x160xf32, #tpu.memory_space<vmem>>, vector<1x16xf32>,
        %get3A_184 = arith.index_cast %scan3A_101 : i32 to index
        %get3A_185 = arith.constant 128 : index
        %get3A_186 = tpu.vector_load %arg10[%get3A_184, %get3A_185] {strides = array<i32>} : memref<80x160xf32, #tpu.memory_space<vmem>>, vector<1x16xf32>,
        %get3A_187 = vector.shape_cast %get3A_186 : vector<1x16xf32> to vector<16xf32>
        %mul3A_188 = arith.mulf %get3A_187, %get3A_104 : vector<16xf32>
        %swap3A_189 = arith.index_cast %scan3A_101 : i32 to index
        %swap3A_190 = arith.constant 128 : index
        %swap3A_191 = tpu.vector_load %arg10[%swap3A_189, %swap3A_190] {strides = array<i32>} : memref<80x160xf32, #tpu.memory_space<vmem>>, vector<1x16xf32>,
        %swap3A_192 = vector.shape_cast %swap3A_191 : vector<1x16xf32> to vector<16xf32>
        %swap3A_193 = vector.shape_cast %mul3A_188 : vector<16xf32> to vector<1x16xf32>
        tpu.vector_store %arg10[%swap3A_189, %swap3A_190], %swap3A_193 {strides = array<i32>} : memref<80x160xf32, #tpu.memory_space<vmem>>, vector<1x16xf32>,
        %get3A_194 = arith.index_cast %scan3A_101 : i32 to index
        %get3A_195 = arith.constant 144 : index
        %get3A_196 = tpu.vector_load %arg10[%get3A_194, %get3A_195] {strides = array<i32>} : memref<80x160xf32, #tpu.memory_space<vmem>>, vector<1x16xf32>,
        %get3A_197 = vector.shape_cast %get3A_196 : vector<1x16xf32> to vector<16xf32>
        %mul3A_198 = arith.mulf %get3A_197, %get3A_104 : vector<16xf32>
        %swap3A_199 = arith.index_cast %scan3A_101 : i32 to index
        %swap3A_200 = arith.constant 144 : index
        %swap3A_201 = tpu.vector_load %arg10[%swap3A_199, %swap3A_200] {strides = array<i32>} : memref<80x160xf32, #tpu.memory_space<vmem>>, vector<1x16xf32>,
        %swap3A_202 = vector.shape_cast %swap3A_201 : vector<1x16xf32> to vector<16xf32>
        %swap3A_203 = vector.shape_cast %mul3A_198 : vector<16xf32> to vector<1x16xf32>
        tpu.vector_store %arg10[%swap3A_199, %swap3A_200], %swap3A_203 {strides = array<i32>} : memref<80x160xf32, #tpu.memory_space<vmem>>, vector<1x16xf32>,
      }
      %scan3A_80 = arith.constant 80 : i32
      "tpu.region"() ({
        %run_scoped3A = tpu.sem_alloc : memref<!tpu.dma_semaphore, #tpu.memory_space<semaphore_mem>>
        %dma_start3A_101 = arith.constant 0 : i32
        %dma_start3A_102 = arith.constant 0 : i32
        %dma_start3A_103 = tpu.memref_slice %arg15[%dma_start3A_101, %dma_start3A_102] : memref<10000x160xf32, #tpu.memory_space<vmem_shared>> -> memref<10000x160xf32, #tpu.memory_space<vmem_shared>>
        tpu.enqueue_indirect_dma source(%arg10 : memref<80x160xf32, #tpu.memory_space<vmem>>) target(%dma_start3A_103 : memref<10000x160xf32, #tpu.memory_space<vmem_shared>>) offsets(%arg8 : memref<80xi32, #tpu.memory_space<vmem>>) semaphore(%run_scoped3A : memref<!tpu.dma_semaphore, #tpu.memory_space<semaphore_mem>>) {add = true}
        %dma_wait3A_104 = arith.constant 0 : i32
        %dma_wait3A_105 = arith.constant 0 : i32
        %dma_wait3A_106 = tpu.memref_slice %arg15[%dma_wait3A_104, %dma_wait3A_105] : memref<10000x160xf32, #tpu.memory_space<vmem_shared>> -> memref<10000x160xf32, #tpu.memory_space<vmem_shared>>
        tpu.wait_indirect_dma semaphore(%run_scoped3A : memref<!tpu.dma_semaphore, #tpu.memory_space<semaphore_mem>>) src(%arg10 : memref<80x160xf32, #tpu.memory_space<vmem>>) dst(%dma_wait3A_106 : memref<10000x160xf32, #tpu.memory_space<vmem_shared>>)
        tpu.yield
      }) : () -> ()
      %add3A_81 = arith.constant 2 : i32
      %add3A_82 = arith.addi %mul3A_54, %add3A_81 : i32
      %lt3A = arith.constant 250 : i32
      %lt3A_83 = arith.cmpi slt, %add3A_82, %lt3A : i32
      %convert_element_type3A = arith.extui %lt3A_83 : i1 to i32
      %cond3A = arith.constant 0 : i32
      %cond3A_84 = arith.cmpi ne, %convert_element_type3A, %cond3A : i32
      scf.if %cond3A_84 {
        %add3A_101 = arith.constant 2 : i32
        %add3A_102 = arith.addi %mul3A_54, %add3A_101 : i32
        %mul3A_103 = arith.constant 80 : i32
        %mul3A_104 = arith.muli %add3A_102, %mul3A_103 : i32
        %add3A_105 = arith.addi %mul3A_5, %mul3A_104 : i32
        %add3A_106 = arith.addi %mul3A_7, %add3A_105 : i32
        %dma_start3A_107 = tpu.memref_slice %arg3[%add3A_106] : memref<640000xi32, #tpu.memory_space<hbm>> -> memref<80xi32, #tpu.memory_space<hbm>>
        %dma_start3A_108 = tpu.memref_slice %arg3[%add3A_106] : memref<640000xi32, #tpu.memory_space<hbm>> -> memref<80xi32, #tpu.memory_space<hbm>>
        tpu.enqueue_dma source(%dma_start3A_108 : memref<80xi32, #tpu.memory_space<hbm>>) target(%arg7 : memref<80xi32, #tpu.memory_space<vmem>>) target_semaphore(%arg16 : memref<!tpu.dma_semaphore, #tpu.memory_space<semaphore_mem>>)
        %dma_start3A_109 = tpu.memref_slice %arg4[%add3A_105] : memref<320000xi32, #tpu.memory_space<hbm>> -> memref<80xi32, #tpu.memory_space<hbm>>
        %dma_start3A_110 = tpu.memref_slice %arg4[%add3A_105] : memref<320000xi32, #tpu.memory_space<hbm>> -> memref<80xi32, #tpu.memory_space<hbm>>
        tpu.enqueue_dma source(%dma_start3A_110 : memref<80xi32, #tpu.memory_space<hbm>>) target(%arg8 : memref<80xi32, #tpu.memory_space<vmem>>) target_semaphore(%arg16 : memref<!tpu.dma_semaphore, #tpu.memory_space<semaphore_mem>>)
        %dma_start3A_111 = arith.constant 0 : i32
        %dma_start3A_112 = tpu.memref_slice %arg5[%add3A_105, %dma_start3A_111] : memref<320000x16xf32, #tpu.memory_space<hbm>> -> memref<80x16xf32, #tpu.memory_space<hbm>>
        %dma_start3A_113 = arith.constant 0 : i32
        %dma_start3A_114 = tpu.memref_slice %arg5[%add3A_105, %dma_start3A_113] : memref<320000x16xf32, #tpu.memory_space<hbm>> -> memref<80x16xf32, #tpu.memory_space<hbm>>
        tpu.enqueue_dma source(%dma_start3A_114 : memref<80x16xf32, #tpu.memory_space<hbm>>) target(%arg9 : memref<80x16xf32, #tpu.memory_space<vmem>>) target_semaphore(%arg16 : memref<!tpu.dma_semaphore, #tpu.memory_space<semaphore_mem>>)
        %dma_wait3A_115 = arith.constant 0 : i32
        %dma_wait3A_116 = tpu.memref_slice %arg3[%dma_wait3A_115] : memref<640000xi32, #tpu.memory_space<hbm>> -> memref<80xi32, #tpu.memory_space<hbm>>
        %dma_wait3A_117 = arith.constant 0 : i32
        %dma_wait3A_118 = tpu.memref_slice %arg3[%dma_wait3A_117] : memref<640000xi32, #tpu.memory_space<hbm>> -> memref<80xi32, #tpu.memory_space<hbm>>
        tpu.wait_dma2 semaphore(%arg16 : memref<!tpu.dma_semaphore, #tpu.memory_space<semaphore_mem>>) src(%dma_wait3A_118 : memref<80xi32, #tpu.memory_space<hbm>>) dst(%arg7 : memref<80xi32, #tpu.memory_space<vmem>>)
        %dma_wait3A_119 = arith.constant 0 : i32
        %dma_wait3A_120 = tpu.memref_slice %arg4[%dma_wait3A_119] : memref<320000xi32, #tpu.memory_space<hbm>> -> memref<80xi32, #tpu.memory_space<hbm>>
        %dma_wait3A_121 = arith.constant 0 : i32
        %dma_wait3A_122 = tpu.memref_slice %arg4[%dma_wait3A_121] : memref<320000xi32, #tpu.memory_space<hbm>> -> memref<80xi32, #tpu.memory_space<hbm>>
        tpu.wait_dma2 semaphore(%arg16 : memref<!tpu.dma_semaphore, #tpu.memory_space<semaphore_mem>>) src(%dma_wait3A_122 : memref<80xi32, #tpu.memory_space<hbm>>) dst(%arg8 : memref<80xi32, #tpu.memory_space<vmem>>)
        %dma_wait3A_123 = arith.constant 0 : i32
        %dma_wait3A_124 = arith.constant 0 : i32
        %dma_wait3A_125 = tpu.memref_slice %arg5[%dma_wait3A_123, %dma_wait3A_124] : memref<320000x16xf32, #tpu.memory_space<hbm>> -> memref<80x16xf32, #tpu.memory_space<hbm>>
        %dma_wait3A_126 = arith.constant 0 : i32
        %dma_wait3A_127 = arith.constant 0 : i32
        %dma_wait3A_128 = tpu.memref_slice %arg5[%dma_wait3A_126, %dma_wait3A_127] : memref<320000x16xf32, #tpu.memory_space<hbm>> -> memref<80x16xf32, #tpu.memory_space<hbm>>
        tpu.wait_dma2 semaphore(%arg16 : memref<!tpu.dma_semaphore, #tpu.memory_space<semaphore_mem>>) src(%dma_wait3A_128 : memref<80x16xf32, #tpu.memory_space<hbm>>) dst(%arg9 : memref<80x16xf32, #tpu.memory_space<vmem>>)
        %dma_start3A_129 = arith.constant 0 : i32
        %dma_start3A_130 = arith.constant 0 : i32
        %dma_start3A_131 = tpu.memref_slice %arg2[%dma_start3A_129, %dma_start3A_130] : memref<20000x160xf32, #tpu.memory_space<hbm>> -> memref<20000x160xf32, #tpu.memory_space<hbm>>
        tpu.enqueue_indirect_dma source(%dma_start3A_131 : memref<20000x160xf32, #tpu.memory_space<hbm>>) target(%arg10 : memref<80x160xf32, #tpu.memory_space<vmem>>) offsets(%arg7 : memref<80xi32, #tpu.memory_space<vmem>>) semaphore(%arg18 : memref<!tpu.dma_semaphore, #tpu.memory_space<semaphore_mem>>)
      } else {
      }
      %dma_wait3A_85 = arith.constant 0 : i32
      %dma_wait3A_86 = arith.constant 0 : i32
      %dma_wait3A_87 = tpu.memref_slice %arg2[%dma_wait3A_85, %dma_wait3A_86] : memref<20000x160xf32, #tpu.memory_space<hbm>> -> memref<20000x160xf32, #tpu.memory_space<hbm>>
      tpu.wait_indirect_dma semaphore(%arg19 : memref<!tpu.dma_semaphore, #tpu.memory_space<semaphore_mem>>) src(%dma_wait3A_87 : memref<20000x160xf32, #tpu.memory_space<hbm>>) dst(%arg14 : memref<80x160xf32, #tpu.memory_space<vmem>>)
      %scan3A_88 = arith.constant 0 : i32
      %scan3A_89 = arith.constant 0 : i32
      %scan3A_90 = arith.constant 80 : i32
      %scan3A_91 = arith.addi %scan3A_89, %scan3A_90 : i32
      %scan3A_92 = arith.constant 1 : i32
      scf.for %scan3A_101 = %scan3A_89 to %scan3A_91 step %scan3A_92  : i32 {
        %get3A = arith.index_cast %scan3A_101 : i32 to index
        %get3A_102 = arith.constant 0 : index
        %get3A_103 = tpu.vector_load %arg13[%get3A, %get3A_102] {strides = array<i32>} : memref<80x16xf32, #tpu.memory_space<vmem>>, vector<1x16xf32>,
        %get3A_104 = vector.shape_cast %get3A_103 : vector<1x16xf32> to vector<16xf32>
        %get3A_105 = arith.index_cast %scan3A_101 : i32 to index
        %get3A_106 = arith.constant 0 : index
        %get3A_107 = tpu.vector_load %arg14[%get3A_105, %get3A_106] {strides = array<i32>} : memref<80x160xf32, #tpu.memory_space<vmem>>, vector<1x16xf32>,
        %get3A_108 = vector.shape_cast %get3A_107 : vector<1x16xf32> to vector<16xf32>
        %mul3A_109 = arith.mulf %get3A_108, %get3A_104 : vector<16xf32>
        %swap3A = arith.index_cast %scan3A_101 : i32 to index
        %swap3A_110 = arith.constant 0 : index
        %swap3A_111 = tpu.vector_load %arg14[%swap3A, %swap3A_110] {strides = array<i32>} : memref<80x160xf32, #tpu.memory_space<vmem>>, vector<1x16xf32>,
        %swap3A_112 = vector.shape_cast %swap3A_111 : vector<1x16xf32> to vector<16xf32>
        %swap3A_113 = vector.shape_cast %mul3A_109 : vector<16xf32> to vector<1x16xf32>
        tpu.vector_store %arg14[%swap3A, %swap3A_110], %swap3A_113 {strides = array<i32>} : memref<80x160xf32, #tpu.memory_space<vmem>>, vector<1x16xf32>,
        %get3A_114 = arith.index_cast %scan3A_101 : i32 to index
        %get3A_115 = arith.constant 16 : index
        %get3A_116 = tpu.vector_load %arg14[%get3A_114, %get3A_115] {strides = array<i32>} : memref<80x160xf32, #tpu.memory_space<vmem>>, vector<1x16xf32>,
        %get3A_117 = vector.shape_cast %get3A_116 : vector<1x16xf32> to vector<16xf32>
        %mul3A_118 = arith.mulf %get3A_117, %get3A_104 : vector<16xf32>
        %swap3A_119 = arith.index_cast %scan3A_101 : i32 to index
        %swap3A_120 = arith.constant 16 : index
        %swap3A_121 = tpu.vector_load %arg14[%swap3A_119, %swap3A_120] {strides = array<i32>} : memref<80x160xf32, #tpu.memory_space<vmem>>, vector<1x16xf32>,
        %swap3A_122 = vector.shape_cast %swap3A_121 : vector<1x16xf32> to vector<16xf32>
        %swap3A_123 = vector.shape_cast %mul3A_118 : vector<16xf32> to vector<1x16xf32>
        tpu.vector_store %arg14[%swap3A_119, %swap3A_120], %swap3A_123 {strides = array<i32>} : memref<80x160xf32, #tpu.memory_space<vmem>>, vector<1x16xf32>,
        %get3A_124 = arith.index_cast %scan3A_101 : i32 to index
        %get3A_125 = arith.constant 32 : index
        %get3A_126 = tpu.vector_load %arg14[%get3A_124, %get3A_125] {strides = array<i32>} : memref<80x160xf32, #tpu.memory_space<vmem>>, vector<1x16xf32>,
        %get3A_127 = vector.shape_cast %get3A_126 : vector<1x16xf32> to vector<16xf32>
        %mul3A_128 = arith.mulf %get3A_127, %get3A_104 : vector<16xf32>
        %swap3A_129 = arith.index_cast %scan3A_101 : i32 to index
        %swap3A_130 = arith.constant 32 : index
        %swap3A_131 = tpu.vector_load %arg14[%swap3A_129, %swap3A_130] {strides = array<i32>} : memref<80x160xf32, #tpu.memory_space<vmem>>, vector<1x16xf32>,
        %swap3A_132 = vector.shape_cast %swap3A_131 : vector<1x16xf32> to vector<16xf32>
        %swap3A_133 = vector.shape_cast %mul3A_128 : vector<16xf32> to vector<1x16xf32>
        tpu.vector_store %arg14[%swap3A_129, %swap3A_130], %swap3A_133 {strides = array<i32>} : memref<80x160xf32, #tpu.memory_space<vmem>>, vector<1x16xf32>,
        %get3A_134 = arith.index_cast %scan3A_101 : i32 to index
        %get3A_135 = arith.constant 48 : index
        %get3A_136 = tpu.vector_load %arg14[%get3A_134, %get3A_135] {strides = array<i32>} : memref<80x160xf32, #tpu.memory_space<vmem>>, vector<1x16xf32>,
        %get3A_137 = vector.shape_cast %get3A_136 : vector<1x16xf32> to vector<16xf32>
        %mul3A_138 = arith.mulf %get3A_137, %get3A_104 : vector<16xf32>
        %swap3A_139 = arith.index_cast %scan3A_101 : i32 to index
        %swap3A_140 = arith.constant 48 : index
        %swap3A_141 = tpu.vector_load %arg14[%swap3A_139, %swap3A_140] {strides = array<i32>} : memref<80x160xf32, #tpu.memory_space<vmem>>, vector<1x16xf32>,
        %swap3A_142 = vector.shape_cast %swap3A_141 : vector<1x16xf32> to vector<16xf32>
        %swap3A_143 = vector.shape_cast %mul3A_138 : vector<16xf32> to vector<1x16xf32>
        tpu.vector_store %arg14[%swap3A_139, %swap3A_140], %swap3A_143 {strides = array<i32>} : memref<80x160xf32, #tpu.memory_space<vmem>>, vector<1x16xf32>,
        %get3A_144 = arith.index_cast %scan3A_101 : i32 to index
        %get3A_145 = arith.constant 64 : index
        %get3A_146 = tpu.vector_load %arg14[%get3A_144, %get3A_145] {strides = array<i32>} : memref<80x160xf32, #tpu.memory_space<vmem>>, vector<1x16xf32>,
        %get3A_147 = vector.shape_cast %get3A_146 : vector<1x16xf32> to vector<16xf32>
        %mul3A_148 = arith.mulf %get3A_147, %get3A_104 : vector<16xf32>
        %swap3A_149 = arith.index_cast %scan3A_101 : i32 to index
        %swap3A_150 = arith.constant 64 : index
        %swap3A_151 = tpu.vector_load %arg14[%swap3A_149, %swap3A_150] {strides = array<i32>} : memref<80x160xf32, #tpu.memory_space<vmem>>, vector<1x16xf32>,
        %swap3A_152 = vector.shape_cast %swap3A_151 : vector<1x16xf32> to vector<16xf32>
        %swap3A_153 = vector.shape_cast %mul3A_148 : vector<16xf32> to vector<1x16xf32>
        tpu.vector_store %arg14[%swap3A_149, %swap3A_150], %swap3A_153 {strides = array<i32>} : memref<80x160xf32, #tpu.memory_space<vmem>>, vector<1x16xf32>,
        %get3A_154 = arith.index_cast %scan3A_101 : i32 to index
        %get3A_155 = arith.constant 80 : index
        %get3A_156 = tpu.vector_load %arg14[%get3A_154, %get3A_155] {strides = array<i32>} : memref<80x160xf32, #tpu.memory_space<vmem>>, vector<1x16xf32>,
        %get3A_157 = vector.shape_cast %get3A_156 : vector<1x16xf32> to vector<16xf32>
        %mul3A_158 = arith.mulf %get3A_157, %get3A_104 : vector<16xf32>
        %swap3A_159 = arith.index_cast %scan3A_101 : i32 to index
        %swap3A_160 = arith.constant 80 : index
        %swap3A_161 = tpu.vector_load %arg14[%swap3A_159, %swap3A_160] {strides = array<i32>} : memref<80x160xf32, #tpu.memory_space<vmem>>, vector<1x16xf32>,
        %swap3A_162 = vector.shape_cast %swap3A_161 : vector<1x16xf32> to vector<16xf32>
        %swap3A_163 = vector.shape_cast %mul3A_158 : vector<16xf32> to vector<1x16xf32>
        tpu.vector_store %arg14[%swap3A_159, %swap3A_160], %swap3A_163 {strides = array<i32>} : memref<80x160xf32, #tpu.memory_space<vmem>>, vector<1x16xf32>,
        %get3A_164 = arith.index_cast %scan3A_101 : i32 to index
        %get3A_165 = arith.constant 96 : index
        %get3A_166 = tpu.vector_load %arg14[%get3A_164, %get3A_165] {strides = array<i32>} : memref<80x160xf32, #tpu.memory_space<vmem>>, vector<1x16xf32>,
        %get3A_167 = vector.shape_cast %get3A_166 : vector<1x16xf32> to vector<16xf32>
        %mul3A_168 = arith.mulf %get3A_167, %get3A_104 : vector<16xf32>
        %swap3A_169 = arith.index_cast %scan3A_101 : i32 to index
        %swap3A_170 = arith.constant 96 : index
        %swap3A_171 = tpu.vector_load %arg14[%swap3A_169, %swap3A_170] {strides = array<i32>} : memref<80x160xf32, #tpu.memory_space<vmem>>, vector<1x16xf32>,
        %swap3A_172 = vector.shape_cast %swap3A_171 : vector<1x16xf32> to vector<16xf32>
        %swap3A_173 = vector.shape_cast %mul3A_168 : vector<16xf32> to vector<1x16xf32>
        tpu.vector_store %arg14[%swap3A_169, %swap3A_170], %swap3A_173 {strides = array<i32>} : memref<80x160xf32, #tpu.memory_space<vmem>>, vector<1x16xf32>,
        %get3A_174 = arith.index_cast %scan3A_101 : i32 to index
        %get3A_175 = arith.constant 112 : index
        %get3A_176 = tpu.vector_load %arg14[%get3A_174, %get3A_175] {strides = array<i32>} : memref<80x160xf32, #tpu.memory_space<vmem>>, vector<1x16xf32>,
        %get3A_177 = vector.shape_cast %get3A_176 : vector<1x16xf32> to vector<16xf32>
        %mul3A_178 = arith.mulf %get3A_177, %get3A_104 : vector<16xf32>
        %swap3A_179 = arith.index_cast %scan3A_101 : i32 to index
        %swap3A_180 = arith.constant 112 : index
        %swap3A_181 = tpu.vector_load %arg14[%swap3A_179, %swap3A_180] {strides = array<i32>} : memref<80x160xf32, #tpu.memory_space<vmem>>, vector<1x16xf32>,
        %swap3A_182 = vector.shape_cast %swap3A_181 : vector<1x16xf32> to vector<16xf32>
        %swap3A_183 = vector.shape_cast %mul3A_178 : vector<16xf32> to vector<1x16xf32>
        tpu.vector_store %arg14[%swap3A_179, %swap3A_180], %swap3A_183 {strides = array<i32>} : memref<80x160xf32, #tpu.memory_space<vmem>>, vector<1x16xf32>,
        %get3A_184 = arith.index_cast %scan3A_101 : i32 to index
        %get3A_185 = arith.constant 128 : index
        %get3A_186 = tpu.vector_load %arg14[%get3A_184, %get3A_185] {strides = array<i32>} : memref<80x160xf32, #tpu.memory_space<vmem>>, vector<1x16xf32>,
        %get3A_187 = vector.shape_cast %get3A_186 : vector<1x16xf32> to vector<16xf32>
        %mul3A_188 = arith.mulf %get3A_187, %get3A_104 : vector<16xf32>
        %swap3A_189 = arith.index_cast %scan3A_101 : i32 to index
        %swap3A_190 = arith.constant 128 : index
        %swap3A_191 = tpu.vector_load %arg14[%swap3A_189, %swap3A_190] {strides = array<i32>} : memref<80x160xf32, #tpu.memory_space<vmem>>, vector<1x16xf32>,
        %swap3A_192 = vector.shape_cast %swap3A_191 : vector<1x16xf32> to vector<16xf32>
        %swap3A_193 = vector.shape_cast %mul3A_188 : vector<16xf32> to vector<1x16xf32>
        tpu.vector_store %arg14[%swap3A_189, %swap3A_190], %swap3A_193 {strides = array<i32>} : memref<80x160xf32, #tpu.memory_space<vmem>>, vector<1x16xf32>,
        %get3A_194 = arith.index_cast %scan3A_101 : i32 to index
        %get3A_195 = arith.constant 144 : index
        %get3A_196 = tpu.vector_load %arg14[%get3A_194, %get3A_195] {strides = array<i32>} : memref<80x160xf32, #tpu.memory_space<vmem>>, vector<1x16xf32>,
        %get3A_197 = vector.shape_cast %get3A_196 : vector<1x16xf32> to vector<16xf32>
        %mul3A_198 = arith.mulf %get3A_197, %get3A_104 : vector<16xf32>
        %swap3A_199 = arith.index_cast %scan3A_101 : i32 to index
        %swap3A_200 = arith.constant 144 : index
        %swap3A_201 = tpu.vector_load %arg14[%swap3A_199, %swap3A_200] {strides = array<i32>} : memref<80x160xf32, #tpu.memory_space<vmem>>, vector<1x16xf32>,
        %swap3A_202 = vector.shape_cast %swap3A_201 : vector<1x16xf32> to vector<16xf32>
        %swap3A_203 = vector.shape_cast %mul3A_198 : vector<16xf32> to vector<1x16xf32>
        tpu.vector_store %arg14[%swap3A_199, %swap3A_200], %swap3A_203 {strides = array<i32>} : memref<80x160xf32, #tpu.memory_space<vmem>>, vector<1x16xf32>,
      }
      %scan3A_93 = arith.constant 80 : i32
      "tpu.region"() ({
        %run_scoped3A = tpu.sem_alloc : memref<!tpu.dma_semaphore, #tpu.memory_space<semaphore_mem>>
        %dma_start3A_101 = arith.constant 0 : i32
        %dma_start3A_102 = arith.constant 0 : i32
        %dma_start3A_103 = tpu.memref_slice %arg15[%dma_start3A_101, %dma_start3A_102] : memref<10000x160xf32, #tpu.memory_space<vmem_shared>> -> memref<10000x160xf32, #tpu.memory_space<vmem_shared>>
        tpu.enqueue_indirect_dma source(%arg14 : memref<80x160xf32, #tpu.memory_space<vmem>>) target(%dma_start3A_103 : memref<10000x160xf32, #tpu.memory_space<vmem_shared>>) offsets(%arg12 : memref<80xi32, #tpu.memory_space<vmem>>) semaphore(%run_scoped3A : memref<!tpu.dma_semaphore, #tpu.memory_space<semaphore_mem>>) {add = true}
        %dma_wait3A_104 = arith.constant 0 : i32
        %dma_wait3A_105 = arith.constant 0 : i32
        %dma_wait3A_106 = tpu.memref_slice %arg15[%dma_wait3A_104, %dma_wait3A_105] : memref<10000x160xf32, #tpu.memory_space<vmem_shared>> -> memref<10000x160xf32, #tpu.memory_space<vmem_shared>>
        tpu.wait_indirect_dma semaphore(%run_scoped3A : memref<!tpu.dma_semaphore, #tpu.memory_space<semaphore_mem>>) src(%arg14 : memref<80x160xf32, #tpu.memory_space<vmem>>) dst(%dma_wait3A_106 : memref<10000x160xf32, #tpu.memory_space<vmem_shared>>)
        tpu.yield
      }) : () -> ()
      %add3A_94 = arith.constant 3 : i32
      %add3A_95 = arith.addi %mul3A_54, %add3A_94 : i32
      %lt3A_96 = arith.constant 250 : i32
      %lt3A_97 = arith.cmpi slt, %add3A_95, %lt3A_96 : i32
      %convert_element_type3A_98 = arith.extui %lt3A_97 : i1 to i32
      %cond3A_99 = arith.constant 0 : i32
      %cond3A_100 = arith.cmpi ne, %convert_element_type3A_98, %cond3A_99 : i32
      scf.if %cond3A_100 {
        %add3A_101 = arith.constant 3 : i32
        %add3A_102 = arith.addi %mul3A_54, %add3A_101 : i32
        %mul3A_103 = arith.constant 80 : i32
        %mul3A_104 = arith.muli %add3A_102, %mul3A_103 : i32
        %add3A_105 = arith.addi %mul3A_5, %mul3A_104 : i32
        %add3A_106 = arith.addi %mul3A_7, %add3A_105 : i32
        %dma_start3A_107 = tpu.memref_slice %arg3[%add3A_106] : memref<640000xi32, #tpu.memory_space<hbm>> -> memref<80xi32, #tpu.memory_space<hbm>>
        %dma_start3A_108 = tpu.memref_slice %arg3[%add3A_106] : memref<640000xi32, #tpu.memory_space<hbm>> -> memref<80xi32, #tpu.memory_space<hbm>>
        tpu.enqueue_dma source(%dma_start3A_108 : memref<80xi32, #tpu.memory_space<hbm>>) target(%arg11 : memref<80xi32, #tpu.memory_space<vmem>>) target_semaphore(%arg17 : memref<!tpu.dma_semaphore, #tpu.memory_space<semaphore_mem>>)
        %dma_start3A_109 = tpu.memref_slice %arg4[%add3A_105] : memref<320000xi32, #tpu.memory_space<hbm>> -> memref<80xi32, #tpu.memory_space<hbm>>
        %dma_start3A_110 = tpu.memref_slice %arg4[%add3A_105] : memref<320000xi32, #tpu.memory_space<hbm>> -> memref<80xi32, #tpu.memory_space<hbm>>
        tpu.enqueue_dma source(%dma_start3A_110 : memref<80xi32, #tpu.memory_space<hbm>>) target(%arg12 : memref<80xi32, #tpu.memory_space<vmem>>) target_semaphore(%arg17 : memref<!tpu.dma_semaphore, #tpu.memory_space<semaphore_mem>>)
        %dma_start3A_111 = arith.constant 0 : i32
        %dma_start3A_112 = tpu.memref_slice %arg5[%add3A_105, %dma_start3A_111] : memref<320000x16xf32, #tpu.memory_space<hbm>> -> memref<80x16xf32, #tpu.memory_space<hbm>>
        %dma_start3A_113 = arith.constant 0 : i32
        %dma_start3A_114 = tpu.memref_slice %arg5[%add3A_105, %dma_start3A_113] : memref<320000x16xf32, #tpu.memory_space<hbm>> -> memref<80x16xf32, #tpu.memory_space<hbm>>
        tpu.enqueue_dma source(%dma_start3A_114 : memref<80x16xf32, #tpu.memory_space<hbm>>) target(%arg13 : memref<80x16xf32, #tpu.memory_space<vmem>>) target_semaphore(%arg17 : memref<!tpu.dma_semaphore, #tpu.memory_space<semaphore_mem>>)
      } else {
      }
    }
    %scan3A_49 = arith.constant 125 : i32
    %barrier3A_50 = arith.constant 0 : index
    tpu.barrier barrier_id(%barrier3A_50)
    %add3A_51 = arith.addi %mul3A_3, %min3A_1 : i32
    "tpu.region"() ({
      %run_scoped3A = tpu.sem_alloc : memref<!tpu.dma_semaphore, #tpu.memory_space<semaphore_mem>>
      %dma_start3A_52 = arith.constant 0 : i32
      %dma_start3A_53 = tpu.memref_slice %arg6[%add3A_51, %dma_start3A_52] : memref<20000x160xf32, #tpu.memory_space<hbm>> -> memref<640x160xf32, #tpu.memory_space<hbm>>
      %dma_start3A_54 = arith.constant 0 : i32
      %dma_start3A_55 = tpu.memref_slice %arg15[%min3A_1, %dma_start3A_54] : memref<10000x160xf32, #tpu.memory_space<vmem_shared>> -> memref<640x160xf32, #tpu.memory_space<vmem_shared>>
      tpu.enqueue_dma source(%dma_start3A_55 : memref<640x160xf32, #tpu.memory_space<vmem_shared>>) target(%dma_start3A_53 : memref<640x160xf32, #tpu.memory_space<hbm>>) target_semaphore(%run_scoped3A : memref<!tpu.dma_semaphore, #tpu.memory_space<semaphore_mem>>)
      %dma_wait3A_56 = arith.constant 0 : i32
      %dma_wait3A_57 = tpu.memref_slice %arg6[%add3A_51, %dma_wait3A_56] : memref<20000x160xf32, #tpu.memory_space<hbm>> -> memref<640x160xf32, #tpu.memory_space<hbm>>
      %dma_wait3A_58 = arith.constant 0 : i32
      %dma_wait3A_59 = tpu.memref_slice %arg15[%min3A_1, %dma_wait3A_58] : memref<10000x160xf32, #tpu.memory_space<vmem_shared>> -> memref<640x160xf32, #tpu.memory_space<vmem_shared>>
      tpu.wait_dma2 semaphore(%run_scoped3A : memref<!tpu.dma_semaphore, #tpu.memory_space<semaphore_mem>>) src(%dma_wait3A_59 : memref<640x160xf32, #tpu.memory_space<vmem_shared>>) dst(%dma_wait3A_57 : memref<640x160xf32, #tpu.memory_space<hbm>>)
      tpu.yield
    }) : () -> ()
    return
  }
}

#map = affine_map<(d0, d1) -> (0)>
#map1 = affine_map<(d0, d1) -> (0, 0)>
module attributes {stable_mosaic.version = 14 : i64} {
  func.func @k(%arg0: i32, %arg1: i32, %arg2: memref<320000xi32, #tpu.memory_space<hbm>>, %arg3: memref<320000x16xf32, #tpu.memory_space<hbm>>, %arg4: memref<10000x16xf32, #tpu.memory_space<hbm>>, %arg5: memref<20000x16xf32, #tpu.memory_space<hbm>>, %arg6: memref<40xi32, #tpu.memory_space<vmem>>, %arg7: memref<40x16xf32, #tpu.memory_space<vmem>>, %arg8: memref<40xi32, #tpu.memory_space<vmem>>, %arg9: memref<40x16xf32, #tpu.memory_space<vmem>>, %arg10: memref<10000x16xf32, #tpu.memory_space<vmem_shared>>, %arg11: memref<!tpu.dma_semaphore, #tpu.memory_space<semaphore_mem>>, %arg12: memref<!tpu.dma_semaphore, #tpu.memory_space<semaphore_mem>>) attributes {dimension_semantics = [#tpu.dimension_semantics<core_parallel>, #tpu.dimension_semantics<subcore_parallel>], iteration_bounds = array<i64: 2, 16>, scalar_prefetch = 0 : i64, scratch_operands = 7 : i64, tpu.core_type = #tpu.core_type<sc_vector_subcore>, window_params = [{transform_indices = #map}, {transform_indices = #map1}, {transform_indices = #map1}, {transform_indices = #map1}]} {
    %mul3A = arith.constant 640 : i32
    %mul3A_0 = arith.muli %arg1, %mul3A : i32
    %min3A = arith.constant 9360 : i32
    %min3A_1 = arith.minsi %mul3A_0, %min3A : i32
    "tpu.region"() ({
      %run_scoped3A = tpu.sem_alloc : memref<!tpu.dma_semaphore, #tpu.memory_space<semaphore_mem>>
      %dma_start3A_22 = arith.constant 0 : i32
      %dma_start3A_23 = tpu.memref_slice %arg10[%min3A_1, %dma_start3A_22] : memref<10000x16xf32, #tpu.memory_space<vmem_shared>> -> memref<640x16xf32, #tpu.memory_space<vmem_shared>>
      %dma_start3A_24 = arith.constant 0 : i32
      %dma_start3A_25 = tpu.memref_slice %arg4[%min3A_1, %dma_start3A_24] : memref<10000x16xf32, #tpu.memory_space<hbm>> -> memref<640x16xf32, #tpu.memory_space<hbm>>
      tpu.enqueue_dma source(%dma_start3A_25 : memref<640x16xf32, #tpu.memory_space<hbm>>) target(%dma_start3A_23 : memref<640x16xf32, #tpu.memory_space<vmem_shared>>) target_semaphore(%run_scoped3A : memref<!tpu.dma_semaphore, #tpu.memory_space<semaphore_mem>>)
      %dma_wait3A = arith.constant 0 : i32
      %dma_wait3A_26 = tpu.memref_slice %arg10[%min3A_1, %dma_wait3A] : memref<10000x16xf32, #tpu.memory_space<vmem_shared>> -> memref<640x16xf32, #tpu.memory_space<vmem_shared>>
      %dma_wait3A_27 = arith.constant 0 : i32
      %dma_wait3A_28 = tpu.memref_slice %arg4[%min3A_1, %dma_wait3A_27] : memref<10000x16xf32, #tpu.memory_space<hbm>> -> memref<640x16xf32, #tpu.memory_space<hbm>>
      tpu.wait_dma2 semaphore(%run_scoped3A : memref<!tpu.dma_semaphore, #tpu.memory_space<semaphore_mem>>) src(%dma_wait3A_28 : memref<640x16xf32, #tpu.memory_space<hbm>>) dst(%dma_wait3A_26 : memref<640x16xf32, #tpu.memory_space<vmem_shared>>)
      tpu.yield
    }) : () -> ()
    %barrier3A = arith.constant 0 : index
    tpu.barrier barrier_id(%barrier3A)
    %mul3A_2 = arith.constant 16 : i32
    %mul3A_3 = arith.muli %arg0, %mul3A_2 : i32
    %add3A = arith.addi %mul3A_3, %arg1 : i32
    %mul3A_4 = arith.constant 10000 : i32
    %mul3A_5 = arith.muli %add3A, %mul3A_4 : i32
    %add3A_6 = arith.constant 0 : i32
    %add3A_7 = arith.addi %mul3A_5, %add3A_6 : i32
    %dma_start3A = tpu.memref_slice %arg2[%add3A_7] : memref<320000xi32, #tpu.memory_space<hbm>> -> memref<40xi32, #tpu.memory_space<hbm>>
    %dma_start3A_8 = tpu.memref_slice %arg2[%add3A_7] : memref<320000xi32, #tpu.memory_space<hbm>> -> memref<40xi32, #tpu.memory_space<hbm>>
    tpu.enqueue_dma source(%dma_start3A_8 : memref<40xi32, #tpu.memory_space<hbm>>) target(%arg6 : memref<40xi32, #tpu.memory_space<vmem>>) target_semaphore(%arg11 : memref<!tpu.dma_semaphore, #tpu.memory_space<semaphore_mem>>)
    %dma_start3A_9 = arith.constant 0 : i32
    %dma_start3A_10 = tpu.memref_slice %arg3[%add3A_7, %dma_start3A_9] : memref<320000x16xf32, #tpu.memory_space<hbm>> -> memref<40x16xf32, #tpu.memory_space<hbm>>
    %dma_start3A_11 = arith.constant 0 : i32
    %dma_start3A_12 = tpu.memref_slice %arg3[%add3A_7, %dma_start3A_11] : memref<320000x16xf32, #tpu.memory_space<hbm>> -> memref<40x16xf32, #tpu.memory_space<hbm>>
    tpu.enqueue_dma source(%dma_start3A_12 : memref<40x16xf32, #tpu.memory_space<hbm>>) target(%arg7 : memref<40x16xf32, #tpu.memory_space<vmem>>) target_semaphore(%arg11 : memref<!tpu.dma_semaphore, #tpu.memory_space<semaphore_mem>>)
    %scan3A = arith.constant 0 : i32
    %scan3A_13 = arith.constant 0 : i32
    %scan3A_14 = arith.constant 125 : i32
    %scan3A_15 = arith.addi %scan3A_13, %scan3A_14 : i32
    %scan3A_16 = arith.constant 1 : i32
    scf.for %scan3A_22 = %scan3A_13 to %scan3A_15 step %scan3A_16  : i32 {
      %mul3A_23 = arith.constant 2 : i32
      %mul3A_24 = arith.muli %mul3A_23, %scan3A_22 : i32
      %add3A_25 = arith.constant 1 : i32
      %add3A_26 = arith.addi %mul3A_24, %add3A_25 : i32
      %mul3A_27 = arith.constant 40 : i32
      %mul3A_28 = arith.muli %add3A_26, %mul3A_27 : i32
      %add3A_29 = arith.addi %mul3A_5, %mul3A_28 : i32
      %dma_start3A_30 = tpu.memref_slice %arg2[%add3A_29] : memref<320000xi32, #tpu.memory_space<hbm>> -> memref<40xi32, #tpu.memory_space<hbm>>
      %dma_start3A_31 = tpu.memref_slice %arg2[%add3A_29] : memref<320000xi32, #tpu.memory_space<hbm>> -> memref<40xi32, #tpu.memory_space<hbm>>
      tpu.enqueue_dma source(%dma_start3A_31 : memref<40xi32, #tpu.memory_space<hbm>>) target(%arg8 : memref<40xi32, #tpu.memory_space<vmem>>) target_semaphore(%arg12 : memref<!tpu.dma_semaphore, #tpu.memory_space<semaphore_mem>>)
      %dma_start3A_32 = arith.constant 0 : i32
      %dma_start3A_33 = tpu.memref_slice %arg3[%add3A_29, %dma_start3A_32] : memref<320000x16xf32, #tpu.memory_space<hbm>> -> memref<40x16xf32, #tpu.memory_space<hbm>>
      %dma_start3A_34 = arith.constant 0 : i32
      %dma_start3A_35 = tpu.memref_slice %arg3[%add3A_29, %dma_start3A_34] : memref<320000x16xf32, #tpu.memory_space<hbm>> -> memref<40x16xf32, #tpu.memory_space<hbm>>
      tpu.enqueue_dma source(%dma_start3A_35 : memref<40x16xf32, #tpu.memory_space<hbm>>) target(%arg9 : memref<40x16xf32, #tpu.memory_space<vmem>>) target_semaphore(%arg12 : memref<!tpu.dma_semaphore, #tpu.memory_space<semaphore_mem>>)
      %dma_wait3A = arith.constant 0 : i32
      %dma_wait3A_36 = tpu.memref_slice %arg2[%dma_wait3A] : memref<320000xi32, #tpu.memory_space<hbm>> -> memref<40xi32, #tpu.memory_space<hbm>>
      %dma_wait3A_37 = arith.constant 0 : i32
      %dma_wait3A_38 = tpu.memref_slice %arg2[%dma_wait3A_37] : memref<320000xi32, #tpu.memory_space<hbm>> -> memref<40xi32, #tpu.memory_space<hbm>>
      tpu.wait_dma2 semaphore(%arg11 : memref<!tpu.dma_semaphore, #tpu.memory_space<semaphore_mem>>) src(%dma_wait3A_38 : memref<40xi32, #tpu.memory_space<hbm>>) dst(%arg6 : memref<40xi32, #tpu.memory_space<vmem>>)
      %dma_wait3A_39 = arith.constant 0 : i32
      %dma_wait3A_40 = arith.constant 0 : i32
      %dma_wait3A_41 = tpu.memref_slice %arg3[%dma_wait3A_39, %dma_wait3A_40] : memref<320000x16xf32, #tpu.memory_space<hbm>> -> memref<40x16xf32, #tpu.memory_space<hbm>>
      %dma_wait3A_42 = arith.constant 0 : i32
      %dma_wait3A_43 = arith.constant 0 : i32
      %dma_wait3A_44 = tpu.memref_slice %arg3[%dma_wait3A_42, %dma_wait3A_43] : memref<320000x16xf32, #tpu.memory_space<hbm>> -> memref<40x16xf32, #tpu.memory_space<hbm>>
      tpu.wait_dma2 semaphore(%arg11 : memref<!tpu.dma_semaphore, #tpu.memory_space<semaphore_mem>>) src(%dma_wait3A_44 : memref<40x16xf32, #tpu.memory_space<hbm>>) dst(%arg7 : memref<40x16xf32, #tpu.memory_space<vmem>>)
      "tpu.region"() ({
        %run_scoped3A = tpu.sem_alloc : memref<!tpu.dma_semaphore, #tpu.memory_space<semaphore_mem>>
        %dma_start3A_59 = arith.constant 0 : i32
        %dma_start3A_60 = arith.constant 0 : i32
        %dma_start3A_61 = tpu.memref_slice %arg10[%dma_start3A_59, %dma_start3A_60] : memref<10000x16xf32, #tpu.memory_space<vmem_shared>> -> memref<10000x16xf32, #tpu.memory_space<vmem_shared>>
        tpu.enqueue_indirect_dma source(%arg7 : memref<40x16xf32, #tpu.memory_space<vmem>>) target(%dma_start3A_61 : memref<10000x16xf32, #tpu.memory_space<vmem_shared>>) offsets(%arg6 : memref<40xi32, #tpu.memory_space<vmem>>) semaphore(%run_scoped3A : memref<!tpu.dma_semaphore, #tpu.memory_space<semaphore_mem>>) {add = true}
        %dma_wait3A_62 = arith.constant 0 : i32
        %dma_wait3A_63 = arith.constant 0 : i32
        %dma_wait3A_64 = tpu.memref_slice %arg10[%dma_wait3A_62, %dma_wait3A_63] : memref<10000x16xf32, #tpu.memory_space<vmem_shared>> -> memref<10000x16xf32, #tpu.memory_space<vmem_shared>>
        tpu.wait_indirect_dma semaphore(%run_scoped3A : memref<!tpu.dma_semaphore, #tpu.memory_space<semaphore_mem>>) src(%arg7 : memref<40x16xf32, #tpu.memory_space<vmem>>) dst(%dma_wait3A_64 : memref<10000x16xf32, #tpu.memory_space<vmem_shared>>)
        tpu.yield
      }) : () -> ()
      %add3A_45 = arith.constant 2 : i32
      %add3A_46 = arith.addi %mul3A_24, %add3A_45 : i32
      %lt3A = arith.constant 250 : i32
      %lt3A_47 = arith.cmpi slt, %add3A_46, %lt3A : i32
      %convert_element_type3A = arith.extui %lt3A_47 : i1 to i32
      %cond3A = arith.constant 0 : i32
      %cond3A_48 = arith.cmpi ne, %convert_element_type3A, %cond3A : i32
      scf.if %cond3A_48 {
        %add3A_59 = arith.constant 2 : i32
        %add3A_60 = arith.addi %mul3A_24, %add3A_59 : i32
        %mul3A_61 = arith.constant 40 : i32
        %mul3A_62 = arith.muli %add3A_60, %mul3A_61 : i32
        %add3A_63 = arith.addi %mul3A_5, %mul3A_62 : i32
        %dma_start3A_64 = tpu.memref_slice %arg2[%add3A_63] : memref<320000xi32, #tpu.memory_space<hbm>> -> memref<40xi32, #tpu.memory_space<hbm>>
        %dma_start3A_65 = tpu.memref_slice %arg2[%add3A_63] : memref<320000xi32, #tpu.memory_space<hbm>> -> memref<40xi32, #tpu.memory_space<hbm>>
        tpu.enqueue_dma source(%dma_start3A_65 : memref<40xi32, #tpu.memory_space<hbm>>) target(%arg6 : memref<40xi32, #tpu.memory_space<vmem>>) target_semaphore(%arg11 : memref<!tpu.dma_semaphore, #tpu.memory_space<semaphore_mem>>)
        %dma_start3A_66 = arith.constant 0 : i32
        %dma_start3A_67 = tpu.memref_slice %arg3[%add3A_63, %dma_start3A_66] : memref<320000x16xf32, #tpu.memory_space<hbm>> -> memref<40x16xf32, #tpu.memory_space<hbm>>
        %dma_start3A_68 = arith.constant 0 : i32
        %dma_start3A_69 = tpu.memref_slice %arg3[%add3A_63, %dma_start3A_68] : memref<320000x16xf32, #tpu.memory_space<hbm>> -> memref<40x16xf32, #tpu.memory_space<hbm>>
        tpu.enqueue_dma source(%dma_start3A_69 : memref<40x16xf32, #tpu.memory_space<hbm>>) target(%arg7 : memref<40x16xf32, #tpu.memory_space<vmem>>) target_semaphore(%arg11 : memref<!tpu.dma_semaphore, #tpu.memory_space<semaphore_mem>>)
      } else {
      }
      %dma_wait3A_49 = arith.constant 0 : i32
      %dma_wait3A_50 = tpu.memref_slice %arg2[%dma_wait3A_49] : memref<320000xi32, #tpu.memory_space<hbm>> -> memref<40xi32, #tpu.memory_space<hbm>>
      %dma_wait3A_51 = arith.constant 0 : i32
      %dma_wait3A_52 = tpu.memref_slice %arg2[%dma_wait3A_51] : memref<320000xi32, #tpu.memory_space<hbm>> -> memref<40xi32, #tpu.memory_space<hbm>>
      tpu.wait_dma2 semaphore(%arg12 : memref<!tpu.dma_semaphore, #tpu.memory_space<semaphore_mem>>) src(%dma_wait3A_52 : memref<40xi32, #tpu.memory_space<hbm>>) dst(%arg8 : memref<40xi32, #tpu.memory_space<vmem>>)
      %dma_wait3A_53 = arith.constant 0 : i32
      %dma_wait3A_54 = arith.constant 0 : i32
      %dma_wait3A_55 = tpu.memref_slice %arg3[%dma_wait3A_53, %dma_wait3A_54] : memref<320000x16xf32, #tpu.memory_space<hbm>> -> memref<40x16xf32, #tpu.memory_space<hbm>>
      %dma_wait3A_56 = arith.constant 0 : i32
      %dma_wait3A_57 = arith.constant 0 : i32
      %dma_wait3A_58 = tpu.memref_slice %arg3[%dma_wait3A_56, %dma_wait3A_57] : memref<320000x16xf32, #tpu.memory_space<hbm>> -> memref<40x16xf32, #tpu.memory_space<hbm>>
      tpu.wait_dma2 semaphore(%arg12 : memref<!tpu.dma_semaphore, #tpu.memory_space<semaphore_mem>>) src(%dma_wait3A_58 : memref<40x16xf32, #tpu.memory_space<hbm>>) dst(%arg9 : memref<40x16xf32, #tpu.memory_space<vmem>>)
      "tpu.region"() ({
        %run_scoped3A = tpu.sem_alloc : memref<!tpu.dma_semaphore, #tpu.memory_space<semaphore_mem>>
        %dma_start3A_59 = arith.constant 0 : i32
        %dma_start3A_60 = arith.constant 0 : i32
        %dma_start3A_61 = tpu.memref_slice %arg10[%dma_start3A_59, %dma_start3A_60] : memref<10000x16xf32, #tpu.memory_space<vmem_shared>> -> memref<10000x16xf32, #tpu.memory_space<vmem_shared>>
        tpu.enqueue_indirect_dma source(%arg9 : memref<40x16xf32, #tpu.memory_space<vmem>>) target(%dma_start3A_61 : memref<10000x16xf32, #tpu.memory_space<vmem_shared>>) offsets(%arg8 : memref<40xi32, #tpu.memory_space<vmem>>) semaphore(%run_scoped3A : memref<!tpu.dma_semaphore, #tpu.memory_space<semaphore_mem>>) {add = true}
        %dma_wait3A_62 = arith.constant 0 : i32
        %dma_wait3A_63 = arith.constant 0 : i32
        %dma_wait3A_64 = tpu.memref_slice %arg10[%dma_wait3A_62, %dma_wait3A_63] : memref<10000x16xf32, #tpu.memory_space<vmem_shared>> -> memref<10000x16xf32, #tpu.memory_space<vmem_shared>>
        tpu.wait_indirect_dma semaphore(%run_scoped3A : memref<!tpu.dma_semaphore, #tpu.memory_space<semaphore_mem>>) src(%arg9 : memref<40x16xf32, #tpu.memory_space<vmem>>) dst(%dma_wait3A_64 : memref<10000x16xf32, #tpu.memory_space<vmem_shared>>)
        tpu.yield
      }) : () -> ()
    }
    %scan3A_17 = arith.constant 125 : i32
    %barrier3A_18 = arith.constant 0 : index
    tpu.barrier barrier_id(%barrier3A_18)
    %mul3A_19 = arith.constant 10000 : i32
    %mul3A_20 = arith.muli %arg0, %mul3A_19 : i32
    %add3A_21 = arith.addi %mul3A_20, %min3A_1 : i32
    "tpu.region"() ({
      %run_scoped3A = tpu.sem_alloc : memref<!tpu.dma_semaphore, #tpu.memory_space<semaphore_mem>>
      %dma_start3A_22 = arith.constant 0 : i32
      %dma_start3A_23 = tpu.memref_slice %arg5[%add3A_21, %dma_start3A_22] : memref<20000x16xf32, #tpu.memory_space<hbm>> -> memref<640x16xf32, #tpu.memory_space<hbm>>
      %dma_start3A_24 = arith.constant 0 : i32
      %dma_start3A_25 = tpu.memref_slice %arg10[%min3A_1, %dma_start3A_24] : memref<10000x16xf32, #tpu.memory_space<vmem_shared>> -> memref<640x16xf32, #tpu.memory_space<vmem_shared>>
      tpu.enqueue_dma source(%dma_start3A_25 : memref<640x16xf32, #tpu.memory_space<vmem_shared>>) target(%dma_start3A_23 : memref<640x16xf32, #tpu.memory_space<hbm>>) target_semaphore(%run_scoped3A : memref<!tpu.dma_semaphore, #tpu.memory_space<semaphore_mem>>)
      %dma_wait3A = arith.constant 0 : i32
      %dma_wait3A_26 = tpu.memref_slice %arg5[%add3A_21, %dma_wait3A] : memref<20000x16xf32, #tpu.memory_space<hbm>> -> memref<640x16xf32, #tpu.memory_space<hbm>>
      %dma_wait3A_27 = arith.constant 0 : i32
      %dma_wait3A_28 = tpu.memref_slice %arg10[%min3A_1, %dma_wait3A_27] : memref<10000x16xf32, #tpu.memory_space<vmem_shared>> -> memref<640x16xf32, #tpu.memory_space<vmem_shared>>
      tpu.wait_dma2 semaphore(%run_scoped3A : memref<!tpu.dma_semaphore, #tpu.memory_space<semaphore_mem>>) src(%dma_wait3A_28 : memref<640x16xf32, #tpu.memory_space<vmem_shared>>) dst(%dma_wait3A_26 : memref<640x16xf32, #tpu.memory_space<hbm>>)
      tpu.yield
    }) : () -> ()
    return
  }
}

#map = affine_map<(d0, d1) -> (0, 0)>
#map1 = affine_map<(d0, d1) -> (0)>
module attributes {stable_mosaic.version = 14 : i64} {
  func.func @k(%arg0: i32, %arg1: i32, %arg2: memref<20000x64xf32, #tpu.memory_space<hbm>>, %arg3: memref<640000xi32, #tpu.memory_space<hbm>>, %arg4: memref<320000xi32, #tpu.memory_space<hbm>>, %arg5: memref<320000x16xf32, #tpu.memory_space<hbm>>, %arg6: memref<20000x64xf32, #tpu.memory_space<hbm>>, %arg7: memref<80xi32, #tpu.memory_space<vmem>>, %arg8: memref<80xi32, #tpu.memory_space<vmem>>, %arg9: memref<80x16xf32, #tpu.memory_space<vmem>>, %arg10: memref<80x64xf32, #tpu.memory_space<vmem>>, %arg11: memref<80xi32, #tpu.memory_space<vmem>>, %arg12: memref<80xi32, #tpu.memory_space<vmem>>, %arg13: memref<80x16xf32, #tpu.memory_space<vmem>>, %arg14: memref<80x64xf32, #tpu.memory_space<vmem>>, %arg15: memref<10000x64xf32, #tpu.memory_space<vmem_shared>>, %arg16: memref<!tpu.dma_semaphore, #tpu.memory_space<semaphore_mem>>, %arg17: memref<!tpu.dma_semaphore, #tpu.memory_space<semaphore_mem>>, %arg18: memref<!tpu.dma_semaphore, #tpu.memory_space<semaphore_mem>>, %arg19: memref<!tpu.dma_semaphore, #tpu.memory_space<semaphore_mem>>) attributes {dimension_semantics = [#tpu.dimension_semantics<core_parallel>, #tpu.dimension_semantics<subcore_parallel>], iteration_bounds = array<i64: 2, 16>, scalar_prefetch = 0 : i64, scratch_operands = 13 : i64, tpu.core_type = #tpu.core_type<sc_vector_subcore>, window_params = [{transform_indices = #map}, {transform_indices = #map1}, {transform_indices = #map1}, {transform_indices = #map}, {transform_indices = #map}]} {
    %mul3A = arith.constant 640 : i32
    %mul3A_0 = arith.muli %arg1, %mul3A : i32
    %min3A = arith.constant 9360 : i32
    %min3A_1 = arith.minsi %mul3A_0, %min3A : i32
    %mul3A_2 = arith.constant 10000 : i32
    %mul3A_3 = arith.muli %arg0, %mul3A_2 : i32
    %add3A = arith.addi %mul3A_3, %min3A_1 : i32
    "tpu.region"() ({
      %run_scoped3A = tpu.sem_alloc : memref<!tpu.dma_semaphore, #tpu.memory_space<semaphore_mem>>
      %dma_start3A_52 = arith.constant 0 : i32
      %dma_start3A_53 = tpu.memref_slice %arg15[%min3A_1, %dma_start3A_52] : memref<10000x64xf32, #tpu.memory_space<vmem_shared>> -> memref<640x64xf32, #tpu.memory_space<vmem_shared>>
      %dma_start3A_54 = arith.constant 0 : i32
      %dma_start3A_55 = tpu.memref_slice %arg2[%add3A, %dma_start3A_54] : memref<20000x64xf32, #tpu.memory_space<hbm>> -> memref<640x64xf32, #tpu.memory_space<hbm>>
      tpu.enqueue_dma source(%dma_start3A_55 : memref<640x64xf32, #tpu.memory_space<hbm>>) target(%dma_start3A_53 : memref<640x64xf32, #tpu.memory_space<vmem_shared>>) target_semaphore(%run_scoped3A : memref<!tpu.dma_semaphore, #tpu.memory_space<semaphore_mem>>)
      %dma_wait3A_56 = arith.constant 0 : i32
      %dma_wait3A_57 = tpu.memref_slice %arg15[%min3A_1, %dma_wait3A_56] : memref<10000x64xf32, #tpu.memory_space<vmem_shared>> -> memref<640x64xf32, #tpu.memory_space<vmem_shared>>
      %dma_wait3A_58 = arith.constant 0 : i32
      %dma_wait3A_59 = tpu.memref_slice %arg2[%add3A, %dma_wait3A_58] : memref<20000x64xf32, #tpu.memory_space<hbm>> -> memref<640x64xf32, #tpu.memory_space<hbm>>
      tpu.wait_dma2 semaphore(%run_scoped3A : memref<!tpu.dma_semaphore, #tpu.memory_space<semaphore_mem>>) src(%dma_wait3A_59 : memref<640x64xf32, #tpu.memory_space<hbm>>) dst(%dma_wait3A_57 : memref<640x64xf32, #tpu.memory_space<vmem_shared>>)
      tpu.yield
    }) : () -> ()
    %barrier3A = arith.constant 0 : index
    tpu.barrier barrier_id(%barrier3A)
    %mul3A_4 = arith.constant 20000 : i32
    %mul3A_5 = arith.muli %arg1, %mul3A_4 : i32
    %mul3A_6 = arith.constant 320000 : i32
    %mul3A_7 = arith.muli %arg0, %mul3A_6 : i32
    %add3A_8 = arith.constant 0 : i32
    %add3A_9 = arith.addi %mul3A_5, %add3A_8 : i32
    %add3A_10 = arith.addi %mul3A_7, %add3A_9 : i32
    %dma_start3A = tpu.memref_slice %arg3[%add3A_10] : memref<640000xi32, #tpu.memory_space<hbm>> -> memref<80xi32, #tpu.memory_space<hbm>>
    %dma_start3A_11 = tpu.memref_slice %arg3[%add3A_10] : memref<640000xi32, #tpu.memory_space<hbm>> -> memref<80xi32, #tpu.memory_space<hbm>>
    tpu.enqueue_dma source(%dma_start3A_11 : memref<80xi32, #tpu.memory_space<hbm>>) target(%arg7 : memref<80xi32, #tpu.memory_space<vmem>>) target_semaphore(%arg16 : memref<!tpu.dma_semaphore, #tpu.memory_space<semaphore_mem>>)
    %dma_start3A_12 = tpu.memref_slice %arg4[%add3A_9] : memref<320000xi32, #tpu.memory_space<hbm>> -> memref<80xi32, #tpu.memory_space<hbm>>
    %dma_start3A_13 = tpu.memref_slice %arg4[%add3A_9] : memref<320000xi32, #tpu.memory_space<hbm>> -> memref<80xi32, #tpu.memory_space<hbm>>
    tpu.enqueue_dma source(%dma_start3A_13 : memref<80xi32, #tpu.memory_space<hbm>>) target(%arg8 : memref<80xi32, #tpu.memory_space<vmem>>) target_semaphore(%arg16 : memref<!tpu.dma_semaphore, #tpu.memory_space<semaphore_mem>>)
    %dma_start3A_14 = arith.constant 0 : i32
    %dma_start3A_15 = tpu.memref_slice %arg5[%add3A_9, %dma_start3A_14] : memref<320000x16xf32, #tpu.memory_space<hbm>> -> memref<80x16xf32, #tpu.memory_space<hbm>>
    %dma_start3A_16 = arith.constant 0 : i32
    %dma_start3A_17 = tpu.memref_slice %arg5[%add3A_9, %dma_start3A_16] : memref<320000x16xf32, #tpu.memory_space<hbm>> -> memref<80x16xf32, #tpu.memory_space<hbm>>
    tpu.enqueue_dma source(%dma_start3A_17 : memref<80x16xf32, #tpu.memory_space<hbm>>) target(%arg9 : memref<80x16xf32, #tpu.memory_space<vmem>>) target_semaphore(%arg16 : memref<!tpu.dma_semaphore, #tpu.memory_space<semaphore_mem>>)
    %dma_wait3A = arith.constant 0 : i32
    %dma_wait3A_18 = tpu.memref_slice %arg3[%dma_wait3A] : memref<640000xi32, #tpu.memory_space<hbm>> -> memref<80xi32, #tpu.memory_space<hbm>>
    %dma_wait3A_19 = arith.constant 0 : i32
    %dma_wait3A_20 = tpu.memref_slice %arg3[%dma_wait3A_19] : memref<640000xi32, #tpu.memory_space<hbm>> -> memref<80xi32, #tpu.memory_space<hbm>>
    tpu.wait_dma2 semaphore(%arg16 : memref<!tpu.dma_semaphore, #tpu.memory_space<semaphore_mem>>) src(%dma_wait3A_20 : memref<80xi32, #tpu.memory_space<hbm>>) dst(%arg7 : memref<80xi32, #tpu.memory_space<vmem>>)
    %dma_wait3A_21 = arith.constant 0 : i32
    %dma_wait3A_22 = tpu.memref_slice %arg4[%dma_wait3A_21] : memref<320000xi32, #tpu.memory_space<hbm>> -> memref<80xi32, #tpu.memory_space<hbm>>
    %dma_wait3A_23 = arith.constant 0 : i32
    %dma_wait3A_24 = tpu.memref_slice %arg4[%dma_wait3A_23] : memref<320000xi32, #tpu.memory_space<hbm>> -> memref<80xi32, #tpu.memory_space<hbm>>
    tpu.wait_dma2 semaphore(%arg16 : memref<!tpu.dma_semaphore, #tpu.memory_space<semaphore_mem>>) src(%dma_wait3A_24 : memref<80xi32, #tpu.memory_space<hbm>>) dst(%arg8 : memref<80xi32, #tpu.memory_space<vmem>>)
    %dma_wait3A_25 = arith.constant 0 : i32
    %dma_wait3A_26 = arith.constant 0 : i32
    %dma_wait3A_27 = tpu.memref_slice %arg5[%dma_wait3A_25, %dma_wait3A_26] : memref<320000x16xf32, #tpu.memory_space<hbm>> -> memref<80x16xf32, #tpu.memory_space<hbm>>
    %dma_wait3A_28 = arith.constant 0 : i32
    %dma_wait3A_29 = arith.constant 0 : i32
    %dma_wait3A_30 = tpu.memref_slice %arg5[%dma_wait3A_28, %dma_wait3A_29] : memref<320000x16xf32, #tpu.memory_space<hbm>> -> memref<80x16xf32, #tpu.memory_space<hbm>>
    tpu.wait_dma2 semaphore(%arg16 : memref<!tpu.dma_semaphore, #tpu.memory_space<semaphore_mem>>) src(%dma_wait3A_30 : memref<80x16xf32, #tpu.memory_space<hbm>>) dst(%arg9 : memref<80x16xf32, #tpu.memory_space<vmem>>)
    %dma_start3A_31 = arith.constant 0 : i32
    %dma_start3A_32 = arith.constant 0 : i32
    %dma_start3A_33 = tpu.memref_slice %arg2[%dma_start3A_31, %dma_start3A_32] : memref<20000x64xf32, #tpu.memory_space<hbm>> -> memref<20000x64xf32, #tpu.memory_space<hbm>>
    tpu.enqueue_indirect_dma source(%dma_start3A_33 : memref<20000x64xf32, #tpu.memory_space<hbm>>) target(%arg10 : memref<80x64xf32, #tpu.memory_space<vmem>>) offsets(%arg7 : memref<80xi32, #tpu.memory_space<vmem>>) semaphore(%arg18 : memref<!tpu.dma_semaphore, #tpu.memory_space<semaphore_mem>>)
    %add3A_34 = arith.constant 80 : i32
    %add3A_35 = arith.addi %mul3A_5, %add3A_34 : i32
    %add3A_36 = arith.addi %mul3A_7, %add3A_35 : i32
    %dma_start3A_37 = tpu.memref_slice %arg3[%add3A_36] : memref<640000xi32, #tpu.memory_space<hbm>> -> memref<80xi32, #tpu.memory_space<hbm>>
    %dma_start3A_38 = tpu.memref_slice %arg3[%add3A_36] : memref<640000xi32, #tpu.memory_space<hbm>> -> memref<80xi32, #tpu.memory_space<hbm>>
    tpu.enqueue_dma source(%dma_start3A_38 : memref<80xi32, #tpu.memory_space<hbm>>) target(%arg11 : memref<80xi32, #tpu.memory_space<vmem>>) target_semaphore(%arg17 : memref<!tpu.dma_semaphore, #tpu.memory_space<semaphore_mem>>)
    %dma_start3A_39 = tpu.memref_slice %arg4[%add3A_35] : memref<320000xi32, #tpu.memory_space<hbm>> -> memref<80xi32, #tpu.memory_space<hbm>>
    %dma_start3A_40 = tpu.memref_slice %arg4[%add3A_35] : memref<320000xi32, #tpu.memory_space<hbm>> -> memref<80xi32, #tpu.memory_space<hbm>>
    tpu.enqueue_dma source(%dma_start3A_40 : memref<80xi32, #tpu.memory_space<hbm>>) target(%arg12 : memref<80xi32, #tpu.memory_space<vmem>>) target_semaphore(%arg17 : memref<!tpu.dma_semaphore, #tpu.memory_space<semaphore_mem>>)
    %dma_start3A_41 = arith.constant 0 : i32
    %dma_start3A_42 = tpu.memref_slice %arg5[%add3A_35, %dma_start3A_41] : memref<320000x16xf32, #tpu.memory_space<hbm>> -> memref<80x16xf32, #tpu.memory_space<hbm>>
    %dma_start3A_43 = arith.constant 0 : i32
    %dma_start3A_44 = tpu.memref_slice %arg5[%add3A_35, %dma_start3A_43] : memref<320000x16xf32, #tpu.memory_space<hbm>> -> memref<80x16xf32, #tpu.memory_space<hbm>>
    tpu.enqueue_dma source(%dma_start3A_44 : memref<80x16xf32, #tpu.memory_space<hbm>>) target(%arg13 : memref<80x16xf32, #tpu.memory_space<vmem>>) target_semaphore(%arg17 : memref<!tpu.dma_semaphore, #tpu.memory_space<semaphore_mem>>)
    %scan3A = arith.constant 0 : i32
    %scan3A_45 = arith.constant 0 : i32
    %scan3A_46 = arith.constant 125 : i32
    %scan3A_47 = arith.addi %scan3A_45, %scan3A_46 : i32
    %scan3A_48 = arith.constant 1 : i32
    scf.for %scan3A_52 = %scan3A_45 to %scan3A_47 step %scan3A_48  : i32 {
      %mul3A_53 = arith.constant 2 : i32
      %mul3A_54 = arith.muli %mul3A_53, %scan3A_52 : i32
      %dma_wait3A_55 = arith.constant 0 : i32
      %dma_wait3A_56 = tpu.memref_slice %arg3[%dma_wait3A_55] : memref<640000xi32, #tpu.memory_space<hbm>> -> memref<80xi32, #tpu.memory_space<hbm>>
      %dma_wait3A_57 = arith.constant 0 : i32
      %dma_wait3A_58 = tpu.memref_slice %arg3[%dma_wait3A_57] : memref<640000xi32, #tpu.memory_space<hbm>> -> memref<80xi32, #tpu.memory_space<hbm>>
      tpu.wait_dma2 semaphore(%arg17 : memref<!tpu.dma_semaphore, #tpu.memory_space<semaphore_mem>>) src(%dma_wait3A_58 : memref<80xi32, #tpu.memory_space<hbm>>) dst(%arg11 : memref<80xi32, #tpu.memory_space<vmem>>)
      %dma_wait3A_59 = arith.constant 0 : i32
      %dma_wait3A_60 = tpu.memref_slice %arg4[%dma_wait3A_59] : memref<320000xi32, #tpu.memory_space<hbm>> -> memref<80xi32, #tpu.memory_space<hbm>>
      %dma_wait3A_61 = arith.constant 0 : i32
      %dma_wait3A_62 = tpu.memref_slice %arg4[%dma_wait3A_61] : memref<320000xi32, #tpu.memory_space<hbm>> -> memref<80xi32, #tpu.memory_space<hbm>>
      tpu.wait_dma2 semaphore(%arg17 : memref<!tpu.dma_semaphore, #tpu.memory_space<semaphore_mem>>) src(%dma_wait3A_62 : memref<80xi32, #tpu.memory_space<hbm>>) dst(%arg12 : memref<80xi32, #tpu.memory_space<vmem>>)
      %dma_wait3A_63 = arith.constant 0 : i32
      %dma_wait3A_64 = arith.constant 0 : i32
      %dma_wait3A_65 = tpu.memref_slice %arg5[%dma_wait3A_63, %dma_wait3A_64] : memref<320000x16xf32, #tpu.memory_space<hbm>> -> memref<80x16xf32, #tpu.memory_space<hbm>>
      %dma_wait3A_66 = arith.constant 0 : i32
      %dma_wait3A_67 = arith.constant 0 : i32
      %dma_wait3A_68 = tpu.memref_slice %arg5[%dma_wait3A_66, %dma_wait3A_67] : memref<320000x16xf32, #tpu.memory_space<hbm>> -> memref<80x16xf32, #tpu.memory_space<hbm>>
      tpu.wait_dma2 semaphore(%arg17 : memref<!tpu.dma_semaphore, #tpu.memory_space<semaphore_mem>>) src(%dma_wait3A_68 : memref<80x16xf32, #tpu.memory_space<hbm>>) dst(%arg13 : memref<80x16xf32, #tpu.memory_space<vmem>>)
      %dma_start3A_69 = arith.constant 0 : i32
      %dma_start3A_70 = arith.constant 0 : i32
      %dma_start3A_71 = tpu.memref_slice %arg2[%dma_start3A_69, %dma_start3A_70] : memref<20000x64xf32, #tpu.memory_space<hbm>> -> memref<20000x64xf32, #tpu.memory_space<hbm>>
      tpu.enqueue_indirect_dma source(%dma_start3A_71 : memref<20000x64xf32, #tpu.memory_space<hbm>>) target(%arg14 : memref<80x64xf32, #tpu.memory_space<vmem>>) offsets(%arg11 : memref<80xi32, #tpu.memory_space<vmem>>) semaphore(%arg19 : memref<!tpu.dma_semaphore, #tpu.memory_space<semaphore_mem>>)
      %dma_wait3A_72 = arith.constant 0 : i32
      %dma_wait3A_73 = arith.constant 0 : i32
      %dma_wait3A_74 = tpu.memref_slice %arg2[%dma_wait3A_72, %dma_wait3A_73] : memref<20000x64xf32, #tpu.memory_space<hbm>> -> memref<20000x64xf32, #tpu.memory_space<hbm>>
      tpu.wait_indirect_dma semaphore(%arg18 : memref<!tpu.dma_semaphore, #tpu.memory_space<semaphore_mem>>) src(%dma_wait3A_74 : memref<20000x64xf32, #tpu.memory_space<hbm>>) dst(%arg10 : memref<80x64xf32, #tpu.memory_space<vmem>>)
      %scan3A_75 = arith.constant 0 : i32
      %scan3A_76 = arith.constant 0 : i32
      %scan3A_77 = arith.constant 80 : i32
      %scan3A_78 = arith.addi %scan3A_76, %scan3A_77 : i32
      %scan3A_79 = arith.constant 1 : i32
      scf.for %scan3A_101 = %scan3A_76 to %scan3A_78 step %scan3A_79  : i32 {
        %get3A = arith.index_cast %scan3A_101 : i32 to index
        %get3A_102 = arith.constant 0 : index
        %get3A_103 = tpu.vector_load %arg9[%get3A, %get3A_102] {strides = array<i32>} : memref<80x16xf32, #tpu.memory_space<vmem>>, vector<1x16xf32>,
        %get3A_104 = vector.shape_cast %get3A_103 : vector<1x16xf32> to vector<16xf32>
        %get3A_105 = arith.index_cast %scan3A_101 : i32 to index
        %get3A_106 = arith.constant 0 : index
        %get3A_107 = tpu.vector_load %arg10[%get3A_105, %get3A_106] {strides = array<i32>} : memref<80x64xf32, #tpu.memory_space<vmem>>, vector<1x16xf32>,
        %get3A_108 = vector.shape_cast %get3A_107 : vector<1x16xf32> to vector<16xf32>
        %mul3A_109 = arith.mulf %get3A_108, %get3A_104 : vector<16xf32>
        %swap3A = arith.index_cast %scan3A_101 : i32 to index
        %swap3A_110 = arith.constant 0 : index
        %swap3A_111 = tpu.vector_load %arg10[%swap3A, %swap3A_110] {strides = array<i32>} : memref<80x64xf32, #tpu.memory_space<vmem>>, vector<1x16xf32>,
        %swap3A_112 = vector.shape_cast %swap3A_111 : vector<1x16xf32> to vector<16xf32>
        %swap3A_113 = vector.shape_cast %mul3A_109 : vector<16xf32> to vector<1x16xf32>
        tpu.vector_store %arg10[%swap3A, %swap3A_110], %swap3A_113 {strides = array<i32>} : memref<80x64xf32, #tpu.memory_space<vmem>>, vector<1x16xf32>,
        %get3A_114 = arith.index_cast %scan3A_101 : i32 to index
        %get3A_115 = arith.constant 16 : index
        %get3A_116 = tpu.vector_load %arg10[%get3A_114, %get3A_115] {strides = array<i32>} : memref<80x64xf32, #tpu.memory_space<vmem>>, vector<1x16xf32>,
        %get3A_117 = vector.shape_cast %get3A_116 : vector<1x16xf32> to vector<16xf32>
        %mul3A_118 = arith.mulf %get3A_117, %get3A_104 : vector<16xf32>
        %swap3A_119 = arith.index_cast %scan3A_101 : i32 to index
        %swap3A_120 = arith.constant 16 : index
        %swap3A_121 = tpu.vector_load %arg10[%swap3A_119, %swap3A_120] {strides = array<i32>} : memref<80x64xf32, #tpu.memory_space<vmem>>, vector<1x16xf32>,
        %swap3A_122 = vector.shape_cast %swap3A_121 : vector<1x16xf32> to vector<16xf32>
        %swap3A_123 = vector.shape_cast %mul3A_118 : vector<16xf32> to vector<1x16xf32>
        tpu.vector_store %arg10[%swap3A_119, %swap3A_120], %swap3A_123 {strides = array<i32>} : memref<80x64xf32, #tpu.memory_space<vmem>>, vector<1x16xf32>,
        %get3A_124 = arith.index_cast %scan3A_101 : i32 to index
        %get3A_125 = arith.constant 32 : index
        %get3A_126 = tpu.vector_load %arg10[%get3A_124, %get3A_125] {strides = array<i32>} : memref<80x64xf32, #tpu.memory_space<vmem>>, vector<1x16xf32>,
        %get3A_127 = vector.shape_cast %get3A_126 : vector<1x16xf32> to vector<16xf32>
        %mul3A_128 = arith.mulf %get3A_127, %get3A_104 : vector<16xf32>
        %swap3A_129 = arith.index_cast %scan3A_101 : i32 to index
        %swap3A_130 = arith.constant 32 : index
        %swap3A_131 = tpu.vector_load %arg10[%swap3A_129, %swap3A_130] {strides = array<i32>} : memref<80x64xf32, #tpu.memory_space<vmem>>, vector<1x16xf32>,
        %swap3A_132 = vector.shape_cast %swap3A_131 : vector<1x16xf32> to vector<16xf32>
        %swap3A_133 = vector.shape_cast %mul3A_128 : vector<16xf32> to vector<1x16xf32>
        tpu.vector_store %arg10[%swap3A_129, %swap3A_130], %swap3A_133 {strides = array<i32>} : memref<80x64xf32, #tpu.memory_space<vmem>>, vector<1x16xf32>,
        %get3A_134 = arith.index_cast %scan3A_101 : i32 to index
        %get3A_135 = arith.constant 48 : index
        %get3A_136 = tpu.vector_load %arg10[%get3A_134, %get3A_135] {strides = array<i32>} : memref<80x64xf32, #tpu.memory_space<vmem>>, vector<1x16xf32>,
        %get3A_137 = vector.shape_cast %get3A_136 : vector<1x16xf32> to vector<16xf32>
        %mul3A_138 = arith.mulf %get3A_137, %get3A_104 : vector<16xf32>
        %swap3A_139 = arith.index_cast %scan3A_101 : i32 to index
        %swap3A_140 = arith.constant 48 : index
        %swap3A_141 = tpu.vector_load %arg10[%swap3A_139, %swap3A_140] {strides = array<i32>} : memref<80x64xf32, #tpu.memory_space<vmem>>, vector<1x16xf32>,
        %swap3A_142 = vector.shape_cast %swap3A_141 : vector<1x16xf32> to vector<16xf32>
        %swap3A_143 = vector.shape_cast %mul3A_138 : vector<16xf32> to vector<1x16xf32>
        tpu.vector_store %arg10[%swap3A_139, %swap3A_140], %swap3A_143 {strides = array<i32>} : memref<80x64xf32, #tpu.memory_space<vmem>>, vector<1x16xf32>,
      }
      %scan3A_80 = arith.constant 80 : i32
      "tpu.region"() ({
        %run_scoped3A = tpu.sem_alloc : memref<!tpu.dma_semaphore, #tpu.memory_space<semaphore_mem>>
        %dma_start3A_101 = arith.constant 0 : i32
        %dma_start3A_102 = arith.constant 0 : i32
        %dma_start3A_103 = tpu.memref_slice %arg15[%dma_start3A_101, %dma_start3A_102] : memref<10000x64xf32, #tpu.memory_space<vmem_shared>> -> memref<10000x64xf32, #tpu.memory_space<vmem_shared>>
        tpu.enqueue_indirect_dma source(%arg10 : memref<80x64xf32, #tpu.memory_space<vmem>>) target(%dma_start3A_103 : memref<10000x64xf32, #tpu.memory_space<vmem_shared>>) offsets(%arg8 : memref<80xi32, #tpu.memory_space<vmem>>) semaphore(%run_scoped3A : memref<!tpu.dma_semaphore, #tpu.memory_space<semaphore_mem>>) {add = true}
        %dma_wait3A_104 = arith.constant 0 : i32
        %dma_wait3A_105 = arith.constant 0 : i32
        %dma_wait3A_106 = tpu.memref_slice %arg15[%dma_wait3A_104, %dma_wait3A_105] : memref<10000x64xf32, #tpu.memory_space<vmem_shared>> -> memref<10000x64xf32, #tpu.memory_space<vmem_shared>>
        tpu.wait_indirect_dma semaphore(%run_scoped3A : memref<!tpu.dma_semaphore, #tpu.memory_space<semaphore_mem>>) src(%arg10 : memref<80x64xf32, #tpu.memory_space<vmem>>) dst(%dma_wait3A_106 : memref<10000x64xf32, #tpu.memory_space<vmem_shared>>)
        tpu.yield
      }) : () -> ()
      %add3A_81 = arith.constant 2 : i32
      %add3A_82 = arith.addi %mul3A_54, %add3A_81 : i32
      %lt3A = arith.constant 250 : i32
      %lt3A_83 = arith.cmpi slt, %add3A_82, %lt3A : i32
      %convert_element_type3A = arith.extui %lt3A_83 : i1 to i32
      %cond3A = arith.constant 0 : i32
      %cond3A_84 = arith.cmpi ne, %convert_element_type3A, %cond3A : i32
      scf.if %cond3A_84 {
        %add3A_101 = arith.constant 2 : i32
        %add3A_102 = arith.addi %mul3A_54, %add3A_101 : i32
        %mul3A_103 = arith.constant 80 : i32
        %mul3A_104 = arith.muli %add3A_102, %mul3A_103 : i32
        %add3A_105 = arith.addi %mul3A_5, %mul3A_104 : i32
        %add3A_106 = arith.addi %mul3A_7, %add3A_105 : i32
        %dma_start3A_107 = tpu.memref_slice %arg3[%add3A_106] : memref<640000xi32, #tpu.memory_space<hbm>> -> memref<80xi32, #tpu.memory_space<hbm>>
        %dma_start3A_108 = tpu.memref_slice %arg3[%add3A_106] : memref<640000xi32, #tpu.memory_space<hbm>> -> memref<80xi32, #tpu.memory_space<hbm>>
        tpu.enqueue_dma source(%dma_start3A_108 : memref<80xi32, #tpu.memory_space<hbm>>) target(%arg7 : memref<80xi32, #tpu.memory_space<vmem>>) target_semaphore(%arg16 : memref<!tpu.dma_semaphore, #tpu.memory_space<semaphore_mem>>)
        %dma_start3A_109 = tpu.memref_slice %arg4[%add3A_105] : memref<320000xi32, #tpu.memory_space<hbm>> -> memref<80xi32, #tpu.memory_space<hbm>>
        %dma_start3A_110 = tpu.memref_slice %arg4[%add3A_105] : memref<320000xi32, #tpu.memory_space<hbm>> -> memref<80xi32, #tpu.memory_space<hbm>>
        tpu.enqueue_dma source(%dma_start3A_110 : memref<80xi32, #tpu.memory_space<hbm>>) target(%arg8 : memref<80xi32, #tpu.memory_space<vmem>>) target_semaphore(%arg16 : memref<!tpu.dma_semaphore, #tpu.memory_space<semaphore_mem>>)
        %dma_start3A_111 = arith.constant 0 : i32
        %dma_start3A_112 = tpu.memref_slice %arg5[%add3A_105, %dma_start3A_111] : memref<320000x16xf32, #tpu.memory_space<hbm>> -> memref<80x16xf32, #tpu.memory_space<hbm>>
        %dma_start3A_113 = arith.constant 0 : i32
        %dma_start3A_114 = tpu.memref_slice %arg5[%add3A_105, %dma_start3A_113] : memref<320000x16xf32, #tpu.memory_space<hbm>> -> memref<80x16xf32, #tpu.memory_space<hbm>>
        tpu.enqueue_dma source(%dma_start3A_114 : memref<80x16xf32, #tpu.memory_space<hbm>>) target(%arg9 : memref<80x16xf32, #tpu.memory_space<vmem>>) target_semaphore(%arg16 : memref<!tpu.dma_semaphore, #tpu.memory_space<semaphore_mem>>)
        %dma_wait3A_115 = arith.constant 0 : i32
        %dma_wait3A_116 = tpu.memref_slice %arg3[%dma_wait3A_115] : memref<640000xi32, #tpu.memory_space<hbm>> -> memref<80xi32, #tpu.memory_space<hbm>>
        %dma_wait3A_117 = arith.constant 0 : i32
        %dma_wait3A_118 = tpu.memref_slice %arg3[%dma_wait3A_117] : memref<640000xi32, #tpu.memory_space<hbm>> -> memref<80xi32, #tpu.memory_space<hbm>>
        tpu.wait_dma2 semaphore(%arg16 : memref<!tpu.dma_semaphore, #tpu.memory_space<semaphore_mem>>) src(%dma_wait3A_118 : memref<80xi32, #tpu.memory_space<hbm>>) dst(%arg7 : memref<80xi32, #tpu.memory_space<vmem>>)
        %dma_wait3A_119 = arith.constant 0 : i32
        %dma_wait3A_120 = tpu.memref_slice %arg4[%dma_wait3A_119] : memref<320000xi32, #tpu.memory_space<hbm>> -> memref<80xi32, #tpu.memory_space<hbm>>
        %dma_wait3A_121 = arith.constant 0 : i32
        %dma_wait3A_122 = tpu.memref_slice %arg4[%dma_wait3A_121] : memref<320000xi32, #tpu.memory_space<hbm>> -> memref<80xi32, #tpu.memory_space<hbm>>
        tpu.wait_dma2 semaphore(%arg16 : memref<!tpu.dma_semaphore, #tpu.memory_space<semaphore_mem>>) src(%dma_wait3A_122 : memref<80xi32, #tpu.memory_space<hbm>>) dst(%arg8 : memref<80xi32, #tpu.memory_space<vmem>>)
        %dma_wait3A_123 = arith.constant 0 : i32
        %dma_wait3A_124 = arith.constant 0 : i32
        %dma_wait3A_125 = tpu.memref_slice %arg5[%dma_wait3A_123, %dma_wait3A_124] : memref<320000x16xf32, #tpu.memory_space<hbm>> -> memref<80x16xf32, #tpu.memory_space<hbm>>
        %dma_wait3A_126 = arith.constant 0 : i32
        %dma_wait3A_127 = arith.constant 0 : i32
        %dma_wait3A_128 = tpu.memref_slice %arg5[%dma_wait3A_126, %dma_wait3A_127] : memref<320000x16xf32, #tpu.memory_space<hbm>> -> memref<80x16xf32, #tpu.memory_space<hbm>>
        tpu.wait_dma2 semaphore(%arg16 : memref<!tpu.dma_semaphore, #tpu.memory_space<semaphore_mem>>) src(%dma_wait3A_128 : memref<80x16xf32, #tpu.memory_space<hbm>>) dst(%arg9 : memref<80x16xf32, #tpu.memory_space<vmem>>)
        %dma_start3A_129 = arith.constant 0 : i32
        %dma_start3A_130 = arith.constant 0 : i32
        %dma_start3A_131 = tpu.memref_slice %arg2[%dma_start3A_129, %dma_start3A_130] : memref<20000x64xf32, #tpu.memory_space<hbm>> -> memref<20000x64xf32, #tpu.memory_space<hbm>>
        tpu.enqueue_indirect_dma source(%dma_start3A_131 : memref<20000x64xf32, #tpu.memory_space<hbm>>) target(%arg10 : memref<80x64xf32, #tpu.memory_space<vmem>>) offsets(%arg7 : memref<80xi32, #tpu.memory_space<vmem>>) semaphore(%arg18 : memref<!tpu.dma_semaphore, #tpu.memory_space<semaphore_mem>>)
      } else {
      }
      %dma_wait3A_85 = arith.constant 0 : i32
      %dma_wait3A_86 = arith.constant 0 : i32
      %dma_wait3A_87 = tpu.memref_slice %arg2[%dma_wait3A_85, %dma_wait3A_86] : memref<20000x64xf32, #tpu.memory_space<hbm>> -> memref<20000x64xf32, #tpu.memory_space<hbm>>
      tpu.wait_indirect_dma semaphore(%arg19 : memref<!tpu.dma_semaphore, #tpu.memory_space<semaphore_mem>>) src(%dma_wait3A_87 : memref<20000x64xf32, #tpu.memory_space<hbm>>) dst(%arg14 : memref<80x64xf32, #tpu.memory_space<vmem>>)
      %scan3A_88 = arith.constant 0 : i32
      %scan3A_89 = arith.constant 0 : i32
      %scan3A_90 = arith.constant 80 : i32
      %scan3A_91 = arith.addi %scan3A_89, %scan3A_90 : i32
      %scan3A_92 = arith.constant 1 : i32
      scf.for %scan3A_101 = %scan3A_89 to %scan3A_91 step %scan3A_92  : i32 {
        %get3A = arith.index_cast %scan3A_101 : i32 to index
        %get3A_102 = arith.constant 0 : index
        %get3A_103 = tpu.vector_load %arg13[%get3A, %get3A_102] {strides = array<i32>} : memref<80x16xf32, #tpu.memory_space<vmem>>, vector<1x16xf32>,
        %get3A_104 = vector.shape_cast %get3A_103 : vector<1x16xf32> to vector<16xf32>
        %get3A_105 = arith.index_cast %scan3A_101 : i32 to index
        %get3A_106 = arith.constant 0 : index
        %get3A_107 = tpu.vector_load %arg14[%get3A_105, %get3A_106] {strides = array<i32>} : memref<80x64xf32, #tpu.memory_space<vmem>>, vector<1x16xf32>,
        %get3A_108 = vector.shape_cast %get3A_107 : vector<1x16xf32> to vector<16xf32>
        %mul3A_109 = arith.mulf %get3A_108, %get3A_104 : vector<16xf32>
        %swap3A = arith.index_cast %scan3A_101 : i32 to index
        %swap3A_110 = arith.constant 0 : index
        %swap3A_111 = tpu.vector_load %arg14[%swap3A, %swap3A_110] {strides = array<i32>} : memref<80x64xf32, #tpu.memory_space<vmem>>, vector<1x16xf32>,
        %swap3A_112 = vector.shape_cast %swap3A_111 : vector<1x16xf32> to vector<16xf32>
        %swap3A_113 = vector.shape_cast %mul3A_109 : vector<16xf32> to vector<1x16xf32>
        tpu.vector_store %arg14[%swap3A, %swap3A_110], %swap3A_113 {strides = array<i32>} : memref<80x64xf32, #tpu.memory_space<vmem>>, vector<1x16xf32>,
        %get3A_114 = arith.index_cast %scan3A_101 : i32 to index
        %get3A_115 = arith.constant 16 : index
        %get3A_116 = tpu.vector_load %arg14[%get3A_114, %get3A_115] {strides = array<i32>} : memref<80x64xf32, #tpu.memory_space<vmem>>, vector<1x16xf32>,
        %get3A_117 = vector.shape_cast %get3A_116 : vector<1x16xf32> to vector<16xf32>
        %mul3A_118 = arith.mulf %get3A_117, %get3A_104 : vector<16xf32>
        %swap3A_119 = arith.index_cast %scan3A_101 : i32 to index
        %swap3A_120 = arith.constant 16 : index
        %swap3A_121 = tpu.vector_load %arg14[%swap3A_119, %swap3A_120] {strides = array<i32>} : memref<80x64xf32, #tpu.memory_space<vmem>>, vector<1x16xf32>,
        %swap3A_122 = vector.shape_cast %swap3A_121 : vector<1x16xf32> to vector<16xf32>
        %swap3A_123 = vector.shape_cast %mul3A_118 : vector<16xf32> to vector<1x16xf32>
        tpu.vector_store %arg14[%swap3A_119, %swap3A_120], %swap3A_123 {strides = array<i32>} : memref<80x64xf32, #tpu.memory_space<vmem>>, vector<1x16xf32>,
        %get3A_124 = arith.index_cast %scan3A_101 : i32 to index
        %get3A_125 = arith.constant 32 : index
        %get3A_126 = tpu.vector_load %arg14[%get3A_124, %get3A_125] {strides = array<i32>} : memref<80x64xf32, #tpu.memory_space<vmem>>, vector<1x16xf32>,
        %get3A_127 = vector.shape_cast %get3A_126 : vector<1x16xf32> to vector<16xf32>
        %mul3A_128 = arith.mulf %get3A_127, %get3A_104 : vector<16xf32>
        %swap3A_129 = arith.index_cast %scan3A_101 : i32 to index
        %swap3A_130 = arith.constant 32 : index
        %swap3A_131 = tpu.vector_load %arg14[%swap3A_129, %swap3A_130] {strides = array<i32>} : memref<80x64xf32, #tpu.memory_space<vmem>>, vector<1x16xf32>,
        %swap3A_132 = vector.shape_cast %swap3A_131 : vector<1x16xf32> to vector<16xf32>
        %swap3A_133 = vector.shape_cast %mul3A_128 : vector<16xf32> to vector<1x16xf32>
        tpu.vector_store %arg14[%swap3A_129, %swap3A_130], %swap3A_133 {strides = array<i32>} : memref<80x64xf32, #tpu.memory_space<vmem>>, vector<1x16xf32>,
        %get3A_134 = arith.index_cast %scan3A_101 : i32 to index
        %get3A_135 = arith.constant 48 : index
        %get3A_136 = tpu.vector_load %arg14[%get3A_134, %get3A_135] {strides = array<i32>} : memref<80x64xf32, #tpu.memory_space<vmem>>, vector<1x16xf32>,
        %get3A_137 = vector.shape_cast %get3A_136 : vector<1x16xf32> to vector<16xf32>
        %mul3A_138 = arith.mulf %get3A_137, %get3A_104 : vector<16xf32>
        %swap3A_139 = arith.index_cast %scan3A_101 : i32 to index
        %swap3A_140 = arith.constant 48 : index
        %swap3A_141 = tpu.vector_load %arg14[%swap3A_139, %swap3A_140] {strides = array<i32>} : memref<80x64xf32, #tpu.memory_space<vmem>>, vector<1x16xf32>,
        %swap3A_142 = vector.shape_cast %swap3A_141 : vector<1x16xf32> to vector<16xf32>
        %swap3A_143 = vector.shape_cast %mul3A_138 : vector<16xf32> to vector<1x16xf32>
        tpu.vector_store %arg14[%swap3A_139, %swap3A_140], %swap3A_143 {strides = array<i32>} : memref<80x64xf32, #tpu.memory_space<vmem>>, vector<1x16xf32>,
      }
      %scan3A_93 = arith.constant 80 : i32
      "tpu.region"() ({
        %run_scoped3A = tpu.sem_alloc : memref<!tpu.dma_semaphore, #tpu.memory_space<semaphore_mem>>
        %dma_start3A_101 = arith.constant 0 : i32
        %dma_start3A_102 = arith.constant 0 : i32
        %dma_start3A_103 = tpu.memref_slice %arg15[%dma_start3A_101, %dma_start3A_102] : memref<10000x64xf32, #tpu.memory_space<vmem_shared>> -> memref<10000x64xf32, #tpu.memory_space<vmem_shared>>
        tpu.enqueue_indirect_dma source(%arg14 : memref<80x64xf32, #tpu.memory_space<vmem>>) target(%dma_start3A_103 : memref<10000x64xf32, #tpu.memory_space<vmem_shared>>) offsets(%arg12 : memref<80xi32, #tpu.memory_space<vmem>>) semaphore(%run_scoped3A : memref<!tpu.dma_semaphore, #tpu.memory_space<semaphore_mem>>) {add = true}
        %dma_wait3A_104 = arith.constant 0 : i32
        %dma_wait3A_105 = arith.constant 0 : i32
        %dma_wait3A_106 = tpu.memref_slice %arg15[%dma_wait3A_104, %dma_wait3A_105] : memref<10000x64xf32, #tpu.memory_space<vmem_shared>> -> memref<10000x64xf32, #tpu.memory_space<vmem_shared>>
        tpu.wait_indirect_dma semaphore(%run_scoped3A : memref<!tpu.dma_semaphore, #tpu.memory_space<semaphore_mem>>) src(%arg14 : memref<80x64xf32, #tpu.memory_space<vmem>>) dst(%dma_wait3A_106 : memref<10000x64xf32, #tpu.memory_space<vmem_shared>>)
        tpu.yield
      }) : () -> ()
      %add3A_94 = arith.constant 3 : i32
      %add3A_95 = arith.addi %mul3A_54, %add3A_94 : i32
      %lt3A_96 = arith.constant 250 : i32
      %lt3A_97 = arith.cmpi slt, %add3A_95, %lt3A_96 : i32
      %convert_element_type3A_98 = arith.extui %lt3A_97 : i1 to i32
      %cond3A_99 = arith.constant 0 : i32
      %cond3A_100 = arith.cmpi ne, %convert_element_type3A_98, %cond3A_99 : i32
      scf.if %cond3A_100 {
        %add3A_101 = arith.constant 3 : i32
        %add3A_102 = arith.addi %mul3A_54, %add3A_101 : i32
        %mul3A_103 = arith.constant 80 : i32
        %mul3A_104 = arith.muli %add3A_102, %mul3A_103 : i32
        %add3A_105 = arith.addi %mul3A_5, %mul3A_104 : i32
        %add3A_106 = arith.addi %mul3A_7, %add3A_105 : i32
        %dma_start3A_107 = tpu.memref_slice %arg3[%add3A_106] : memref<640000xi32, #tpu.memory_space<hbm>> -> memref<80xi32, #tpu.memory_space<hbm>>
        %dma_start3A_108 = tpu.memref_slice %arg3[%add3A_106] : memref<640000xi32, #tpu.memory_space<hbm>> -> memref<80xi32, #tpu.memory_space<hbm>>
        tpu.enqueue_dma source(%dma_start3A_108 : memref<80xi32, #tpu.memory_space<hbm>>) target(%arg11 : memref<80xi32, #tpu.memory_space<vmem>>) target_semaphore(%arg17 : memref<!tpu.dma_semaphore, #tpu.memory_space<semaphore_mem>>)
        %dma_start3A_109 = tpu.memref_slice %arg4[%add3A_105] : memref<320000xi32, #tpu.memory_space<hbm>> -> memref<80xi32, #tpu.memory_space<hbm>>
        %dma_start3A_110 = tpu.memref_slice %arg4[%add3A_105] : memref<320000xi32, #tpu.memory_space<hbm>> -> memref<80xi32, #tpu.memory_space<hbm>>
        tpu.enqueue_dma source(%dma_start3A_110 : memref<80xi32, #tpu.memory_space<hbm>>) target(%arg12 : memref<80xi32, #tpu.memory_space<vmem>>) target_semaphore(%arg17 : memref<!tpu.dma_semaphore, #tpu.memory_space<semaphore_mem>>)
        %dma_start3A_111 = arith.constant 0 : i32
        %dma_start3A_112 = tpu.memref_slice %arg5[%add3A_105, %dma_start3A_111] : memref<320000x16xf32, #tpu.memory_space<hbm>> -> memref<80x16xf32, #tpu.memory_space<hbm>>
        %dma_start3A_113 = arith.constant 0 : i32
        %dma_start3A_114 = tpu.memref_slice %arg5[%add3A_105, %dma_start3A_113] : memref<320000x16xf32, #tpu.memory_space<hbm>> -> memref<80x16xf32, #tpu.memory_space<hbm>>
        tpu.enqueue_dma source(%dma_start3A_114 : memref<80x16xf32, #tpu.memory_space<hbm>>) target(%arg13 : memref<80x16xf32, #tpu.memory_space<vmem>>) target_semaphore(%arg17 : memref<!tpu.dma_semaphore, #tpu.memory_space<semaphore_mem>>)
      } else {
      }
    }
    %scan3A_49 = arith.constant 125 : i32
    %barrier3A_50 = arith.constant 0 : index
    tpu.barrier barrier_id(%barrier3A_50)
    %add3A_51 = arith.addi %mul3A_3, %min3A_1 : i32
    "tpu.region"() ({
      %run_scoped3A = tpu.sem_alloc : memref<!tpu.dma_semaphore, #tpu.memory_space<semaphore_mem>>
      %dma_start3A_52 = arith.constant 0 : i32
      %dma_start3A_53 = tpu.memref_slice %arg6[%add3A_51, %dma_start3A_52] : memref<20000x64xf32, #tpu.memory_space<hbm>> -> memref<640x64xf32, #tpu.memory_space<hbm>>
      %dma_start3A_54 = arith.constant 0 : i32
      %dma_start3A_55 = tpu.memref_slice %arg15[%min3A_1, %dma_start3A_54] : memref<10000x64xf32, #tpu.memory_space<vmem_shared>> -> memref<640x64xf32, #tpu.memory_space<vmem_shared>>
      tpu.enqueue_dma source(%dma_start3A_55 : memref<640x64xf32, #tpu.memory_space<vmem_shared>>) target(%dma_start3A_53 : memref<640x64xf32, #tpu.memory_space<hbm>>) target_semaphore(%run_scoped3A : memref<!tpu.dma_semaphore, #tpu.memory_space<semaphore_mem>>)
      %dma_wait3A_56 = arith.constant 0 : i32
      %dma_wait3A_57 = tpu.memref_slice %arg6[%add3A_51, %dma_wait3A_56] : memref<20000x64xf32, #tpu.memory_space<hbm>> -> memref<640x64xf32, #tpu.memory_space<hbm>>
      %dma_wait3A_58 = arith.constant 0 : i32
      %dma_wait3A_59 = tpu.memref_slice %arg15[%min3A_1, %dma_wait3A_58] : memref<10000x64xf32, #tpu.memory_space<vmem_shared>> -> memref<640x64xf32, #tpu.memory_space<vmem_shared>>
      tpu.wait_dma2 semaphore(%run_scoped3A : memref<!tpu.dma_semaphore, #tpu.memory_space<semaphore_mem>>) src(%dma_wait3A_59 : memref<640x64xf32, #tpu.memory_space<vmem_shared>>) dst(%dma_wait3A_57 : memref<640x64xf32, #tpu.memory_space<hbm>>)
      tpu.yield
    }) : () -> ()
    return
  }
}

module attributes {stable_mosaic.version = 14 : i64} {
  func.func @body(%arg0: i32, %arg1: memref<400x128xf32, #tpu.memory_space<vmem>>, %arg2: memref<400x16xf32, #tpu.memory_space<vmem>>, %arg3: memref<400x16xf32, #tpu.memory_space<vmem>>, %arg4: memref<2x400x64xf32, #tpu.memory_space<vmem>>, %arg5: memref<400x1xf32, #tpu.memory_space<vmem>>) attributes {dimension_semantics = [#tpu.dimension_semantics<arbitrary>], iteration_bounds = array<i64: 25>, scalar_prefetch = 0 : i64, scratch_operands = 0 : i64, tpu.core_type = #tpu.core_type<tc>, window_params = [{transform_indices = @transform_0, window_bounds = array<i64: 400, 128>}, {transform_indices = @transform_1, window_bounds = array<i64: 400, 16>}, {transform_indices = @transform_2, window_bounds = array<i64: 400, 16>}, {transform_indices = @transform_3, window_bounds = array<i64: 2, 400, 64>}, {transform_indices = @transform_4, window_bounds = array<i64: 400, 1>}]} {
    %get3A = arith.constant 0 : index
    %get3A_0 = arith.constant 0 : index
    %get3A_1 = vector.load %arg2[%get3A, %get3A_0] : memref<400x16xf32, #tpu.memory_space<vmem>>, vector<400x1xf32>
    %get3A_2 = arith.constant 0 : index
    %get3A_3 = arith.constant 0 : index
    %get3A_4 = vector.load %arg3[%get3A_2, %get3A_3] : memref<400x16xf32, #tpu.memory_space<vmem>>, vector<400x1xf32>
    %add3A = arith.addf %get3A_1, %get3A_4 : vector<400x1xf32>
    %add3A_5 = arith.constant 1.000000e+00 : f32
    %add3A_6 = vector.broadcast %add3A_5 : f32 to vector<400x1xf32>
    %add3A_7 = arith.addf %add3A, %add3A_6 : vector<400x1xf32>
    %rsqrt3A = math.rsqrt %add3A_7 : vector<400x1xf32>
    %get3A_8 = arith.constant 0 : index
    %get3A_9 = arith.constant 0 : index
    %get3A_10 = vector.load %arg1[%get3A_8, %get3A_9] : memref<400x128xf32, #tpu.memory_space<vmem>>, vector<400x128xf32>
    %mul3A = vector.broadcast %rsqrt3A : vector<400x1xf32> to vector<400x128xf32>
    %mul3A_11 = arith.mulf %get3A_10, %mul3A : vector<400x128xf32>
    %slice3A = vector.extract_strided_slice %mul3A_11 {offsets = [0, 0], sizes = [400, 64], strides = [1, 1]} : vector<400x128xf32> to vector<400x64xf32>
    %swap3A = arith.constant 0 : index
    %swap3A_12 = arith.constant 0 : index
    %swap3A_13 = arith.constant 0 : index
    %swap3A_14 = vector.load %arg4[%swap3A, %swap3A_12, %swap3A_13] : memref<2x400x64xf32, #tpu.memory_space<vmem>>, vector<1x400x64xf32>
    %swap3A_15 = vector.shape_cast %swap3A_14 : vector<1x400x64xf32> to vector<400x64xf32>
    %swap3A_16 = vector.shape_cast %slice3A : vector<400x64xf32> to vector<1x400x64xf32>
    tpu.vector_store %arg4[%swap3A, %swap3A_12, %swap3A_13], %swap3A_16 {strides = array<i32>} : memref<2x400x64xf32, #tpu.memory_space<vmem>>, vector<1x400x64xf32>,
    %slice3A_17 = vector.extract_strided_slice %mul3A_11 {offsets = [0, 64], sizes = [400, 64], strides = [1, 1]} : vector<400x128xf32> to vector<400x64xf32>
    %swap3A_18 = arith.constant 1 : index
    %swap3A_19 = arith.constant 0 : index
    %swap3A_20 = arith.constant 0 : index
    %swap3A_21 = vector.load %arg4[%swap3A_18, %swap3A_19, %swap3A_20] : memref<2x400x64xf32, #tpu.memory_space<vmem>>, vector<1x400x64xf32>
    %swap3A_22 = vector.shape_cast %swap3A_21 : vector<1x400x64xf32> to vector<400x64xf32>
    %swap3A_23 = vector.shape_cast %slice3A_17 : vector<400x64xf32> to vector<1x400x64xf32>
    tpu.vector_store %arg4[%swap3A_18, %swap3A_19, %swap3A_20], %swap3A_23 {strides = array<i32>} : memref<2x400x64xf32, #tpu.memory_space<vmem>>, vector<1x400x64xf32>,
    %swap3A_24 = arith.constant 0 : index
    %swap3A_25 = arith.constant 0 : index
    %swap3A_26 = vector.load %arg5[%swap3A_24, %swap3A_25] : memref<400x1xf32, #tpu.memory_space<vmem>>, vector<400x1xf32>
    tpu.vector_store %arg5[%swap3A_24, %swap3A_25], %rsqrt3A {strides = array<i32>} : memref<400x1xf32, #tpu.memory_space<vmem>>, vector<400x1xf32>,
    return
  }
  func.func @transform_0(%arg0: i32) -> (i32, i32) {
    %c0_i32 = arith.constant 0 : i32
    %c0_i32_0 = arith.constant 0 : i32
    return %arg0, %c0_i32 : i32, i32
  }
  func.func @transform_1(%arg0: i32) -> (i32, i32) {
    %c0_i32 = arith.constant 0 : i32
    %c0_i32_0 = arith.constant 0 : i32
    return %arg0, %c0_i32 : i32, i32
  }
  func.func @transform_2(%arg0: i32) -> (i32, i32) {
    %c0_i32 = arith.constant 0 : i32
    %c0_i32_0 = arith.constant 0 : i32
    return %arg0, %c0_i32 : i32, i32
  }
  func.func @transform_3(%arg0: i32) -> (i32, i32, i32) {
    %c0_i32 = arith.constant 0 : i32
    %c0_i32_0 = arith.constant 0 : i32
    %c0_i32_1 = arith.constant 0 : i32
    return %c0_i32, %arg0, %c0_i32_0 : i32, i32, i32
  }
  func.func @transform_4(%arg0: i32) -> (i32, i32) {
    %c0_i32 = arith.constant 0 : i32
    %c0_i32_0 = arith.constant 0 : i32
    return %arg0, %c0_i32 : i32, i32
  }
}

module attributes {stable_mosaic.version = 14 : i64} {
  func.func @body(%arg0: i32, %arg1: memref<2x400x64xf32, #tpu.memory_space<vmem>>, %arg2: memref<400x1xf32, #tpu.memory_space<vmem>>, %arg3: memref<128x512xf32, #tpu.memory_space<vmem>>, %arg4: memref<1x512xf32, #tpu.memory_space<vmem>>, %arg5: memref<400x512xf32, #tpu.memory_space<vmem>>) attributes {dimension_semantics = [#tpu.dimension_semantics<arbitrary>], iteration_bounds = array<i64: 25>, scalar_prefetch = 0 : i64, scratch_operands = 0 : i64, tpu.core_type = #tpu.core_type<tc>, window_params = [{transform_indices = @transform_0, window_bounds = array<i64: 2, 400, 64>}, {transform_indices = @transform_1, window_bounds = array<i64: 400, 1>}, {pipeline_mode = #tpu.pipeline_mode<synchronous>, transform_indices = @transform_2, window_bounds = array<i64: 128, 512>}, {pipeline_mode = #tpu.pipeline_mode<synchronous>, transform_indices = @transform_3, window_bounds = array<i64: 1, 512>}, {transform_indices = @transform_4, window_bounds = array<i64: 400, 512>}]} {
    %get3A = arith.constant 0 : index
    %get3A_0 = arith.constant 0 : index
    %get3A_1 = arith.constant 0 : index
    %get3A_2 = vector.load %arg1[%get3A, %get3A_0, %get3A_1] : memref<2x400x64xf32, #tpu.memory_space<vmem>>, vector<1x400x64xf32>
    %get3A_3 = vector.shape_cast %get3A_2 : vector<1x400x64xf32> to vector<400x64xf32>
    %get3A_4 = arith.constant 1 : index
    %get3A_5 = arith.constant 0 : index
    %get3A_6 = arith.constant 0 : index
    %get3A_7 = vector.load %arg1[%get3A_4, %get3A_5, %get3A_6] : memref<2x400x64xf32, #tpu.memory_space<vmem>>, vector<1x400x64xf32>
    %get3A_8 = vector.shape_cast %get3A_7 : vector<1x400x64xf32> to vector<400x64xf32>
    %concatenate3A = tpu.concatenate %get3A_3, %get3A_8 in 1 : vector<400x64xf32>, vector<400x64xf32> -> vector<400x128xf32>
    %get3A_9 = arith.constant 0 : index
    %get3A_10 = arith.constant 0 : index
    %get3A_11 = vector.load %arg2[%get3A_9, %get3A_10] : memref<400x1xf32, #tpu.memory_space<vmem>>, vector<400x1xf32>
    %mul3A = vector.broadcast %get3A_11 : vector<400x1xf32> to vector<400x128xf32>
    %mul3A_12 = arith.mulf %concatenate3A, %mul3A : vector<400x128xf32>
    %get3A_13 = arith.constant 0 : index
    %get3A_14 = arith.constant 0 : index
    %get3A_15 = vector.load %arg3[%get3A_13, %get3A_14] : memref<128x512xf32, #tpu.memory_space<vmem>>, vector<128x512xf32>
    %dot_general3A = arith.constant dense<0.000000e+00> : vector<400x512xf32>
    %dot_general3A_16 = tpu.matmul %mul3A_12, %get3A_15, %dot_general3A {dimension_numbers = #tpu.dot_dimension_numbers<[1], [0], [0], [1], [0, 0, 1, 1], [], []>, transpose_lhs_hint = false} : vector<400x128xf32>, vector<128x512xf32>, vector<400x512xf32> -> vector<400x512xf32>
    %get3A_17 = arith.constant 0 : index
    %get3A_18 = arith.constant 0 : index
    %get3A_19 = vector.load %arg4[%get3A_17, %get3A_18] : memref<1x512xf32, #tpu.memory_space<vmem>>, vector<1x512xf32>
    %add3A = vector.broadcast %get3A_19 : vector<1x512xf32> to vector<400x512xf32>
    %add3A_20 = arith.addf %dot_general3A_16, %add3A : vector<400x512xf32>
    %swap3A = arith.constant 0 : index
    %swap3A_21 = arith.constant 0 : index
    %swap3A_22 = vector.load %arg5[%swap3A, %swap3A_21] : memref<400x512xf32, #tpu.memory_space<vmem>>, vector<400x512xf32>
    tpu.vector_store %arg5[%swap3A, %swap3A_21], %add3A_20 {strides = array<i32>} : memref<400x512xf32, #tpu.memory_space<vmem>>, vector<400x512xf32>,
    return
  }
  func.func @transform_0(%arg0: i32) -> (i32, i32, i32) {
    %c0_i32 = arith.constant 0 : i32
    %c0_i32_0 = arith.constant 0 : i32
    %c0_i32_1 = arith.constant 0 : i32
    return %c0_i32, %arg0, %c0_i32_0 : i32, i32, i32
  }
  func.func @transform_1(%arg0: i32) -> (i32, i32) {
    %c0_i32 = arith.constant 0 : i32
    %c0_i32_0 = arith.constant 0 : i32
    return %arg0, %c0_i32 : i32, i32
  }
  func.func @transform_2(%arg0: i32) -> (i32, i32) {
    %c0_i32 = arith.constant 0 : i32
    %c0_i32_0 = arith.constant 0 : i32
    %c0_i32_1 = arith.constant 0 : i32
    return %c0_i32, %c0_i32_0 : i32, i32
  }
  func.func @transform_3(%arg0: i32) -> (i32, i32) {
    %c0_i32 = arith.constant 0 : i32
    %c0_i32_0 = arith.constant 0 : i32
    %c0_i32_1 = arith.constant 0 : i32
    return %c0_i32, %c0_i32_0 : i32, i32
  }
  func.func @transform_4(%arg0: i32) -> (i32, i32) {
    %c0_i32 = arith.constant 0 : i32
    %c0_i32_0 = arith.constant 0 : i32
    return %arg0, %c0_i32 : i32, i32
  }
}

module attributes {stable_mosaic.version = 14 : i64} {
  func.func @body(%arg0: i32, %arg1: memref<400x512xf32, #tpu.memory_space<vmem>>, %arg2: memref<1x512xf32, #tpu.memory_space<vmem>>, %arg3: memref<1x512xf32, #tpu.memory_space<vmem>>, %arg4: memref<2x512xf32, #tpu.memory_space<vmem>>) attributes {dimension_semantics = [#tpu.dimension_semantics<arbitrary>], iteration_bounds = array<i64: 25>, scalar_prefetch = 0 : i64, scratch_operands = 1 : i64, tpu.core_type = #tpu.core_type<tc>, window_params = [{transform_indices = @transform_0, window_bounds = array<i64: 400, 512>}, {pipeline_mode = #tpu.pipeline_mode<synchronous>, transform_indices = @transform_1, window_bounds = array<i64: 1, 512>}, {pipeline_mode = #tpu.pipeline_mode<synchronous>, transform_indices = @transform_2, window_bounds = array<i64: 1, 512>}]} {
    %eq3A = arith.constant 0 : i32
    %eq3A_0 = arith.cmpi eq, %arg0, %eq3A : i32
    %convert_element_type3A = arith.extui %eq3A_0 : i1 to i32
    %cond3A = arith.constant 0 : i32
    %cond3A_1 = arith.cmpi ne, %convert_element_type3A, %cond3A : i32
    scf.if %cond3A_1 {
      %broadcast_in_dim3A_25 = arith.constant 0.000000e+00 : f32
      %broadcast_in_dim3A_26 = vector.broadcast %broadcast_in_dim3A_25 : f32 to vector<2x512xf32>
      %swap3A_27 = arith.constant 0 : index
      %swap3A_28 = arith.constant 0 : index
      %swap3A_29 = vector.load %arg4[%swap3A_27, %swap3A_28] : memref<2x512xf32, #tpu.memory_space<vmem>>, vector<2x512xf32>
      tpu.vector_store %arg4[%swap3A_27, %swap3A_28], %broadcast_in_dim3A_26 {strides = array<i32>} : memref<2x512xf32, #tpu.memory_space<vmem>>, vector<2x512xf32>,
    } else {
    }
    %get3A = arith.constant 0 : index
    %get3A_2 = arith.constant 0 : index
    %get3A_3 = vector.load %arg1[%get3A, %get3A_2] : memref<400x512xf32, #tpu.memory_space<vmem>>, vector<400x512xf32>
    %get3A_4 = arith.constant 0 : index
    %get3A_5 = arith.constant 0 : index
    %get3A_6 = vector.load %arg4[%get3A_4, %get3A_5] : memref<2x512xf32, #tpu.memory_space<vmem>>, vector<1x512xf32>
    %reduce_sum3A = arith.constant dense<0.000000e+00> : vector<512xf32>
    %reduce_sum3A_7 = vector.multi_reduction <add>, %get3A_3, %reduce_sum3A [0] : vector<400x512xf32> to vector<512xf32>
    %broadcast_in_dim3A = vector.shape_cast %reduce_sum3A_7 : vector<512xf32> to vector<1x512xf32>
    %add3A = arith.addf %get3A_6, %broadcast_in_dim3A : vector<1x512xf32>
    %swap3A = arith.constant 0 : index
    %swap3A_8 = arith.constant 0 : index
    %swap3A_9 = vector.load %arg4[%swap3A, %swap3A_8] : memref<2x512xf32, #tpu.memory_space<vmem>>, vector<1x512xf32>
    tpu.vector_store %arg4[%swap3A, %swap3A_8], %add3A {strides = array<i32>} : memref<2x512xf32, #tpu.memory_space<vmem>>, vector<1x512xf32>,
    %get3A_10 = arith.constant 1 : index
    %get3A_11 = arith.constant 0 : index
    %get3A_12 = vector.load %arg4[%get3A_10, %get3A_11] : memref<2x512xf32, #tpu.memory_space<vmem>>, vector<1x512xf32>
    %mul3A = arith.mulf %get3A_3, %get3A_3 : vector<400x512xf32>
    %reduce_sum3A_13 = arith.constant dense<0.000000e+00> : vector<512xf32>
    %reduce_sum3A_14 = vector.multi_reduction <add>, %mul3A, %reduce_sum3A_13 [0] : vector<400x512xf32> to vector<512xf32>
    %broadcast_in_dim3A_15 = vector.shape_cast %reduce_sum3A_14 : vector<512xf32> to vector<1x512xf32>
    %add3A_16 = arith.addf %get3A_12, %broadcast_in_dim3A_15 : vector<1x512xf32>
    %swap3A_17 = arith.constant 1 : index
    %swap3A_18 = arith.constant 0 : index
    %swap3A_19 = vector.load %arg4[%swap3A_17, %swap3A_18] : memref<2x512xf32, #tpu.memory_space<vmem>>, vector<1x512xf32>
    tpu.vector_store %arg4[%swap3A_17, %swap3A_18], %add3A_16 {strides = array<i32>} : memref<2x512xf32, #tpu.memory_space<vmem>>, vector<1x512xf32>,
    %eq3A_20 = arith.constant 24 : i32
    %eq3A_21 = arith.cmpi eq, %arg0, %eq3A_20 : i32
    %convert_element_type3A_22 = arith.extui %eq3A_21 : i1 to i32
    %cond3A_23 = arith.constant 0 : i32
    %cond3A_24 = arith.cmpi ne, %convert_element_type3A_22, %cond3A_23 : i32
    scf.if %cond3A_24 {
      %get3A_25 = arith.constant 0 : index
      %get3A_26 = arith.constant 0 : index
      %get3A_27 = vector.load %arg4[%get3A_25, %get3A_26] : memref<2x512xf32, #tpu.memory_space<vmem>>, vector<1x512xf32>
      %div3A = arith.constant 1.000000e+04 : f32
      %div3A_28 = vector.broadcast %div3A : f32 to vector<1x512xf32>
      %div3A_29 = arith.divf %get3A_27, %div3A_28 : vector<1x512xf32>
      %get3A_30 = arith.constant 1 : index
      %get3A_31 = arith.constant 0 : index
      %get3A_32 = vector.load %arg4[%get3A_30, %get3A_31] : memref<2x512xf32, #tpu.memory_space<vmem>>, vector<1x512xf32>
      %div3A_33 = arith.constant 1.000000e+04 : f32
      %div3A_34 = vector.broadcast %div3A_33 : f32 to vector<1x512xf32>
      %div3A_35 = arith.divf %get3A_32, %div3A_34 : vector<1x512xf32>
      %mul3A_36 = arith.mulf %div3A_29, %div3A_29 : vector<1x512xf32>
      %sub3A = arith.subf %div3A_35, %mul3A_36 : vector<1x512xf32>
      %swap3A_37 = arith.constant 0 : index
      %swap3A_38 = arith.constant 0 : index
      %swap3A_39 = vector.load %arg2[%swap3A_37, %swap3A_38] : memref<1x512xf32, #tpu.memory_space<vmem>>, vector<1x512xf32>
      tpu.vector_store %arg2[%swap3A_37, %swap3A_38], %div3A_29 {strides = array<i32>} : memref<1x512xf32, #tpu.memory_space<vmem>>, vector<1x512xf32>,
      %add3A_40 = arith.constant 9.99999974E-6 : f32
      %add3A_41 = vector.broadcast %add3A_40 : f32 to vector<1x512xf32>
      %add3A_42 = arith.addf %sub3A, %add3A_41 : vector<1x512xf32>
      %rsqrt3A = math.rsqrt %add3A_42 : vector<1x512xf32>
      %swap3A_43 = arith.constant 0 : index
      %swap3A_44 = arith.constant 0 : index
      %swap3A_45 = vector.load %arg3[%swap3A_43, %swap3A_44] : memref<1x512xf32, #tpu.memory_space<vmem>>, vector<1x512xf32>
      tpu.vector_store %arg3[%swap3A_43, %swap3A_44], %rsqrt3A {strides = array<i32>} : memref<1x512xf32, #tpu.memory_space<vmem>>, vector<1x512xf32>,
    } else {
    }
    return
  }
  func.func @transform_0(%arg0: i32) -> (i32, i32) {
    %c0_i32 = arith.constant 0 : i32
    %c0_i32_0 = arith.constant 0 : i32
    return %arg0, %c0_i32 : i32, i32
  }
  func.func @transform_1(%arg0: i32) -> (i32, i32) {
    %c0_i32 = arith.constant 0 : i32
    %c0_i32_0 = arith.constant 0 : i32
    %c0_i32_1 = arith.constant 0 : i32
    return %c0_i32, %c0_i32_0 : i32, i32
  }
  func.func @transform_2(%arg0: i32) -> (i32, i32) {
    %c0_i32 = arith.constant 0 : i32
    %c0_i32_0 = arith.constant 0 : i32
    %c0_i32_1 = arith.constant 0 : i32
    return %c0_i32, %c0_i32_0 : i32, i32
  }
}

module attributes {stable_mosaic.version = 14 : i64} {
  func.func @body(%arg0: i32, %arg1: memref<400x512xf32, #tpu.memory_space<vmem>>, %arg2: memref<1x512xf32, #tpu.memory_space<vmem>>, %arg3: memref<1x512xf32, #tpu.memory_space<vmem>>, %arg4: memref<1x512xf32, #tpu.memory_space<vmem>>, %arg5: memref<1x512xf32, #tpu.memory_space<vmem>>, %arg6: memref<512x320xf32, #tpu.memory_space<vmem>>, %arg7: memref<400x1xf32, #tpu.memory_space<vmem>>, %arg8: memref<2x400x160xf32, #tpu.memory_space<vmem>>) attributes {dimension_semantics = [#tpu.dimension_semantics<arbitrary>], iteration_bounds = array<i64: 25>, scalar_prefetch = 0 : i64, scratch_operands = 0 : i64, tpu.core_type = #tpu.core_type<tc>, window_params = [{transform_indices = @transform_0, window_bounds = array<i64: 400, 512>}, {pipeline_mode = #tpu.pipeline_mode<synchronous>, transform_indices = @transform_1, window_bounds = array<i64: 1, 512>}, {pipeline_mode = #tpu.pipeline_mode<synchronous>, transform_indices = @transform_2, window_bounds = array<i64: 1, 512>}, {pipeline_mode = #tpu.pipeline_mode<synchronous>, transform_indices = @transform_3, window_bounds = array<i64: 1, 512>}, {pipeline_mode = #tpu.pipeline_mode<synchronous>, transform_indices = @transform_4, window_bounds = array<i64: 1, 512>}, {pipeline_mode = #tpu.pipeline_mode<synchronous>, transform_indices = @transform_5, window_bounds = array<i64: 512, 320>}, {transform_indices = @transform_6, window_bounds = array<i64: 400, 1>}, {transform_indices = @transform_7, window_bounds = array<i64: 2, 400, 160>}]} {
    %get3A = arith.constant 0 : index
    %get3A_0 = arith.constant 0 : index
    %get3A_1 = vector.load %arg4[%get3A, %get3A_0] : memref<1x512xf32, #tpu.memory_space<vmem>>, vector<1x512xf32>
    %get3A_2 = arith.constant 0 : index
    %get3A_3 = arith.constant 0 : index
    %get3A_4 = vector.load %arg1[%get3A_2, %get3A_3] : memref<400x512xf32, #tpu.memory_space<vmem>>, vector<400x512xf32>
    %get3A_5 = arith.constant 0 : index
    %get3A_6 = arith.constant 0 : index
    %get3A_7 = vector.load %arg2[%get3A_5, %get3A_6] : memref<1x512xf32, #tpu.memory_space<vmem>>, vector<1x512xf32>
    %sub3A = vector.broadcast %get3A_7 : vector<1x512xf32> to vector<400x512xf32>
    %sub3A_8 = arith.subf %get3A_4, %sub3A : vector<400x512xf32>
    %mul3A = vector.broadcast %get3A_1 : vector<1x512xf32> to vector<400x512xf32>
    %mul3A_9 = arith.mulf %mul3A, %sub3A_8 : vector<400x512xf32>
    %get3A_10 = arith.constant 0 : index
    %get3A_11 = arith.constant 0 : index
    %get3A_12 = vector.load %arg3[%get3A_10, %get3A_11] : memref<1x512xf32, #tpu.memory_space<vmem>>, vector<1x512xf32>
    %mul3A_13 = vector.broadcast %get3A_12 : vector<1x512xf32> to vector<400x512xf32>
    %mul3A_14 = arith.mulf %mul3A_9, %mul3A_13 : vector<400x512xf32>
    %get3A_15 = arith.constant 0 : index
    %get3A_16 = arith.constant 0 : index
    %get3A_17 = vector.load %arg5[%get3A_15, %get3A_16] : memref<1x512xf32, #tpu.memory_space<vmem>>, vector<1x512xf32>
    %add3A = vector.broadcast %get3A_17 : vector<1x512xf32> to vector<400x512xf32>
    %add3A_18 = arith.addf %mul3A_14, %add3A : vector<400x512xf32>
    %max3A = arith.constant 0.000000e+00 : f32
    %max3A_19 = vector.broadcast %max3A : f32 to vector<400x512xf32>
    %max3A_20 = arith.maximumf %add3A_18, %max3A_19 : vector<400x512xf32>
    %get3A_21 = arith.constant 0 : index
    %get3A_22 = arith.constant 0 : index
    %get3A_23 = vector.load %arg6[%get3A_21, %get3A_22] : memref<512x320xf32, #tpu.memory_space<vmem>>, vector<512x320xf32>
    %dot_general3A = arith.constant dense<0.000000e+00> : vector<400x320xf32>
    %dot_general3A_24 = tpu.matmul %max3A_20, %get3A_23, %dot_general3A {dimension_numbers = #tpu.dot_dimension_numbers<[1], [0], [0], [1], [0, 0, 1, 1], [], []>, transpose_lhs_hint = false} : vector<400x512xf32>, vector<512x320xf32>, vector<400x320xf32> -> vector<400x320xf32>
    %get3A_25 = arith.constant 0 : index
    %get3A_26 = arith.constant 0 : index
    %get3A_27 = vector.load %arg7[%get3A_25, %get3A_26] : memref<400x1xf32, #tpu.memory_space<vmem>>, vector<400x1xf32>
    %mul3A_28 = vector.broadcast %get3A_27 : vector<400x1xf32> to vector<400x320xf32>
    %mul3A_29 = arith.mulf %dot_general3A_24, %mul3A_28 : vector<400x320xf32>
    %slice3A = vector.extract_strided_slice %mul3A_29 {offsets = [0, 0], sizes = [400, 160], strides = [1, 1]} : vector<400x320xf32> to vector<400x160xf32>
    %swap3A = arith.constant 0 : index
    %swap3A_30 = arith.constant 0 : index
    %swap3A_31 = arith.constant 0 : index
    %swap3A_32 = vector.load %arg8[%swap3A, %swap3A_30, %swap3A_31] : memref<2x400x160xf32, #tpu.memory_space<vmem>>, vector<1x400x160xf32>
    %swap3A_33 = vector.shape_cast %swap3A_32 : vector<1x400x160xf32> to vector<400x160xf32>
    %swap3A_34 = vector.shape_cast %slice3A : vector<400x160xf32> to vector<1x400x160xf32>
    tpu.vector_store %arg8[%swap3A, %swap3A_30, %swap3A_31], %swap3A_34 {strides = array<i32>} : memref<2x400x160xf32, #tpu.memory_space<vmem>>, vector<1x400x160xf32>,
    %slice3A_35 = vector.extract_strided_slice %mul3A_29 {offsets = [0, 160], sizes = [400, 160], strides = [1, 1]} : vector<400x320xf32> to vector<400x160xf32>
    %swap3A_36 = arith.constant 1 : index
    %swap3A_37 = arith.constant 0 : index
    %swap3A_38 = arith.constant 0 : index
    %swap3A_39 = vector.load %arg8[%swap3A_36, %swap3A_37, %swap3A_38] : memref<2x400x160xf32, #tpu.memory_space<vmem>>, vector<1x400x160xf32>
    %swap3A_40 = vector.shape_cast %swap3A_39 : vector<1x400x160xf32> to vector<400x160xf32>
    %swap3A_41 = vector.shape_cast %slice3A_35 : vector<400x160xf32> to vector<1x400x160xf32>
    tpu.vector_store %arg8[%swap3A_36, %swap3A_37, %swap3A_38], %swap3A_41 {strides = array<i32>} : memref<2x400x160xf32, #tpu.memory_space<vmem>>, vector<1x400x160xf32>,
    return
  }
  func.func @transform_0(%arg0: i32) -> (i32, i32) {
    %c0_i32 = arith.constant 0 : i32
    %c0_i32_0 = arith.constant 0 : i32
    return %arg0, %c0_i32 : i32, i32
  }
  func.func @transform_1(%arg0: i32) -> (i32, i32) {
    %c0_i32 = arith.constant 0 : i32
    %c0_i32_0 = arith.constant 0 : i32
    %c0_i32_1 = arith.constant 0 : i32
    return %c0_i32, %c0_i32_0 : i32, i32
  }
  func.func @transform_2(%arg0: i32) -> (i32, i32) {
    %c0_i32 = arith.constant 0 : i32
    %c0_i32_0 = arith.constant 0 : i32
    %c0_i32_1 = arith.constant 0 : i32
    return %c0_i32, %c0_i32_0 : i32, i32
  }
  func.func @transform_3(%arg0: i32) -> (i32, i32) {
    %c0_i32 = arith.constant 0 : i32
    %c0_i32_0 = arith.constant 0 : i32
    %c0_i32_1 = arith.constant 0 : i32
    return %c0_i32, %c0_i32_0 : i32, i32
  }
  func.func @transform_4(%arg0: i32) -> (i32, i32) {
    %c0_i32 = arith.constant 0 : i32
    %c0_i32_0 = arith.constant 0 : i32
    %c0_i32_1 = arith.constant 0 : i32
    return %c0_i32, %c0_i32_0 : i32, i32
  }
  func.func @transform_5(%arg0: i32) -> (i32, i32) {
    %c0_i32 = arith.constant 0 : i32
    %c0_i32_0 = arith.constant 0 : i32
    %c0_i32_1 = arith.constant 0 : i32
    return %c0_i32, %c0_i32_0 : i32, i32
  }
  func.func @transform_6(%arg0: i32) -> (i32, i32) {
    %c0_i32 = arith.constant 0 : i32
    %c0_i32_0 = arith.constant 0 : i32
    return %arg0, %c0_i32 : i32, i32
  }
  func.func @transform_7(%arg0: i32) -> (i32, i32, i32) {
    %c0_i32 = arith.constant 0 : i32
    %c0_i32_0 = arith.constant 0 : i32
    %c0_i32_1 = arith.constant 0 : i32
    return %c0_i32, %arg0, %c0_i32_0 : i32, i32, i32
  }
}

module attributes {stable_mosaic.version = 14 : i64} {
  func.func @body(%arg0: i32, %arg1: memref<2x400x160xf32, #tpu.memory_space<vmem>>, %arg2: memref<400x1xf32, #tpu.memory_space<vmem>>, %arg3: memref<1x320xf32, #tpu.memory_space<vmem>>, %arg4: memref<400x320xf32, #tpu.memory_space<vmem>>) attributes {dimension_semantics = [#tpu.dimension_semantics<arbitrary>], iteration_bounds = array<i64: 25>, scalar_prefetch = 0 : i64, scratch_operands = 0 : i64, tpu.core_type = #tpu.core_type<tc>, window_params = [{transform_indices = @transform_0, window_bounds = array<i64: 2, 400, 160>}, {transform_indices = @transform_1, window_bounds = array<i64: 400, 1>}, {pipeline_mode = #tpu.pipeline_mode<synchronous>, transform_indices = @transform_2, window_bounds = array<i64: 1, 320>}, {transform_indices = @transform_3, window_bounds = array<i64: 400, 320>}]} {
    %get3A = arith.constant 0 : index
    %get3A_0 = arith.constant 0 : index
    %get3A_1 = arith.constant 0 : index
    %get3A_2 = vector.load %arg1[%get3A, %get3A_0, %get3A_1] : memref<2x400x160xf32, #tpu.memory_space<vmem>>, vector<1x400x160xf32>
    %get3A_3 = vector.shape_cast %get3A_2 : vector<1x400x160xf32> to vector<400x160xf32>
    %get3A_4 = arith.constant 1 : index
    %get3A_5 = arith.constant 0 : index
    %get3A_6 = arith.constant 0 : index
    %get3A_7 = vector.load %arg1[%get3A_4, %get3A_5, %get3A_6] : memref<2x400x160xf32, #tpu.memory_space<vmem>>, vector<1x400x160xf32>
    %get3A_8 = vector.shape_cast %get3A_7 : vector<1x400x160xf32> to vector<400x160xf32>
    %concatenate3A = tpu.concatenate %get3A_3, %get3A_8 in 1 : vector<400x160xf32>, vector<400x160xf32> -> vector<400x320xf32>
    %get3A_9 = arith.constant 0 : index
    %get3A_10 = arith.constant 0 : index
    %get3A_11 = vector.load %arg2[%get3A_9, %get3A_10] : memref<400x1xf32, #tpu.memory_space<vmem>>, vector<400x1xf32>
    %mul3A = vector.broadcast %get3A_11 : vector<400x1xf32> to vector<400x320xf32>
    %mul3A_12 = arith.mulf %concatenate3A, %mul3A : vector<400x320xf32>
    %get3A_13 = arith.constant 0 : index
    %get3A_14 = arith.constant 0 : index
    %get3A_15 = vector.load %arg3[%get3A_13, %get3A_14] : memref<1x320xf32, #tpu.memory_space<vmem>>, vector<1x320xf32>
    %add3A = vector.broadcast %get3A_15 : vector<1x320xf32> to vector<400x320xf32>
    %add3A_16 = arith.addf %mul3A_12, %add3A : vector<400x320xf32>
    %swap3A = arith.constant 0 : index
    %swap3A_17 = arith.constant 0 : index
    %swap3A_18 = vector.load %arg4[%swap3A, %swap3A_17] : memref<400x320xf32, #tpu.memory_space<vmem>>, vector<400x320xf32>
    tpu.vector_store %arg4[%swap3A, %swap3A_17], %add3A_16 {strides = array<i32>} : memref<400x320xf32, #tpu.memory_space<vmem>>, vector<400x320xf32>,
    return
  }
  func.func @transform_0(%arg0: i32) -> (i32, i32, i32) {
    %c0_i32 = arith.constant 0 : i32
    %c0_i32_0 = arith.constant 0 : i32
    %c0_i32_1 = arith.constant 0 : i32
    return %c0_i32, %arg0, %c0_i32_0 : i32, i32, i32
  }
  func.func @transform_1(%arg0: i32) -> (i32, i32) {
    %c0_i32 = arith.constant 0 : i32
    %c0_i32_0 = arith.constant 0 : i32
    return %arg0, %c0_i32 : i32, i32
  }
  func.func @transform_2(%arg0: i32) -> (i32, i32) {
    %c0_i32 = arith.constant 0 : i32
    %c0_i32_0 = arith.constant 0 : i32
    %c0_i32_1 = arith.constant 0 : i32
    return %c0_i32, %c0_i32_0 : i32, i32
  }
  func.func @transform_3(%arg0: i32) -> (i32, i32) {
    %c0_i32 = arith.constant 0 : i32
    %c0_i32_0 = arith.constant 0 : i32
    return %arg0, %c0_i32 : i32, i32
  }
}

module attributes {stable_mosaic.version = 14 : i64} {
  func.func @body(%arg0: i32, %arg1: memref<400x320xf32, #tpu.memory_space<vmem>>, %arg2: memref<1x320xf32, #tpu.memory_space<vmem>>, %arg3: memref<1x320xf32, #tpu.memory_space<vmem>>, %arg4: memref<2x320xf32, #tpu.memory_space<vmem>>) attributes {dimension_semantics = [#tpu.dimension_semantics<arbitrary>], iteration_bounds = array<i64: 25>, scalar_prefetch = 0 : i64, scratch_operands = 1 : i64, tpu.core_type = #tpu.core_type<tc>, window_params = [{transform_indices = @transform_0, window_bounds = array<i64: 400, 320>}, {pipeline_mode = #tpu.pipeline_mode<synchronous>, transform_indices = @transform_1, window_bounds = array<i64: 1, 320>}, {pipeline_mode = #tpu.pipeline_mode<synchronous>, transform_indices = @transform_2, window_bounds = array<i64: 1, 320>}]} {
    %eq3A = arith.constant 0 : i32
    %eq3A_0 = arith.cmpi eq, %arg0, %eq3A : i32
    %convert_element_type3A = arith.extui %eq3A_0 : i1 to i32
    %cond3A = arith.constant 0 : i32
    %cond3A_1 = arith.cmpi ne, %convert_element_type3A, %cond3A : i32
    scf.if %cond3A_1 {
      %broadcast_in_dim3A_25 = arith.constant 0.000000e+00 : f32
      %broadcast_in_dim3A_26 = vector.broadcast %broadcast_in_dim3A_25 : f32 to vector<2x320xf32>
      %swap3A_27 = arith.constant 0 : index
      %swap3A_28 = arith.constant 0 : index
      %swap3A_29 = vector.load %arg4[%swap3A_27, %swap3A_28] : memref<2x320xf32, #tpu.memory_space<vmem>>, vector<2x320xf32>
      tpu.vector_store %arg4[%swap3A_27, %swap3A_28], %broadcast_in_dim3A_26 {strides = array<i32>} : memref<2x320xf32, #tpu.memory_space<vmem>>, vector<2x320xf32>,
    } else {
    }
    %get3A = arith.constant 0 : index
    %get3A_2 = arith.constant 0 : index
    %get3A_3 = vector.load %arg1[%get3A, %get3A_2] : memref<400x320xf32, #tpu.memory_space<vmem>>, vector<400x320xf32>
    %get3A_4 = arith.constant 0 : index
    %get3A_5 = arith.constant 0 : index
    %get3A_6 = vector.load %arg4[%get3A_4, %get3A_5] : memref<2x320xf32, #tpu.memory_space<vmem>>, vector<1x320xf32>
    %reduce_sum3A = arith.constant dense<0.000000e+00> : vector<320xf32>
    %reduce_sum3A_7 = vector.multi_reduction <add>, %get3A_3, %reduce_sum3A [0] : vector<400x320xf32> to vector<320xf32>
    %broadcast_in_dim3A = vector.shape_cast %reduce_sum3A_7 : vector<320xf32> to vector<1x320xf32>
    %add3A = arith.addf %get3A_6, %broadcast_in_dim3A : vector<1x320xf32>
    %swap3A = arith.constant 0 : index
    %swap3A_8 = arith.constant 0 : index
    %swap3A_9 = vector.load %arg4[%swap3A, %swap3A_8] : memref<2x320xf32, #tpu.memory_space<vmem>>, vector<1x320xf32>
    tpu.vector_store %arg4[%swap3A, %swap3A_8], %add3A {strides = array<i32>} : memref<2x320xf32, #tpu.memory_space<vmem>>, vector<1x320xf32>,
    %get3A_10 = arith.constant 1 : index
    %get3A_11 = arith.constant 0 : index
    %get3A_12 = vector.load %arg4[%get3A_10, %get3A_11] : memref<2x320xf32, #tpu.memory_space<vmem>>, vector<1x320xf32>
    %mul3A = arith.mulf %get3A_3, %get3A_3 : vector<400x320xf32>
    %reduce_sum3A_13 = arith.constant dense<0.000000e+00> : vector<320xf32>
    %reduce_sum3A_14 = vector.multi_reduction <add>, %mul3A, %reduce_sum3A_13 [0] : vector<400x320xf32> to vector<320xf32>
    %broadcast_in_dim3A_15 = vector.shape_cast %reduce_sum3A_14 : vector<320xf32> to vector<1x320xf32>
    %add3A_16 = arith.addf %get3A_12, %broadcast_in_dim3A_15 : vector<1x320xf32>
    %swap3A_17 = arith.constant 1 : index
    %swap3A_18 = arith.constant 0 : index
    %swap3A_19 = vector.load %arg4[%swap3A_17, %swap3A_18] : memref<2x320xf32, #tpu.memory_space<vmem>>, vector<1x320xf32>
    tpu.vector_store %arg4[%swap3A_17, %swap3A_18], %add3A_16 {strides = array<i32>} : memref<2x320xf32, #tpu.memory_space<vmem>>, vector<1x320xf32>,
    %eq3A_20 = arith.constant 24 : i32
    %eq3A_21 = arith.cmpi eq, %arg0, %eq3A_20 : i32
    %convert_element_type3A_22 = arith.extui %eq3A_21 : i1 to i32
    %cond3A_23 = arith.constant 0 : i32
    %cond3A_24 = arith.cmpi ne, %convert_element_type3A_22, %cond3A_23 : i32
    scf.if %cond3A_24 {
      %get3A_25 = arith.constant 0 : index
      %get3A_26 = arith.constant 0 : index
      %get3A_27 = vector.load %arg4[%get3A_25, %get3A_26] : memref<2x320xf32, #tpu.memory_space<vmem>>, vector<1x320xf32>
      %div3A = arith.constant 1.000000e+04 : f32
      %div3A_28 = vector.broadcast %div3A : f32 to vector<1x320xf32>
      %div3A_29 = arith.divf %get3A_27, %div3A_28 : vector<1x320xf32>
      %get3A_30 = arith.constant 1 : index
      %get3A_31 = arith.constant 0 : index
      %get3A_32 = vector.load %arg4[%get3A_30, %get3A_31] : memref<2x320xf32, #tpu.memory_space<vmem>>, vector<1x320xf32>
      %div3A_33 = arith.constant 1.000000e+04 : f32
      %div3A_34 = vector.broadcast %div3A_33 : f32 to vector<1x320xf32>
      %div3A_35 = arith.divf %get3A_32, %div3A_34 : vector<1x320xf32>
      %mul3A_36 = arith.mulf %div3A_29, %div3A_29 : vector<1x320xf32>
      %sub3A = arith.subf %div3A_35, %mul3A_36 : vector<1x320xf32>
      %swap3A_37 = arith.constant 0 : index
      %swap3A_38 = arith.constant 0 : index
      %swap3A_39 = vector.load %arg2[%swap3A_37, %swap3A_38] : memref<1x320xf32, #tpu.memory_space<vmem>>, vector<1x320xf32>
      tpu.vector_store %arg2[%swap3A_37, %swap3A_38], %div3A_29 {strides = array<i32>} : memref<1x320xf32, #tpu.memory_space<vmem>>, vector<1x320xf32>,
      %add3A_40 = arith.constant 9.99999974E-6 : f32
      %add3A_41 = vector.broadcast %add3A_40 : f32 to vector<1x320xf32>
      %add3A_42 = arith.addf %sub3A, %add3A_41 : vector<1x320xf32>
      %rsqrt3A = math.rsqrt %add3A_42 : vector<1x320xf32>
      %swap3A_43 = arith.constant 0 : index
      %swap3A_44 = arith.constant 0 : index
      %swap3A_45 = vector.load %arg3[%swap3A_43, %swap3A_44] : memref<1x320xf32, #tpu.memory_space<vmem>>, vector<1x320xf32>
      tpu.vector_store %arg3[%swap3A_43, %swap3A_44], %rsqrt3A {strides = array<i32>} : memref<1x320xf32, #tpu.memory_space<vmem>>, vector<1x320xf32>,
    } else {
    }
    return
  }
  func.func @transform_0(%arg0: i32) -> (i32, i32) {
    %c0_i32 = arith.constant 0 : i32
    %c0_i32_0 = arith.constant 0 : i32
    return %arg0, %c0_i32 : i32, i32
  }
  func.func @transform_1(%arg0: i32) -> (i32, i32) {
    %c0_i32 = arith.constant 0 : i32
    %c0_i32_0 = arith.constant 0 : i32
    %c0_i32_1 = arith.constant 0 : i32
    return %c0_i32, %c0_i32_0 : i32, i32
  }
  func.func @transform_2(%arg0: i32) -> (i32, i32) {
    %c0_i32 = arith.constant 0 : i32
    %c0_i32_0 = arith.constant 0 : i32
    %c0_i32_1 = arith.constant 0 : i32
    return %c0_i32, %c0_i32_0 : i32, i32
  }
}

module attributes {stable_mosaic.version = 14 : i64} {
  func.func @body(%arg0: i32, %arg1: memref<400x320xf32, #tpu.memory_space<vmem>>, %arg2: memref<1x320xf32, #tpu.memory_space<vmem>>, %arg3: memref<1x320xf32, #tpu.memory_space<vmem>>, %arg4: memref<1x320xf32, #tpu.memory_space<vmem>>, %arg5: memref<1x320xf32, #tpu.memory_space<vmem>>, %arg6: memref<320x40xf32, #tpu.memory_space<vmem>>, %arg7: memref<1x40xf32, #tpu.memory_space<vmem>>, %arg8: memref<400x40xf32, #tpu.memory_space<vmem>>) attributes {dimension_semantics = [#tpu.dimension_semantics<arbitrary>], iteration_bounds = array<i64: 25>, scalar_prefetch = 0 : i64, scratch_operands = 0 : i64, tpu.core_type = #tpu.core_type<tc>, window_params = [{transform_indices = @transform_0, window_bounds = array<i64: 400, 320>}, {pipeline_mode = #tpu.pipeline_mode<synchronous>, transform_indices = @transform_1, window_bounds = array<i64: 1, 320>}, {pipeline_mode = #tpu.pipeline_mode<synchronous>, transform_indices = @transform_2, window_bounds = array<i64: 1, 320>}, {pipeline_mode = #tpu.pipeline_mode<synchronous>, transform_indices = @transform_3, window_bounds = array<i64: 1, 320>}, {pipeline_mode = #tpu.pipeline_mode<synchronous>, transform_indices = @transform_4, window_bounds = array<i64: 1, 320>}, {pipeline_mode = #tpu.pipeline_mode<synchronous>, transform_indices = @transform_5, window_bounds = array<i64: 320, 40>}, {pipeline_mode = #tpu.pipeline_mode<synchronous>, transform_indices = @transform_6, window_bounds = array<i64: 1, 40>}, {transform_indices = @transform_7, window_bounds = array<i64: 400, 40>}]} {
    %get3A = arith.constant 0 : index
    %get3A_0 = arith.constant 0 : index
    %get3A_1 = vector.load %arg4[%get3A, %get3A_0] : memref<1x320xf32, #tpu.memory_space<vmem>>, vector<1x320xf32>
    %get3A_2 = arith.constant 0 : index
    %get3A_3 = arith.constant 0 : index
    %get3A_4 = vector.load %arg1[%get3A_2, %get3A_3] : memref<400x320xf32, #tpu.memory_space<vmem>>, vector<400x320xf32>
    %get3A_5 = arith.constant 0 : index
    %get3A_6 = arith.constant 0 : index
    %get3A_7 = vector.load %arg2[%get3A_5, %get3A_6] : memref<1x320xf32, #tpu.memory_space<vmem>>, vector<1x320xf32>
    %sub3A = vector.broadcast %get3A_7 : vector<1x320xf32> to vector<400x320xf32>
    %sub3A_8 = arith.subf %get3A_4, %sub3A : vector<400x320xf32>
    %mul3A = vector.broadcast %get3A_1 : vector<1x320xf32> to vector<400x320xf32>
    %mul3A_9 = arith.mulf %mul3A, %sub3A_8 : vector<400x320xf32>
    %get3A_10 = arith.constant 0 : index
    %get3A_11 = arith.constant 0 : index
    %get3A_12 = vector.load %arg3[%get3A_10, %get3A_11] : memref<1x320xf32, #tpu.memory_space<vmem>>, vector<1x320xf32>
    %mul3A_13 = vector.broadcast %get3A_12 : vector<1x320xf32> to vector<400x320xf32>
    %mul3A_14 = arith.mulf %mul3A_9, %mul3A_13 : vector<400x320xf32>
    %get3A_15 = arith.constant 0 : index
    %get3A_16 = arith.constant 0 : index
    %get3A_17 = vector.load %arg5[%get3A_15, %get3A_16] : memref<1x320xf32, #tpu.memory_space<vmem>>, vector<1x320xf32>
    %add3A = vector.broadcast %get3A_17 : vector<1x320xf32> to vector<400x320xf32>
    %add3A_18 = arith.addf %mul3A_14, %add3A : vector<400x320xf32>
    %max3A = arith.constant 0.000000e+00 : f32
    %max3A_19 = vector.broadcast %max3A : f32 to vector<400x320xf32>
    %max3A_20 = arith.maximumf %add3A_18, %max3A_19 : vector<400x320xf32>
    %get3A_21 = arith.constant 0 : index
    %get3A_22 = arith.constant 0 : index
    %get3A_23 = vector.load %arg6[%get3A_21, %get3A_22] : memref<320x40xf32, #tpu.memory_space<vmem>>, vector<320x40xf32>
    %dot_general3A = arith.constant dense<0.000000e+00> : vector<400x40xf32>
    %dot_general3A_24 = tpu.matmul %max3A_20, %get3A_23, %dot_general3A {dimension_numbers = #tpu.dot_dimension_numbers<[1], [0], [0], [1], [0, 0, 1, 1], [], []>, transpose_lhs_hint = false} : vector<400x320xf32>, vector<320x40xf32>, vector<400x40xf32> -> vector<400x40xf32>
    %get3A_25 = arith.constant 0 : index
    %get3A_26 = arith.constant 0 : index
    %get3A_27 = vector.load %arg7[%get3A_25, %get3A_26] : memref<1x40xf32, #tpu.memory_space<vmem>>, vector<1x40xf32>
    %add3A_28 = vector.broadcast %get3A_27 : vector<1x40xf32> to vector<400x40xf32>
    %add3A_29 = arith.addf %dot_general3A_24, %add3A_28 : vector<400x40xf32>
    %max3A_30 = arith.constant 0.000000e+00 : f32
    %max3A_31 = vector.broadcast %max3A_30 : f32 to vector<400x40xf32>
    %max3A_32 = arith.maximumf %add3A_29, %max3A_31 : vector<400x40xf32>
    %reduce_max3A = arith.constant dense<0xFF800000> : vector<400xf32>
    %reduce_max3A_33 = vector.multi_reduction <maximumf>, %max3A_32, %reduce_max3A [1] : vector<400x40xf32> to vector<400xf32>
    %broadcast_in_dim3A = vector.shape_cast %reduce_max3A_33 : vector<400xf32> to vector<400x1xf32>
    %sub3A_34 = vector.broadcast %broadcast_in_dim3A : vector<400x1xf32> to vector<400x40xf32>
    %sub3A_35 = arith.subf %max3A_32, %sub3A_34 : vector<400x40xf32>
    %exp3A = math.exp %sub3A_35 : vector<400x40xf32>
    %reduce_sum3A = arith.constant dense<0.000000e+00> : vector<400xf32>
    %reduce_sum3A_36 = vector.multi_reduction <add>, %exp3A, %reduce_sum3A [1] : vector<400x40xf32> to vector<400xf32>
    %broadcast_in_dim3A_37 = vector.shape_cast %reduce_sum3A_36 : vector<400xf32> to vector<400x1xf32>
    %log3A = math.log %broadcast_in_dim3A_37 : vector<400x1xf32>
    %add3A_38 = arith.addf %log3A, %broadcast_in_dim3A : vector<400x1xf32>
    %sub3A_39 = vector.broadcast %add3A_38 : vector<400x1xf32> to vector<400x40xf32>
    %sub3A_40 = arith.subf %max3A_32, %sub3A_39 : vector<400x40xf32>
    %swap3A = arith.constant 0 : index
    %swap3A_41 = arith.constant 0 : index
    %swap3A_42 = vector.load %arg8[%swap3A, %swap3A_41] : memref<400x40xf32, #tpu.memory_space<vmem>>, vector<400x40xf32>
    tpu.vector_store %arg8[%swap3A, %swap3A_41], %sub3A_40 {strides = array<i32>} : memref<400x40xf32, #tpu.memory_space<vmem>>, vector<400x40xf32>,
    return
  }
  func.func @transform_0(%arg0: i32) -> (i32, i32) {
    %c0_i32 = arith.constant 0 : i32
    %c0_i32_0 = arith.constant 0 : i32
    return %arg0, %c0_i32 : i32, i32
  }
  func.func @transform_1(%arg0: i32) -> (i32, i32) {
    %c0_i32 = arith.constant 0 : i32
    %c0_i32_0 = arith.constant 0 : i32
    %c0_i32_1 = arith.constant 0 : i32
    return %c0_i32, %c0_i32_0 : i32, i32
  }
  func.func @transform_2(%arg0: i32) -> (i32, i32) {
    %c0_i32 = arith.constant 0 : i32
    %c0_i32_0 = arith.constant 0 : i32
    %c0_i32_1 = arith.constant 0 : i32
    return %c0_i32, %c0_i32_0 : i32, i32
  }
  func.func @transform_3(%arg0: i32) -> (i32, i32) {
    %c0_i32 = arith.constant 0 : i32
    %c0_i32_0 = arith.constant 0 : i32
    %c0_i32_1 = arith.constant 0 : i32
    return %c0_i32, %c0_i32_0 : i32, i32
  }
  func.func @transform_4(%arg0: i32) -> (i32, i32) {
    %c0_i32 = arith.constant 0 : i32
    %c0_i32_0 = arith.constant 0 : i32
    %c0_i32_1 = arith.constant 0 : i32
    return %c0_i32, %c0_i32_0 : i32, i32
  }
  func.func @transform_5(%arg0: i32) -> (i32, i32) {
    %c0_i32 = arith.constant 0 : i32
    %c0_i32_0 = arith.constant 0 : i32
    %c0_i32_1 = arith.constant 0 : i32
    return %c0_i32, %c0_i32_0 : i32, i32
  }
  func.func @transform_6(%arg0: i32) -> (i32, i32) {
    %c0_i32 = arith.constant 0 : i32
    %c0_i32_0 = arith.constant 0 : i32
    %c0_i32_1 = arith.constant 0 : i32
    return %c0_i32, %c0_i32_0 : i32, i32
  }
  func.func @transform_7(%arg0: i32) -> (i32, i32) {
    %c0_i32 = arith.constant 0 : i32
    %c0_i32_0 = arith.constant 0 : i32
    return %arg0, %c0_i32 : i32, i32
  }
}

</mosaic_0001>

<sc_bundles>
// kernel: kernel.12.cloned.1.call-start
scs
__scs_entry_jumppad:
0x0: {  	(pc) =	sbr.rel $0x88, $3  }
0x1: {  	(tag) =	ssettag $0x0;
	lr =	simm.s32 $0x1  }
0x2: {  	[smem:$0x3F94] =	sst lr;
	_ =	strace $0xD0000000  }
0x3: {  	_ = 	snop  }
0x4: {  	_ = 	snop  }
0x5: {  	_ = 	snop  }
0x6: {  	_ = 	snop  }
0x7: {  	_ = 	snop  }
__scs_overlays_trampoline_lowered:
0x8: {  	[smem:$0x3FA3] =	sst s0  }
0x9: {  	[smem:$0x3FA4] =	sst s1  }
0xa: {  	[smem:$0x3FA5] =	sst s2  }
0xb: {  	[smem:$0x3FA6] =	sst s3  }
0xc: {  	[smem:$0x3FA7] =	sst s4  }
0xd: {  	[smem:$0x3FA8] =	sst s5  }
0xe: {  	[smem:$0x3FA9] =	sst s6  }
0xf: {  	[smem:$0x3FAA] =	sst s7  }
0x10: {  	[smem:$0x3FAB] =	sst s8  }
0x11: {  	[smem:$0x3FAC] =	sst s9;
	s0 =	simm.s32 @!p0 $0x0  }
0x12: {  	s1 =	sld [smem:$0x3F92];
	s0 =	simm.s32 @p0 $0x1  }
0x13: {  	[smem:$0x3FAD] =	sst s0;
	s0 =	simm.s32 @!p1 $0x0  }
0x14: {  	s2 =	sld [smem:$0x3F91];
	s0 =	simm.s32 @p1 $0x1  }
0x15: {  	[smem:$0x3FAE] =	sst s0;
	s0 =	simm.s32 @!p2 $0x0  }
0x16: {  	s3 =	sld [smem:$0x3FDB];
	s0 =	simm.s32 @p2 $0x1  }
0x17: {  	s4 =	simm.s32 $0x1BF5;
	[smem:$0x3FB0] =	sst s0  }
0x18: {  	s0 =	sld [smem:$0x3F93];
	_ =	swait.ge [sflag:s4], $0x0  }
0x19: {  	s7 =	sld [smem:$0x3F94]  }
0x1a: {  	s8 =	sadd.s32 $0xFFFFE003, lr  }
0x1b: {  	s9 =	sadd.s32 $0xFFFFFEF7, lr;
	s5 =	simm.s32 $0xFFFFFFFF;
	p2 =	slt.u32 s8, $0xFFFFF086  }
0x1c: {  	p1 =	slt.u32 s9, $0xF7A;
	s5 =	simm.s32 @!p2 $0x0  }
0x1d: {  	s5 =	simm.s32 @p1 $0x1;
	p0 =	seq.s32 s7, s2  }
0x1e: {  	s7 =	smul.u32 @!p0 $0xF7A, s2;
	p2 =	seq.s32 @!p0 s5, $0x0  }
0x1f: {  	s9 =	smul.u32 $0xF7A, s1;
	s8 =	simm.s32 @!p0 $0x1BF5;
	p2 =	por !p2, p0  }
0x20: {  	[sflag:s8] =	ssyncset.s32 @!p0 $0xFFFFF086;
	s6 =	sadd.s32 @!p0 s3, s7;
	s7 =	simm.s32 @!p0 $0x108  }
0x21: {  	s3 =	sadd.s32 s3, s9;
	s6 =	sadd.s32 @!p0 $0x88, s6;
	s7 =	simm.s32 @p2 $0x1082  }
0x22: {  	[simem:s7], [sflag:s8] =	dma.local @!p0 [hbm:s6], $0xF7A  }
0x23: {  	s9 =	sor.u32 $0xD0000000, s2;
	s6 =	simm.s32 $0x108;
	_ =	swait.ge @!p0 [sflag:s8], $0x0  }
0x24: {  	s3 =	sadd.s32 $0x88, s3;
	s6 =	simm.s32 @!p1 $0x1082;
	[sflag:s4] =	ssyncset.s32 $0xFFFFF086  }
0x25: {  	[simem:s6], [sflag:s4] =	dma.local [hbm:s3], $0xF7A  }
0x26: {  	[smem:$0x3F94] =	sst s1;
	(tag) =	ssettag s2;
	_ =	strace s9  }
0x27: {  	s1 =	sld [smem:$0x3FA4]  }
0x28: {  	s2 =	sld [smem:$0x3FA5]  }
0x29: {  	s4 =	sld [smem:$0x3FA7]  }
0x2a: {  	p0 =	seq.s32 s5, $0x0;
	s5 =	sld [smem:$0x3FA8]  }
0x2b: {  	s6 =	sld [smem:$0x3FA9]  }
0x2c: {  	s7 =	sld [smem:$0x3FAA]  }
0x2d: {  	s3 =	simm.s32 $0x108;
	s8 =	sld [smem:$0x3FAB]  }
0x2e: {  	s3 =	simm.s32 @!p0 $0x1082;
	s9 =	sld [smem:$0x3FAC]  }
0x2f: {  	lr =	sadd.s32 s0, s3;
	s0 =	sld [smem:$0x3FA3]  }
0x30: {  	s3 =	sld [smem:$0x3FA6]  }
0x31: {  	[smem:$0x3FAF] =	sst s10  }
0x32: {  	s10 =	sld [smem:$0x3FAD];
	_ =	sdelay $0x3  }
0x33: {  	p0 =	seq.s32 s10, $0x1;
	s10 =	sld [smem:$0x3FAF];
	_ =	sdelay $0x3  }
0x34: {  	[smem:$0x3FAF] =	sst s10  }
0x35: {  	s10 =	sld [smem:$0x3FAE];
	_ =	sdelay $0x3  }
0x36: {  	p1 =	seq.s32 s10, $0x1;
	s10 =	sld [smem:$0x3FAF];
	_ =	sdelay $0x3  }
0x37: {  	[smem:$0x3FAF] =	sst s10  }
0x38: {  	s10 =	sld [smem:$0x3FB0]  }
0x39: {  	_ = 	snop;
	(pc) =	sbr.ind lr, $3  }
0x3a: {  	_ = 	snop  }
0x3b: {  	_ = 	snop  }
0x3c: {  	p2 =	seq.s32 s10, $0x1;
	s10 =	sld [smem:$0x3FAF]  }
0x3d: {  	_ =	shalt  }
0x3e: {  	_ =	shalt  }
0x3f: {  	_ =	shalt  }
0x40: {  	_ =	shalt  }
0x41: {  	_ =	shalt  }
0x42: {  	_ =	shalt  }
0x43: {  	_ =	shalt  }
0x44: {  	_ =	shalt  }
0x45: {  	_ =	shalt  }
0x46: {  	_ =	shalt  }
0x47: {  	_ =	shalt  }
0x48: {  	_ =	shalt  }
0x49: {  	_ =	shalt  }
0x4a: {  	_ =	shalt  }
0x4b: {  	_ =	shalt  }
0x4c: {  	_ =	shalt  }
0x4d: {  	_ =	shalt  }
0x4e: {  	_ =	shalt  }
0x4f: {  	_ =	shalt  }
0x50: {  	_ =	shalt  }
0x51: {  	_ =	shalt  }
0x52: {  	_ =	shalt  }
0x53: {  	_ =	shalt  }
0x54: {  	_ =	shalt  }
0x55: {  	_ =	shalt  }
0x56: {  	_ =	shalt  }
0x57: {  	_ =	shalt  }
0x58: {  	_ =	shalt  }
0x59: {  	_ =	shalt  }
0x5a: {  	_ =	shalt  }
0x5b: {  	_ =	shalt  }
0x5c: {  	_ =	shalt  }
0x5d: {  	_ =	shalt  }
0x5e: {  	_ =	shalt  }
0x5f: {  	_ =	shalt  }
0x60: {  	_ =	shalt  }
0x61: {  	_ =	shalt  }
0x62: {  	_ =	shalt  }
0x63: {  	_ =	shalt  }
0x64: {  	_ =	shalt  }
0x65: {  	_ =	shalt  }
0x66: {  	_ =	shalt  }
0x67: {  	_ =	shalt  }
0x68: {  	_ =	shalt  }
0x69: {  	_ =	shalt  }
0x6a: {  	_ =	shalt  }
0x6b: {  	_ =	shalt  }
0x6c: {  	_ =	shalt  }
0x6d: {  	_ =	shalt  }
0x6e: {  	_ =	shalt  }
0x6f: {  	_ =	shalt  }
0x70: {  	_ =	shalt  }
0x71: {  	_ =	shalt  }
0x72: {  	_ =	shalt  }
0x73: {  	_ =	shalt  }
0x74: {  	_ =	shalt  }
0x75: {  	_ =	shalt  }
0x76: {  	_ =	shalt  }
0x77: {  	_ =	shalt  }
0x78: {  	_ =	shalt  }
0x79: {  	_ =	shalt  }
0x7a: {  	_ =	shalt  }
0x7b: {  	_ =	shalt  }
0x7c: {  	_ =	shalt  }
0x7d: {  	_ =	shalt  }
0x7e: {  	_ =	shalt  }
0x7f: {  	_ =	shalt  }
0x80: {  	_ =	shalt  }
0x81: {  	_ =	shalt  }
0x82: {  	_ =	shalt  }
0x83: {  	_ =	shalt  }
0x84: {  	_ =	shalt  }
0x85: {  	_ =	shalt  }
0x86: {  	_ =	shalt  }
0x87: {  	_ =	shalt  }
.Lfunc_end0:
.L_simem_size_0:
called_computation_lowered:
.L_overlay_start_0:
0x88: {  	s2 =	sld [smem:$0x3FD9]  }
0x89: {  	s3 =	sld [smem:$0x3FFE];
	_ =	sdelay $0x1  }
0x8a: {  	s1 =	srdreg.scid  }
0x8b: {  	s0 =	sand.u32 $0x1, s1  }
0x8c: {  	s17 =	sshll.u32 s0, $0xA;
	s2 =	sadd.s32 s3, s2  }
0x8d: {  	s2 =	sadd.s32 s2, s17  }
0x8e: {  	[smem:$0x3FBB] =	sst s2  }
0x8f: {  	_ = 	snop  }
0x90: {  	s2 =	sld [smem:$0x3FD0];
	(tm) =	ssettm $0x1  }
0x91: {  	s18 =	sld [smem:$0x3FFB];
	_ =	sdelay $0x3  }
0x92: {  	_ =	strace s18  }
0x93: {  	s3 =	sld [smem:$0x3FFC];
	_ =	sdelay $0x3  }
0x94: {  	_ =	strace s3  }
0x95: {  	s3 =	sld [smem:$0x3FFD];
	_ =	sdelay $0x3  }
0x96: {  	_ =	strace s3  }
0x97: {  	_ =	strace $0x8FFFFFFF  }
0x98: {  	s19 =	sld [smem:$0x3FDB];
	_ =	sdelay $0x1  }
0x99: {  	s4 =	simm.s32 $_scs_section_size  }
0x9a: {  	s5 =	simm.s32 $_size__tile_overlayer_lowered;
	s6 =	simm.s32 $_tile_overlayer_lowered  }
0x9b: {  	s22 =	simm.s32 $0x1BFF;
	s21 =	sshll.u32 s6, $0x1;
	s3 =	sadd.s32 s4, s19  }
0x9c: {  	s7 =	simm.s32 $0x0;
	s20 =	sshll.u32 s5, $0x1;
	s5 =	sadd.s32 s21, s3  }
0x9d: {  	[timem:s7], [sflag:s22] =	dma.local [hbm:s5], s20  }
0x9e: {  	_ =	swait.ge [sflag:s22], s20  }
0x9f: {  	s4 =	ssub.s32 $0x0, s20;
	[sflag:s22] =	ssyncset.done $0x0  }
0xa0: {  	[sflag:s22] =	ssyncadd.s32 s4;
	_ =	sdelay $0x1  }
0xa1: {  	s23 =	simm.s32 $0x1B8B  }
0xa2: {  	_ =	swait.ge [sflag:s23], $0x1  }
0xa3: {  	[sflag:s23] =	ssyncset.done $0x0  }
0xa4: {  	s25 =	simm.s32 $0x1B8E;
	s24 =	sld [smem:$0x3FFE];
	[sflag:s23] =	ssyncadd.s32 $0xFFFFFFFF  }
0xa5: {  	s26 =	simm.s32 $execute0_lowered;
	[smem:$0x3FD2] =	sst s25  }
0xa6: {  	s5 =	sshll.u32 s26, $0x1;
	_ =	strace $0x80000046;
	[dreg:$0x1] =	wrdreg $0xFFFFFFFF  }
0xa7: {  	s28 =	simm.s32 $_size_execute0_lowered;
	s3 =	sadd.s32 s3, s5;
	[dreg:$0x0] =	wrdreg $0x0  }
0xa8: {  	s5 =	sshll.u32 s28, $0x1;
	[dreg:$0x2] =	wrdreg s3  }
0xa9: {  	[dreg:$0x3] =	wrdreg s5  }
0xaa: {  	[dreg:$0x4] =	wrdreg $0xC0  }
0xab: {  	_ =	task [dreg:s7], $0x5FFFF  }
0xac: {  	[dreg:$0x1] =	wrdreg $0xFFFFFFFF  }
0xad: {  	[dreg:$0x0] =	wrdreg $0x60  }
0xae: {  	[dreg:$0x2] =	wrdreg s2  }
0xaf: {  	[dreg:$0x3] =	wrdreg s24  }
0xb0: {  	[dreg:$0x4] =	wrdreg $0x5500  }
0xb1: {  	[dreg:$0x5] =	wrdreg $0x9  }
0xb2: {  	_ =	task.clear_ibuf [dreg:s7], $0x6FFFF;
	_ =	strace $0x90000046  }
0xb3: {  	s29 =	simm.s32 $0x9;
	_ =	strace $0x80000048  }
0xb4: {  	_ =	swait.ge [sflag:s29], $0x1  }
0xb5: {  	[sflag:s29] =	ssyncadd.s32 $0xFFFFFFFF  }
0xb6: {  	_ =	strace $0x90000048  }
0xb7: {  	_ =	sfence  }
0xb8: {  	s30 =	sld [smem:$0x0];
	_ =	sdelay $0x2  }
0xb9: {  	s31 =	sshll.u32 s1, $0xD;
	s1 =	sshrl.u32 s1, $0x2  }
0xba: {  	s3 =	sand.u32 $0x4000, s31;
	s1 =	sadd.s32 s1, s30  }
0xbb: {  	s0 =	sor.u32 s3, s0;
	s1 =	sshll.u32 s1, $0x11  }
0xbc: {  	s0 =	sor.u32 s1, s0  }
0xbd: {  	s0 =	sadd.s32 $0x8F2B, s0  }
0xbe: {  	[sflag:s0] =	ssyncadd.remote.s32 $0x1  }
0xbf: {  	_ =	sfence.sel $0xFFFF  }
0xc0: {  	[dreg:$0x0] =	wrdreg $0xFFFFFFFF;
	(pc) =	sbr.abs _section_cstart, $3  }
0xc1: {  	[dreg:$0x1] =	wrdreg $0xFFFFFFFF  }
0xc2: {  	_ =	task.clear_ibuf [dreg:s7], $0x2FFFF;
	_ =	strace $0x9FFFFFFF  }
0xc3: {  	(tm) =	ssettm $0x7FFFFFFF  }
tec
execute0_lowered:
.L_overlay_start_1:
0x0: {  	(tag) =	ssettag $0x1  }
0x1: {  	s2 =	rddreg [dreg:$0x0]  }
0x2: {  	s5 =	rddreg [dreg:$0x1]  }
0x3: {  	s3 =	rddreg [dreg:$0x2];
	s0 =	stileid.u32  }
0x4: {  	s7 =	srdreg.scid;
	s1 =	rddreg [dreg:$0x3]  }
0x5: {  	s4 =	simm.s32 $0x0;
	s19 =	simm.s32 $0x28;
	s20 =	simm.s32 $0x2A8  }
0x6: {  	s21 =	simm.s32 $0x2D0;
	s6 =	smul.u32 $0x280, s0;
	s7 =	sand.u32 $0x1, s7  }
0x7: {  	[smem:$0x7FF] =	sst s4;
	s15 =	sadd.s32 $0x4E5A00, s5;
	s14 =	smul.u32 $0x2710, s0  }
0x8: {  	s26 =	sshll.u32 s0, $0x6;
	s8 =	smul.u32 $0x2710, s7;
	_ =	strace $0x80000047  }
0x9: {  	s10 =	sshll.u32 s7, $0x4;
	s11 =	ssub.s32 $0x2, s7;
	s25 =	smul.u32 $0x27100, s7  }
0xa: {  	s6 =	smin.u32 s6, $0x2490;
	s10 =	sor.u32 s0, s10;
	s22 =	sshrl.u32 s11, $0x1  }
0xb: {  	s9 =	sshll.u32 s6, $0x1;
	s8 =	sadd.s32 s8, s6;
	s13 =	smul.u32 $0x2710, s10  }
0xc: {  	s11 =	ssub.s32 s11, s22;
	s23 =	sshll.u32 s6, $0x4;
	s24 =	smul.u32 $0x4E20, s10  }
0xd: {  	s6 =	sor.u32 $0x1C03, s26;
	s29 =	sadd.s32 s14, s25;
	s22 =	simm.s32 $0x1  }
0xe: {  	s9 =	sadd.s32 s9, s5;
	s8 =	sshll.u32 s8, $0x1;
	s17 =	sadd.s32 s23, s3  }
0xf: {  	s10 =	smax.u32 s11, $0x1;
	s14 =	sadd.s32 $0x28, s29;
	s23 =	simm.s32 $0x2  }
0x10: {  	s12 =	sadd.s32 s8, s5;
	s5 =	sadd.s32 $0x3A00, s9;
	s28 =	sshrl.u32 s13, $0x3  }
0x11: {  	s8 =	sadd.s32 s15, s24;
	s13 =	sadd.s32 $0x26E8, s13;
	s16 =	sshrl.u32 s14, $0x3  }
0x12: {  	s17 =	sshrl.u32 s17, $0x3;
	s24 =	simm.s32 $0x0;
	s7 =	sadd.s32 s2, s28  }
0x13: {  	s9 =	sadd.s32 $0x8A00, s12;
	s30 =	sshrl.u32 s13, $0x3;
	s12 =	sadd.s32 $0x50, s29  }
0x14: {  	s13 =	sshll.u32 s13, $0x1;
	s18 =	sshll.u32 s16, $0x4;
	s16 =	sadd.s32 s16, s2  }
0x15: {  	s11 =	sadd.s32 s2, s30;
	s31 =	sshll.u32 s12, $0x1;
	s13 =	sadd.s32 s15, s13  }
0x16: {  	s14 =	sadd.s32 s31, s15;
	s15 =	sadd.s32 s18, s15;
	s18 =	simm.s32 $0x3  }
.LBB2_1:
0x17: {  	[spmem:s17], [sflag:s6] =	dma.local [hbm:s5], $0x500  }
0x18: {  	_ =	swait.ge [sflag:s18], $0x500  }
0x19: {  	[sflag:s18] =	ssyncset.done $0x0  }
0x1a: {  	[sflag:s18] =	ssyncadd.s32 $0xFFFFFB00  }
0x1b: {  	[bflag:$0x0] =	sbarrier.arrive $0xFFFF  }
0x1c: {  	[tilespmem:s4], [sflag:$0x1] =	stream.linear.gather [hbm4b:s7+s4], $0x28, $0x38;
	[tilespmem:$0x2C60] =	vst v63  }
0x1d: {  	_ = 	snop  }
0x1e: {  	[tilespmem:s19], [sflag:$0x1] =	stream.linear.gather [hbm4b:s8+s4], $0x280, $0x38;
	[tilespmem:$0x2C60] =	vst v63  }
0x1f: {  	_ = 	snop  }
0x20: {  	[tilespmem:s20], [sflag:$0x2] =	stream.linear.gather [hbm4b:s16+s4], $0x28, $0x38;
	[tilespmem:$0x2C60] =	vst v63  }
0x21: {  	s25 =	sadd.s32 $0x0, s15  }
0x22: {  	[tilespmem:s21], [sflag:$0x2] =	stream.linear.gather [hbm4b:s25+s4], $0x280, $0x38;
	[tilespmem:$0x2C60] =	vst v63  }
0x23: {  	_ =	swait.ge [sflag:s22], $0x28  }
0x24: {  	[sflag:s22] =	ssyncset.done $0x0  }
0x25: {  	[sflag:s22] =	ssyncadd.s32 $0xFFFFFFD8  }
0x26: {  	_ =	swait.ge [sflag:s22], $0x280  }
0x27: {  	[sflag:s22] =	ssyncset.done $0x0  }
0x28: {  	[sflag:s22] =	ssyncadd.s32 $0xFFFFFD80  }
0x29: {  	[spmem:s3] =	stream.indirect.scatter.add.f32 [tilespmem:s19], [sflag:$0x3], $0x10, s4, s19, $0xb8;
	[tilespmem:$0x2C60] =	vst v63  }
0x2a: {  	_ =	swait.ge [sflag:s18], $0x280  }
0x2b: {  	s30 =	sshrl.u32 s12, $0x3;
	[sflag:s18] =	ssyncset.done $0x0  }
0x2c: {  	s25 =	sadd.s32 s2, s30;
	[sflag:s18] =	ssyncadd.s32 $0xFFFFFD80  }
0x2d: {  	[tilespmem:s4], [sflag:$0x1] =	stream.linear.gather [hbm4b:s25+s4], $0x28, $0x38;
	[tilespmem:$0x2C60] =	vst v63  }
0x2e: {  	s31 =	sadd.s32 $0x0, s14  }
0x2f: {  	[tilespmem:s19], [sflag:$0x1] =	stream.linear.gather [hbm4b:s31+s4], $0x280, $0x38;
	[tilespmem:$0x2C60] =	vst v63  }
0x30: {  	_ =	swait.ge [sflag:s23], $0x28  }
0x31: {  	[sflag:s23] =	ssyncset.done $0x0  }
0x32: {  	[sflag:s23] =	ssyncadd.s32 $0xFFFFFFD8  }
0x33: {  	_ =	swait.ge [sflag:s23], $0x280  }
0x34: {  	[sflag:s23] =	ssyncset.done $0x0  }
0x35: {  	[sflag:s23] =	ssyncadd.s32 $0xFFFFFD80  }
0x36: {  	[spmem:s3] =	stream.indirect.scatter.add.f32 [tilespmem:s21], [sflag:$0x3], $0x10, s20, s19, $0xb8;
	[tilespmem:$0x2C60] =	vst v63  }
0x37: {  	s26 =	smov.u32 s12;
	_ =	swait.ge [sflag:s18], $0x280  }
0x38: {  	s28 =	smov.u32 s16;
	s25 =	simm.s32 $0xA0;
	[sflag:s18] =	ssyncset.done $0x0  }
.LBB2_2:
0x39: {  	[sflag:s18] =	ssyncadd.s32 $0xFFFFFD80  }
0x3a: {  	s26 =	sadd.s32 $0x50, s26;
	s28 =	sadd.s32 $0xA, s28;
	s29 =	smov.u32 s25  }
0x3b: {  	[tilespmem:s20], [sflag:$0x2] =	stream.linear.gather [hbm4b:s28+s4], $0x28, $0x38;
	[tilespmem:$0x2C60] =	vst v63  }
0x3c: {  	p0 =	sne.s32 s25, $0x4CE0;
	s25 =	sadd.s32 $0xA0, s25;
	s30 =	sadd.s32 s29, s15  }
0x3d: {  	[tilespmem:s21], [sflag:$0x2] =	stream.linear.gather [hbm4b:s30+s4], $0x280, $0x38;
	[tilespmem:$0x2C60] =	vst v63  }
0x3e: {  	_ =	swait.ge [sflag:s22], $0x28  }
0x3f: {  	[sflag:s22] =	ssyncset.done $0x0  }
0x40: {  	[sflag:s22] =	ssyncadd.s32 $0xFFFFFFD8  }
0x41: {  	_ =	swait.ge [sflag:s22], $0x280  }
0x42: {  	[sflag:s22] =	ssyncset.done $0x0  }
0x43: {  	[sflag:s22] =	ssyncadd.s32 $0xFFFFFD80  }
0x44: {  	[spmem:s3] =	stream.indirect.scatter.add.f32 [tilespmem:s19], [sflag:$0x3], $0x10, s4, s19, $0xb8;
	[tilespmem:$0x2C60] =	vst v63  }
0x45: {  	_ =	swait.ge [sflag:s18], $0x280  }
0x46: {  	s30 =	sshrl.u32 s26, $0x3;
	[sflag:s18] =	ssyncset.done $0x0  }
0x47: {  	s30 =	sadd.s32 s2, s30;
	[sflag:s18] =	ssyncadd.s32 $0xFFFFFD80  }
0x48: {  	[tilespmem:s4], [sflag:$0x1] =	stream.linear.gather [hbm4b:s30+s4], $0x28, $0x38;
	[tilespmem:$0x2C60] =	vst v63  }
0x49: {  	s29 =	sadd.s32 s29, s14  }
0x4a: {  	[tilespmem:s19], [sflag:$0x1] =	stream.linear.gather [hbm4b:s29+s4], $0x280, $0x38;
	[tilespmem:$0x2C60] =	vst v63  }
0x4b: {  	_ =	swait.ge [sflag:s23], $0x28  }
0x4c: {  	[sflag:s23] =	ssyncset.done $0x0  }
0x4d: {  	[sflag:s23] =	ssyncadd.s32 $0xFFFFFFD8  }
0x4e: {  	_ =	swait.ge [sflag:s23], $0x280  }
.Ltmp0:
0x4f: {  	[sflag:s23] =	ssyncset.done $0x0;
	(pc) =	sbr.rel @p0 .LBB2_2-.Ltmp0, $4  }
0x50: {  	[sflag:s23] =	ssyncadd.s32 $0xFFFFFD80  }
0x51: {  	[spmem:s3] =	stream.indirect.scatter.add.f32 [tilespmem:s21], [sflag:$0x3], $0x10, s20, s19, $0xb8;
	[tilespmem:$0x2C60] =	vst v63  }
0x52: {  	_ =	swait.ge [sflag:s18], $0x280  }
0x53: {  	[sflag:s18] =	ssyncset.done $0x0  }
0x54: {  	[sflag:s18] =	ssyncadd.s32 $0xFFFFFD80  }
0x55: {  	[tilespmem:s20], [sflag:$0x2] =	stream.linear.gather [hbm4b:s11+s4], $0x28, $0x38;
	[tilespmem:$0x2C60] =	vst v63  }
0x56: {  	_ = 	snop  }
0x57: {  	[tilespmem:s21], [sflag:$0x2] =	stream.linear.gather [hbm4b:s13+s4], $0x280, $0x38;
	[tilespmem:$0x2C60] =	vst v63  }
0x58: {  	_ =	swait.ge [sflag:s22], $0x28  }
0x59: {  	[sflag:s22] =	ssyncset.done $0x0  }
0x5a: {  	[sflag:s22] =	ssyncadd.s32 $0xFFFFFFD8  }
0x5b: {  	_ =	swait.ge [sflag:s22], $0x280  }
0x5c: {  	[sflag:s22] =	ssyncset.done $0x0  }
0x5d: {  	[sflag:s22] =	ssyncadd.s32 $0xFFFFFD80  }
0x5e: {  	[spmem:s3] =	stream.indirect.scatter.add.f32 [tilespmem:s19], [sflag:$0x3], $0x10, s4, s19, $0xb8;
	[tilespmem:$0x2C60] =	vst v63  }
0x5f: {  	_ =	swait.ge [sflag:s18], $0x280  }
0x60: {  	[sflag:s18] =	ssyncset.done $0x0  }
0x61: {  	[sflag:s18] =	ssyncadd.s32 $0xFFFFFD80  }
0x62: {  	_ =	swait.ge [sflag:s23], $0x28  }
0x63: {  	[sflag:s23] =	ssyncset.done $0x0  }
0x64: {  	[sflag:s23] =	ssyncadd.s32 $0xFFFFFFD8  }
0x65: {  	_ =	swait.ge [sflag:s23], $0x280  }
0x66: {  	[sflag:s23] =	ssyncset.done $0x0  }
0x67: {  	[sflag:s23] =	ssyncadd.s32 $0xFFFFFD80  }
0x68: {  	[spmem:s3] =	stream.indirect.scatter.add.f32 [tilespmem:s21], [sflag:$0x3], $0x10, s20, s19, $0xb8;
	[tilespmem:$0x2C60] =	vst v63  }
0x69: {  	_ =	swait.ge [sflag:s18], $0x280  }
0x6a: {  	s24 =	sadd.s32 $0x1, s24;
	[sflag:s18] =	ssyncset.done $0x0  }
0x6b: {  	p0 =	sne.s32 s24, s10;
	[sflag:s18] =	ssyncadd.s32 $0xFFFFFD80  }
.Ltmp1:
0x6c: {  	[bflag:$0x0] =	sbarrier.arrive $0xFFFF;
	(pc) =	sbr.rel @p0 .LBB2_1-.Ltmp1, $4  }
0x6d: {  	[hbm:s9], [sflag:s6] =	dma.local [spmem:s17], $0x500  }
0x6e: {  	_ =	swait.ge [sflag:s18], $0x500  }
0x6f: {  	[sflag:s18] =	ssyncset.done $0x0  }
0x70: {  	[sflag:s18] =	ssyncadd.s32 $0xFFFFFB00  }
0x71: {  	_ =	sfence.sel $0x180000  }
0x72: {  	[bflag:$0x0] =	sbarrier.arrive $0xFFFF  }
0x73: {  	p0 =	sne.s32 s0, $0x0;
	_ =	strace $0x90000047  }
0x74: {  	s0 =	sadd.s32 @!p0 $0x100000, s1;
	[bflag:$0x2] =	sbarrier.arrive $0xFFFF  }
0x75: {  	[sflag:s0] =	ssyncadd.tile.s32 @!p0 $0x1;
	_ =	shalt  }
.Lfunc_end2:
_tile_overlayer_lowered:
.L_overlay_start_2:
0x76: {  	(tag) =	ssettag $0x2  }
0x77: {  	s0 =	rddreg [dreg:$0x0];
	s2 =	stileid.u32  }
0x78: {  	s1 =	rddreg [dreg:$0x1];
	p0 =	sne.s32 s2, $0x0  }
0x79: {  	s3 =	rddreg [dreg:$0x2];
	[bflag:$0x3] =	sbarrier.arrive $0xFFFF;
	s2 =	simm.s32 @!p0 $0x1C03  }
0x7a: {  	[timem:s3], [sflag:s2] =	dma.local @!p0 [hbm:s0], s1  }
0x7b: {  	s0 =	simm.s32 @!p0 $0x3  }
0x7c: {  	_ =	swait.ge @!p0 [sflag:s0], s1  }
0x7d: {  	s1 =	ssub.s32 @!p0 $0x0, s1;
	[sflag:s0] =	ssyncset.done @!p0 $0x0  }
0x7e: {  	[sflag:s0] =	ssyncadd.s32 @!p0 s1  }
0x7f: {  	[bflag:$0x3] =	sbarrier.arrive $0xFFFF  }
0x80: {  	_ =	shalt  }

// kernel: kernel.15.cloned.1.call-start
scs
__scs_entry_jumppad:
0x0: {  	(pc) =	sbr.rel $0x88, $3  }
0x1: {  	(tag) =	ssettag $0x0;
	lr =	simm.s32 $0x1  }
0x2: {  	[smem:$0x3F94] =	sst lr;
	_ =	strace $0xD0000000  }
0x3: {  	_ = 	snop  }
0x4: {  	_ = 	snop  }
0x5: {  	_ = 	snop  }
0x6: {  	_ = 	snop  }
0x7: {  	_ = 	snop  }
__scs_overlays_trampoline_lowered:
0x8: {  	[smem:$0x3FA3] =	sst s0  }
0x9: {  	[smem:$0x3FA4] =	sst s1  }
0xa: {  	[smem:$0x3FA5] =	sst s2  }
0xb: {  	[smem:$0x3FA6] =	sst s3  }
0xc: {  	[smem:$0x3FA7] =	sst s4  }
0xd: {  	[smem:$0x3FA8] =	sst s5  }
0xe: {  	[smem:$0x3FA9] =	sst s6  }
0xf: {  	[smem:$0x3FAA] =	sst s7  }
0x10: {  	[smem:$0x3FAB] =	sst s8  }
0x11: {  	[smem:$0x3FAC] =	sst s9;
	s0 =	simm.s32 @!p0 $0x0  }
0x12: {  	s1 =	sld [smem:$0x3F92];
	s0 =	simm.s32 @p0 $0x1  }
0x13: {  	[smem:$0x3FAD] =	sst s0;
	s0 =	simm.s32 @!p1 $0x0  }
0x14: {  	s2 =	sld [smem:$0x3F91];
	s0 =	simm.s32 @p1 $0x1  }
0x15: {  	[smem:$0x3FAE] =	sst s0;
	s0 =	simm.s32 @!p2 $0x0  }
0x16: {  	s3 =	sld [smem:$0x3FDB];
	s0 =	simm.s32 @p2 $0x1  }
0x17: {  	s4 =	simm.s32 $0x1BF5;
	[smem:$0x3FB0] =	sst s0  }
0x18: {  	s0 =	sld [smem:$0x3F93];
	_ =	swait.ge [sflag:s4], $0x0  }
0x19: {  	s7 =	sld [smem:$0x3F94]  }
0x1a: {  	s8 =	sadd.s32 $0xFFFFE003, lr  }
0x1b: {  	s9 =	sadd.s32 $0xFFFFFEF7, lr;
	s5 =	simm.s32 $0xFFFFFFFF;
	p2 =	slt.u32 s8, $0xFFFFF086  }
0x1c: {  	p1 =	slt.u32 s9, $0xF7A;
	s5 =	simm.s32 @!p2 $0x0  }
0x1d: {  	s5 =	simm.s32 @p1 $0x1;
	p0 =	seq.s32 s7, s2  }
0x1e: {  	s7 =	smul.u32 @!p0 $0xF7A, s2;
	p2 =	seq.s32 @!p0 s5, $0x0  }
0x1f: {  	s9 =	smul.u32 $0xF7A, s1;
	s8 =	simm.s32 @!p0 $0x1BF5;
	p2 =	por !p2, p0  }
0x20: {  	[sflag:s8] =	ssyncset.s32 @!p0 $0xFFFFF086;
	s6 =	sadd.s32 @!p0 s3, s7;
	s7 =	simm.s32 @!p0 $0x108  }
0x21: {  	s3 =	sadd.s32 s3, s9;
	s6 =	sadd.s32 @!p0 $0x88, s6;
	s7 =	simm.s32 @p2 $0x1082  }
0x22: {  	[simem:s7], [sflag:s8] =	dma.local @!p0 [hbm:s6], $0xF7A  }
0x23: {  	s9 =	sor.u32 $0xD0000000, s2;
	s6 =	simm.s32 $0x108;
	_ =	swait.ge @!p0 [sflag:s8], $0x0  }
0x24: {  	s3 =	sadd.s32 $0x88, s3;
	s6 =	simm.s32 @!p1 $0x1082;
	[sflag:s4] =	ssyncset.s32 $0xFFFFF086  }
0x25: {  	[simem:s6], [sflag:s4] =	dma.local [hbm:s3], $0xF7A  }
0x26: {  	[smem:$0x3F94] =	sst s1;
	(tag) =	ssettag s2;
	_ =	strace s9  }
0x27: {  	s1 =	sld [smem:$0x3FA4]  }
0x28: {  	s2 =	sld [smem:$0x3FA5]  }
0x29: {  	s4 =	sld [smem:$0x3FA7]  }
0x2a: {  	p0 =	seq.s32 s5, $0x0;
	s5 =	sld [smem:$0x3FA8]  }
0x2b: {  	s6 =	sld [smem:$0x3FA9]  }
0x2c: {  	s7 =	sld [smem:$0x3FAA]  }
0x2d: {  	s3 =	simm.s32 $0x108;
	s8 =	sld [smem:$0x3FAB]  }
0x2e: {  	s3 =	simm.s32 @!p0 $0x1082;
	s9 =	sld [smem:$0x3FAC]  }
0x2f: {  	lr =	sadd.s32 s0, s3;
	s0 =	sld [smem:$0x3FA3]  }
0x30: {  	s3 =	sld [smem:$0x3FA6]  }
0x31: {  	[smem:$0x3FAF] =	sst s10  }
0x32: {  	s10 =	sld [smem:$0x3FAD];
	_ =	sdelay $0x3  }
0x33: {  	p0 =	seq.s32 s10, $0x1;
	s10 =	sld [smem:$0x3FAF];
	_ =	sdelay $0x3  }
0x34: {  	[smem:$0x3FAF] =	sst s10  }
0x35: {  	s10 =	sld [smem:$0x3FAE];
	_ =	sdelay $0x3  }
0x36: {  	p1 =	seq.s32 s10, $0x1;
	s10 =	sld [smem:$0x3FAF];
	_ =	sdelay $0x3  }
0x37: {  	[smem:$0x3FAF] =	sst s10  }
0x38: {  	s10 =	sld [smem:$0x3FB0]  }
0x39: {  	_ = 	snop;
	(pc) =	sbr.ind lr, $3  }
0x3a: {  	_ = 	snop  }
0x3b: {  	_ = 	snop  }
0x3c: {  	p2 =	seq.s32 s10, $0x1;
	s10 =	sld [smem:$0x3FAF]  }
0x3d: {  	_ =	shalt  }
0x3e: {  	_ =	shalt  }
0x3f: {  	_ =	shalt  }
0x40: {  	_ =	shalt  }
0x41: {  	_ =	shalt  }
0x42: {  	_ =	shalt  }
0x43: {  	_ =	shalt  }
0x44: {  	_ =	shalt  }
0x45: {  	_ =	shalt  }
0x46: {  	_ =	shalt  }
0x47: {  	_ =	shalt  }
0x48: {  	_ =	shalt  }
0x49: {  	_ =	shalt  }
0x4a: {  	_ =	shalt  }
0x4b: {  	_ =	shalt  }
0x4c: {  	_ =	shalt  }
0x4d: {  	_ =	shalt  }
0x4e: {  	_ =	shalt  }
0x4f: {  	_ =	shalt  }
0x50: {  	_ =	shalt  }
0x51: {  	_ =	shalt  }
0x52: {  	_ =	shalt  }
0x53: {  	_ =	shalt  }
0x54: {  	_ =	shalt  }
0x55: {  	_ =	shalt  }
0x56: {  	_ =	shalt  }
0x57: {  	_ =	shalt  }
0x58: {  	_ =	shalt  }
0x59: {  	_ =	shalt  }
0x5a: {  	_ =	shalt  }
0x5b: {  	_ =	shalt  }
0x5c: {  	_ =	shalt  }
0x5d: {  	_ =	shalt  }
0x5e: {  	_ =	shalt  }
0x5f: {  	_ =	shalt  }
0x60: {  	_ =	shalt  }
0x61: {  	_ =	shalt  }
0x62: {  	_ =	shalt  }
0x63: {  	_ =	shalt  }
0x64: {  	_ =	shalt  }
0x65: {  	_ =	shalt  }
0x66: {  	_ =	shalt  }
0x67: {  	_ =	shalt  }
0x68: {  	_ =	shalt  }
0x69: {  	_ =	shalt  }
0x6a: {  	_ =	shalt  }
0x6b: {  	_ =	shalt  }
0x6c: {  	_ =	shalt  }
0x6d: {  	_ =	shalt  }
0x6e: {  	_ =	shalt  }
0x6f: {  	_ =	shalt  }
0x70: {  	_ =	shalt  }
0x71: {  	_ =	shalt  }
0x72: {  	_ =	shalt  }
0x73: {  	_ =	shalt  }
0x74: {  	_ =	shalt  }
0x75: {  	_ =	shalt  }
0x76: {  	_ =	shalt  }
0x77: {  	_ =	shalt  }
0x78: {  	_ =	shalt  }
0x79: {  	_ =	shalt  }
0x7a: {  	_ =	shalt  }
0x7b: {  	_ =	shalt  }
0x7c: {  	_ =	shalt  }
0x7d: {  	_ =	shalt  }
0x7e: {  	_ =	shalt  }
0x7f: {  	_ =	shalt  }
0x80: {  	_ =	shalt  }
0x81: {  	_ =	shalt  }
0x82: {  	_ =	shalt  }
0x83: {  	_ =	shalt  }
0x84: {  	_ =	shalt  }
0x85: {  	_ =	shalt  }
0x86: {  	_ =	shalt  }
0x87: {  	_ =	shalt  }
.Lfunc_end0:
.L_simem_size_0:
called_computation.1_lowered:
.L_overlay_start_0:
0x88: {  	s2 =	sld [smem:$0x3FD9]  }
0x89: {  	s3 =	sld [smem:$0x3FFE];
	_ =	sdelay $0x1  }
0x8a: {  	s1 =	srdreg.scid  }
0x8b: {  	s0 =	sand.u32 $0x1, s1  }
0x8c: {  	s17 =	sshll.u32 s0, $0xA;
	s2 =	sadd.s32 s3, s2  }
0x8d: {  	s2 =	sadd.s32 s2, s17  }
0x8e: {  	[smem:$0x3FBB] =	sst s2  }
0x8f: {  	_ = 	snop  }
0x90: {  	s2 =	sld [smem:$0x3FD0];
	(tm) =	ssettm $0x1  }
0x91: {  	s18 =	sld [smem:$0x3FFB];
	_ =	sdelay $0x3  }
0x92: {  	_ =	strace s18  }
0x93: {  	s3 =	sld [smem:$0x3FFC];
	_ =	sdelay $0x3  }
0x94: {  	_ =	strace s3  }
0x95: {  	s3 =	sld [smem:$0x3FFD];
	_ =	sdelay $0x3  }
0x96: {  	_ =	strace s3  }
0x97: {  	_ =	strace $0x8FFFFFFF  }
0x98: {  	s19 =	sld [smem:$0x3FDB];
	_ =	sdelay $0x1  }
0x99: {  	s4 =	simm.s32 $_scs_section_size  }
0x9a: {  	s5 =	simm.s32 $_size__tile_overlayer_lowered;
	s6 =	simm.s32 $_tile_overlayer_lowered  }
0x9b: {  	s22 =	simm.s32 $0x1BFF;
	s21 =	sshll.u32 s6, $0x1;
	s3 =	sadd.s32 s4, s19  }
0x9c: {  	s7 =	simm.s32 $0x0;
	s20 =	sshll.u32 s5, $0x1;
	s5 =	sadd.s32 s21, s3  }
0x9d: {  	[timem:s7], [sflag:s22] =	dma.local [hbm:s5], s20  }
0x9e: {  	_ =	swait.ge [sflag:s22], s20  }
0x9f: {  	s4 =	ssub.s32 $0x0, s20;
	[sflag:s22] =	ssyncset.done $0x0  }
0xa0: {  	[sflag:s22] =	ssyncadd.s32 s4;
	_ =	sdelay $0x1  }
0xa1: {  	s23 =	simm.s32 $0x1B8B  }
0xa2: {  	_ =	swait.ge [sflag:s23], $0x1  }
0xa3: {  	[sflag:s23] =	ssyncset.done $0x0  }
0xa4: {  	s25 =	simm.s32 $0x1B8E;
	s24 =	sld [smem:$0x3FFE];
	[sflag:s23] =	ssyncadd.s32 $0xFFFFFFFF  }
0xa5: {  	s26 =	simm.s32 $execute0_lowered;
	[smem:$0x3FD2] =	sst s25  }
0xa6: {  	s5 =	sshll.u32 s26, $0x1;
	_ =	strace $0x80000049;
	[dreg:$0x1] =	wrdreg $0xFFFFFFFF  }
0xa7: {  	s28 =	simm.s32 $_size_execute0_lowered;
	s3 =	sadd.s32 s3, s5;
	[dreg:$0x0] =	wrdreg $0x0  }
0xa8: {  	s5 =	sshll.u32 s28, $0x1;
	[dreg:$0x2] =	wrdreg s3  }
0xa9: {  	[dreg:$0x3] =	wrdreg s5  }
0xaa: {  	[dreg:$0x4] =	wrdreg $0xC0  }
0xab: {  	_ =	task [dreg:s7], $0x5FFFF  }
0xac: {  	[dreg:$0x1] =	wrdreg $0xFFFFFFFF  }
0xad: {  	[dreg:$0x0] =	wrdreg $0x60  }
0xae: {  	[dreg:$0x2] =	wrdreg s24  }
0xaf: {  	[dreg:$0x3] =	wrdreg s2  }
0xb0: {  	[dreg:$0x4] =	wrdreg $0x33400  }
0xb1: {  	[dreg:$0x5] =	wrdreg $0x9  }
0xb2: {  	_ =	task.clear_ibuf [dreg:s7], $0x6FFFF;
	_ =	strace $0x90000049  }
0xb3: {  	s29 =	simm.s32 $0x9;
	_ =	strace $0x8000004B  }
0xb4: {  	_ =	swait.ge [sflag:s29], $0x1  }
0xb5: {  	[sflag:s29] =	ssyncadd.s32 $0xFFFFFFFF  }
0xb6: {  	_ =	strace $0x9000004B  }
0xb7: {  	_ =	sfence  }
0xb8: {  	s30 =	sld [smem:$0x0];
	_ =	sdelay $0x2  }
0xb9: {  	s31 =	sshll.u32 s1, $0xD;
	s1 =	sshrl.u32 s1, $0x2  }
0xba: {  	s3 =	sand.u32 $0x4000, s31;
	s1 =	sadd.s32 s1, s30  }
0xbb: {  	s0 =	sor.u32 s3, s0;
	s1 =	sshll.u32 s1, $0x11  }
0xbc: {  	s0 =	sor.u32 s1, s0  }
0xbd: {  	s0 =	sadd.s32 $0x8F2B, s0  }
0xbe: {  	[sflag:s0] =	ssyncadd.remote.s32 $0x1  }
0xbf: {  	_ =	sfence.sel $0xFFFF  }
0xc0: {  	[dreg:$0x0] =	wrdreg $0xFFFFFFFF;
	(pc) =	sbr.abs _section_cstart, $3  }
0xc1: {  	[dreg:$0x1] =	wrdreg $0xFFFFFFFF  }
0xc2: {  	_ =	task.clear_ibuf [dreg:s7], $0x2FFFF;
	_ =	strace $0x9FFFFFFF  }
0xc3: {  	(tm) =	ssettm $0x7FFFFFFF  }
tec
execute0_lowered:
.L_overlay_start_1:
0x0: {  	(tag) =	ssettag $0x1  }
0x1: {  	s0 =	rddreg [dreg:$0x0]  }
0x2: {  	s2 =	rddreg [dreg:$0x1]  }
0x3: {  	s3 =	rddreg [dreg:$0x2];
	s1 =	srdreg.scid  }
0x4: {  	s14 =	stileid.u32;
	s4 =	simm.s32 $0x0;
	s28 =	simm.s32 $0x19A0  }
0x5: {  	s29 =	simm.s32 $0x19F0;
	s30 =	simm.s32 $0x1A40;
	s6 =	smul.u32 $0x280, s14  }
0x6: {  	s31 =	simm.s32 $0x2;
	s1 =	sand.u32 $0x1, s1;
	s12 =	smul.u32 $0x4E20, s14  }
0x7: {  	[smem:$0x7FF] =	sst s4;
	s5 =	sadd.s32 $0x9B600, s0;
	s20 =	smul.u32 $0x9C40, s14  }
0x8: {  	s7 =	sadd.s32 $0x4E5A00, s0;
	s18 =	sshll.u32 s14, $0x6;
	s8 =	smul.u32 $0x2710, s1  }
0x9: {  	_ =	strace $0x8000004A;
	s11 =	ssub.s32 $0x2, s1;
	s9 =	smin.u32 s6, $0x2490  }
0xa: {  	s6 =	sadd.s32 $0x12800, s0;
	s13 =	sshrl.u32 s11, $0x1;
	s21 =	sshrl.u32 s12, $0x3  }
0xb: {  	s22 =	sadd.s32 $0x50, s12;
	s23 =	sadd.s32 s7, s20;
	s17 =	sadd.s32 $0xA0, s12  }
0xc: {  	s8 =	sadd.s32 s8, s9;
	s9 =	sshll.u32 s9, $0x6;
	s15 =	ssub.s32 s11, s13  }
0xd: {  	[dreg:$0x7] =	wrdreg s23;
	s25 =	sshrl.u32 s22, $0x3;
	s14 =	sshll.u32 s22, $0x1  }
0xe: {  	s23 =	simm.s32 $0x50;
	s10 =	sshll.u32 s8, $0x3;
	s8 =	smul.u32 $0x4E200, s1  }
0xf: {  	s9 =	sadd.s32 s9, s3;
	s26 =	sadd.s32 s2, s25;
	s16 =	sadd.s32 s7, s14  }
0x10: {  	s20 =	smax.u32 s15, $0x1;
	s25 =	simm.s32 $0x1;
	s1 =	simm.s32 $0x3  }
0x11: {  	s0 =	sadd.s32 s10, s0;
	s10 =	sadd.s32 s5, s10;
	[dreg:$0x9] =	wrdreg s26  }
0x12: {  	s26 =	simm.s32 $0x5A0;
	[dreg:$0x4] =	wrdreg s10;
	s19 =	sadd.s32 s12, s8  }
0x13: {  	s10 =	sor.u32 $0x1C05, s18;
	s24 =	sadd.s32 s8, s22;
	s11 =	sshrl.u32 s19, $0x3  }
.Ltmp0:
0x14: {  	s18 =	sadd.s32 $0xF0, s12;
	s11 =	sadd.s32 s6, s11;
	(pc) =	sbr.rel .LBB2_1-.Ltmp0, $4  }
0x15: {  	s22 =	simm.s32 $0x5;
	[dreg:$0x5] =	wrdreg s11;
	s11 =	sadd.s32 s2, s21  }
0x16: {  	s19 =	sadd.s32 $0x26200, s0;
	[dreg:$0x6] =	wrdreg s11;
	s11 =	sshrl.u32 s24, $0x3  }
0x17: {  	s0 =	simm.s32 $0x1F40;
	s21 =	sshrl.u32 s9, $0x3;
	s11 =	sadd.s32 s6, s11  }
0x18: {  	s9 =	simm.s32 $0x0;
	s24 =	simm.s32 $0x4;
	[dreg:$0x8] =	wrdreg s11  }
.LBB2_8:
0x19: {  	s9 =	sadd.s32 $0x1, s9  }
0x1a: {  	p0 =	sne.s32 s9, s20  }
.Ltmp1:
0x1b: {  	[bflag:$0x0] =	sbarrier.arrive $0xFFFF;
	(pc) =	sbr.rel @!p0 .LBB2_9-.Ltmp1, $4  }
0x1c: {  	[hbm:s19], [sflag:s10] =	dma.local [spmem:s21], $0x1400  }
0x1d: {  	_ =	swait.ge [sflag:s22], $0x1400  }
0x1e: {  	[sflag:s22] =	ssyncset.done $0x0  }
0x1f: {  	[sflag:s22] =	ssyncadd.s32 $0xFFFFEC00  }
.LBB2_1:
0x20: {  	s11 =	rddreg [dreg:$0x4]  }
0x21: {  	[spmem:s21], [sflag:s10] =	dma.local [hbm:s11], $0x1400  }
0x22: {  	_ =	swait.ge [sflag:s22], $0x1400  }
0x23: {  	[sflag:s22] =	ssyncset.done $0x0  }
0x24: {  	[sflag:s22] =	ssyncadd.s32 $0xFFFFEC00  }
0x25: {  	[bflag:$0x0] =	sbarrier.arrive $0xFFFF  }
0x26: {  	s15 =	rddreg [dreg:$0x5]  }
0x27: {  	[tilespmem:s4], [sflag:$0x1] =	stream.linear.gather [hbm4b:s15+s4], $0x50, $0x38;
	[tilespmem:$0xCF80] =	vst v63  }
0x28: {  	s12 =	rddreg [dreg:$0x6]  }
0x29: {  	[tilespmem:s23], [sflag:$0x1] =	stream.linear.gather [hbm4b:s12+s4], $0x50, $0x38;
	[tilespmem:$0xCF80] =	vst v63  }
0x2a: {  	s13 =	rddreg [dreg:$0x7];
	s12 =	simm.s32 $0xA0  }
0x2b: {  	[tilespmem:s12], [sflag:$0x1] =	stream.linear.gather [hbm4b:s13+s4], $0x500, $0x38;
	[tilespmem:$0xCF80] =	vst v63  }
0x2c: {  	_ =	swait.ge [sflag:s25], $0x50  }
0x2d: {  	[sflag:s25] =	ssyncset.done $0x0  }
0x2e: {  	[sflag:s25] =	ssyncadd.s32 $0xFFFFFFB0  }
0x2f: {  	_ =	swait.ge [sflag:s25], $0x50  }
0x30: {  	[sflag:s25] =	ssyncset.done $0x0  }
0x31: {  	[sflag:s25] =	ssyncadd.s32 $0xFFFFFFB0  }
0x32: {  	_ =	swait.ge [sflag:s25], $0x500  }
0x33: {  	[sflag:s25] =	ssyncset.done $0x0  }
0x34: {  	[sflag:s25] =	ssyncadd.s32 $0xFFFFFB00  }
0x35: {  	[tilespmem:s26], [sflag:$0x3] =	stream.indirect.gather [hbm4b:s5+s23], $0x40, s4, s23, $0xb8;
	[tilespmem:$0xCF80] =	vst v63  }
0x36: {  	s14 =	rddreg [dreg:$0x8]  }
0x37: {  	[tilespmem:s28], [sflag:$0x2] =	stream.linear.gather [hbm4b:s14+s4], $0x50, $0x38;
	[tilespmem:$0xCF80] =	vst v63  }
0x38: {  	s15 =	rddreg [dreg:$0x9]  }
0x39: {  	[tilespmem:s29], [sflag:$0x2] =	stream.linear.gather [hbm4b:s15+s4], $0x50, $0x38;
	[tilespmem:$0xCF80] =	vst v63  }
0x3a: {  	s11 =	simm.s32 $0x0  }
0x3b: {  	[tilespmem:s30], [sflag:$0x2] =	stream.linear.gather [hbm4b:s16+s4], $0x500, $0x38;
	[tilespmem:$0xCF80] =	vst v63  }
.LBB2_2:
0x3c: {  	_ =	swait.ge [sflag:s31], $0x50  }
0x3d: {  	[sflag:s31] =	ssyncset.done $0x0  }
0x3e: {  	[sflag:s31] =	ssyncadd.s32 $0xFFFFFFB0  }
0x3f: {  	_ =	swait.ge [sflag:s31], $0x50  }
0x40: {  	[sflag:s31] =	ssyncset.done $0x0  }
0x41: {  	[sflag:s31] =	ssyncadd.s32 $0xFFFFFFB0  }
0x42: {  	_ =	swait.ge [sflag:s31], $0x500  }
0x43: {  	[sflag:s31] =	ssyncset.done $0x0  }
0x44: {  	[sflag:s31] =	ssyncadd.s32 $0xFFFFFB00  }
0x45: {  	[tilespmem:s0], [sflag:$0x4] =	stream.indirect.gather [hbm4b:s5+s23], $0x40, s28, s23, $0xb8;
	[tilespmem:$0xCF80] =	vst v63  }
0x46: {  	_ =	swait.ge [sflag:s1], $0x1400  }
0x47: {  	[sflag:s1] =	ssyncset.done $0x0  }
0x48: {  	s12 =	simm.s32 $0x5C0;
	[sflag:s1] =	ssyncadd.s32 $0xFFFFEC00  }
0x49: {  	v0 =	vld [tilespmem:s12+$0xFFFFFFF0]  }
0x4a: {  	v2 =	vld [tilespmem:s12+$0x10]  }
0x4b: {  	s13 =	simm.s32 $0x0;
	v1 =	vld [tilespmem:s12+$0xFFFFFFE0]  }
0x4c: {  	v4 =	vld [tilespmem:s13+$0xA0]  }
0x4d: {  	v5 =	vld [tilespmem:s12+$0x0];
	_ =	sdelay $0x3  }
0x4e: {  	v1 =	vmul.f32 v1, v4;
	v3 =	vmul.f32 v2, v4  }
0x4f: {  	s14 =	simm.s32 $0x5C0;
	s13 =	simm.s32 $0x40;
	v2 =	vmul.f32 v0, v4;
	v0 =	vmul.f32 v5, v4  }
.LBB2_3:
0x50: {  	p0 =	sne.s32 s13, $0x13C0  }
0x51: {  	[tilespmem:s12+$0x10] =	vst v3;
	s14 =	sadd.s32 $0x40, s14;
	s15 =	smov.u32 s13;
	s13 =	sadd.s32 $0x40, s13  }
0x52: {  	v4 =	vld [tilespmem:s14+$0xFFFFFFF0];
	[tilespmem:s12+$0xFFFFFFE0] =	vst v1  }
0x53: {  	v3 =	vld [tilespmem:s14+$0x10];
	[tilespmem:s12+$0xFFFFFFF0] =	vst v2  }
0x54: {  	s15 =	sshra.s32 s15, $0x2;
	v1 =	vld [tilespmem:s14+$0xFFFFFFE0];
	[tilespmem:s12+$0x0] =	vst v0;
	s12 =	smov.u32 s14  }
0x55: {  	v0 =	vld [tilespmem:s15+$0xA0]  }
0x56: {  	v5 =	vld [tilespmem:s14+$0x0]  }
.Ltmp2:
0x57: {  	(pc) =	sbr.rel @p0 .LBB2_3-.Ltmp2, $3  }
0x58: {  	_ =	sdelay $0x1  }
0x59: {  	v1 =	vmul.f32 v1, v0;
	v3 =	vmul.f32 v3, v0  }
0x5a: {  	v2 =	vmul.f32 v4, v0;
	v0 =	vmul.f32 v5, v0  }
0x5b: {  	[tilespmem:s12+$0x10] =	vst v3  }
0x5c: {  	[tilespmem:s12+$0xFFFFFFE0] =	vst v1  }
0x5d: {  	p0 =	seq.s32 s11, $0x7C;
	[tilespmem:s12+$0xFFFFFFF0] =	vst v2  }
0x5e: {  	[tilespmem:s12+$0x0] =	vst v0;
	s12 =	smul.u32 @!p0 $0xA0, s11  }
0x5f: {  	[spmem:s3] =	stream.indirect.scatter.add.f32 [tilespmem:s26], [sflag:$0x5], $0x40, s23, s23, $0xb8;
	[tilespmem:$0xCF80] =	vst v63  }
0x60: {  	s12 =	sadd.s32 @!p0 s12, s17  }
0x61: {  	_ =	swait.ge [sflag:s22], $0x1400;
	s13 =	sadd.s32 @!p0 s8, s12  }
0x62: {  	[sflag:s22] =	ssyncset.done $0x0;
	s13 =	sshrl.u32 @!p0 s13, $0x3  }
0x63: {  	s14 =	simm.s32 @!p0 $0x0;
	[sflag:s22] =	ssyncadd.s32 $0xFFFFEC00;
	s13 =	sadd.s32 @!p0 s6, s13  }
0x64: {  	[tilespmem:s14], [sflag:$0x1] =	stream.linear.gather @!p0 [hbm4b:s13+s14], $0x50, $0x38;
	[tilespmem:$0xCF80] =	vst v63  }
0x65: {  	s13 =	sshrl.u32 @!p0 s12, $0x3  }
0x66: {  	s15 =	simm.s32 @!p0 $0x50;
	s12 =	sshll.u32 @!p0 s12, $0x1;
	s13 =	sadd.s32 @!p0 s2, s13  }
0x67: {  	[tilespmem:s15], [sflag:$0x1] =	stream.linear.gather @!p0 [hbm4b:s13+s14], $0x50, $0x38;
	[tilespmem:$0xCF80] =	vst v63  }
0x68: {  	s12 =	sadd.s32 @!p0 s7, s12;
	s13 =	simm.s32 @!p0 $0xA0  }
0x69: {  	[tilespmem:s13], [sflag:$0x1] =	stream.linear.gather @!p0 [hbm4b:s12+s14], $0x500, $0x38;
	[tilespmem:$0xCF80] =	vst v63  }
0x6a: {  	s12 =	simm.s32 @!p0 $0x1  }
0x6b: {  	_ =	swait.ge @!p0 [sflag:s12], $0x50  }
0x6c: {  	[sflag:s12] =	ssyncset.done @!p0 $0x0  }
0x6d: {  	[sflag:s12] =	ssyncadd.s32 @!p0 $0xFFFFFFB0  }
0x6e: {  	_ =	swait.ge @!p0 [sflag:s12], $0x50  }
0x6f: {  	[sflag:s12] =	ssyncset.done @!p0 $0x0  }
0x70: {  	[sflag:s12] =	ssyncadd.s32 @!p0 $0xFFFFFFB0  }
0x71: {  	_ =	swait.ge @!p0 [sflag:s12], $0x500  }
0x72: {  	[sflag:s12] =	ssyncset.done @!p0 $0x0  }
0x73: {  	[sflag:s12] =	ssyncadd.s32 @!p0 $0xFFFFFB00;
	s12 =	simm.s32 @!p0 $0x5A0  }
0x74: {  	[tilespmem:s12], [sflag:$0x3] =	stream.indirect.gather @!p0 [hbm4b:s5+s15], $0x40, s14, s15, $0xb8;
	[tilespmem:$0xCF80] =	vst v63  }
0x75: {  	_ =	swait.ge [sflag:s24], $0x1400  }
0x76: {  	[sflag:s24] =	ssyncset.done $0x0  }
0x77: {  	s12 =	simm.s32 $0x1F60;
	[sflag:s24] =	ssyncadd.s32 $0xFFFFEC00  }
0x78: {  	v0 =	vld [tilespmem:s12+$0xFFFFFFF0]  }
0x79: {  	v2 =	vld [tilespmem:s12+$0x10]  }
0x7a: {  	s15 =	simm.s32 $0x0;
	v1 =	vld [tilespmem:s12+$0xFFFFFFE0]  }
0x7b: {  	v4 =	vld [tilespmem:s15+$0x1A40]  }
0x7c: {  	v5 =	vld [tilespmem:s12+$0x0];
	_ =	sdelay $0x3  }
0x7d: {  	v1 =	vmul.f32 v1, v4;
	v3 =	vmul.f32 v2, v4  }
0x7e: {  	s13 =	simm.s32 $0x40;
	s14 =	simm.s32 $0x1F60;
	v2 =	vmul.f32 v0, v4;
	v0 =	vmul.f32 v5, v4  }
.LBB2_5:
0x7f: {  	p1 =	sne.s32 s13, $0x13C0  }
0x80: {  	[tilespmem:s12+$0x10] =	vst v3;
	s14 =	sadd.s32 $0x40, s14;
	s15 =	smov.u32 s13;
	s13 =	sadd.s32 $0x40, s13  }
0x81: {  	v4 =	vld [tilespmem:s14+$0xFFFFFFF0];
	[tilespmem:s12+$0xFFFFFFE0] =	vst v1  }
0x82: {  	v3 =	vld [tilespmem:s14+$0x10];
	[tilespmem:s12+$0xFFFFFFF0] =	vst v2  }
0x83: {  	s15 =	sshra.s32 s15, $0x2;
	v1 =	vld [tilespmem:s14+$0xFFFFFFE0];
	[tilespmem:s12+$0x0] =	vst v0;
	s12 =	smov.u32 s14  }
0x84: {  	v0 =	vld [tilespmem:s15+$0x1A40]  }
0x85: {  	v5 =	vld [tilespmem:s14+$0x0]  }
.Ltmp3:
0x86: {  	(pc) =	sbr.rel @p1 .LBB2_5-.Ltmp3, $3  }
0x87: {  	_ =	sdelay $0x1  }
0x88: {  	v1 =	vmul.f32 v1, v0;
	v3 =	vmul.f32 v3, v0  }
0x89: {  	v2 =	vmul.f32 v4, v0;
	v0 =	vmul.f32 v5, v0  }
0x8a: {  	[tilespmem:s12+$0x10] =	vst v3  }
0x8b: {  	[tilespmem:s12+$0xFFFFFFE0] =	vst v1  }
0x8c: {  	[tilespmem:s12+$0xFFFFFFF0] =	vst v2  }
.Ltmp4:
0x8d: {  	[tilespmem:s12+$0x0] =	vst v0;
	(pc) =	sbr.rel @p0 .LBB2_8-.Ltmp4, $4  }
0x8e: {  	[spmem:s3] =	stream.indirect.scatter.add.f32 [tilespmem:s0], [sflag:$0x5], $0x40, s29, s23, $0xb8;
	[tilespmem:$0xCF80] =	vst v63  }
0x8f: {  	_ =	swait.ge [sflag:s22], $0x1400  }
0x90: {  	[sflag:s22] =	ssyncset.done $0x0  }
0x91: {  	[sflag:s22] =	ssyncadd.s32 $0xFFFFEC00  }
0x92: {  	s12 =	smul.u32 $0xA0, s11;
	_ =	sdelay $0x1  }
0x93: {  	s12 =	sadd.s32 s12, s18  }
0x94: {  	s13 =	sadd.s32 s8, s12  }
0x95: {  	s13 =	sshrl.u32 s13, $0x3  }
0x96: {  	s13 =	sadd.s32 s6, s13  }
0x97: {  	[tilespmem:s28], [sflag:$0x2] =	stream.linear.gather [hbm4b:s13+s4], $0x50, $0x38;
	[tilespmem:$0xCF80] =	vst v63  }
.Ltmp5:
0x98: {  	s15 =	sshrl.u32 s12, $0x3;
	(pc) =	sbr.rel .LBB2_2-.Ltmp5, $4  }
0x99: {  	s12 =	sshll.u32 s12, $0x1;
	s13 =	sadd.s32 s2, s15  }
0x9a: {  	[tilespmem:s29], [sflag:$0x2] =	stream.linear.gather [hbm4b:s13+s4], $0x50, $0x38;
	[tilespmem:$0xCF80] =	vst v63  }
0x9b: {  	s11 =	sadd.s32 $0x1, s11;
	s12 =	sadd.s32 s7, s12  }
0x9c: {  	[tilespmem:s30], [sflag:$0x2] =	stream.linear.gather [hbm4b:s12+s4], $0x500, $0x38;
	[tilespmem:$0xCF80] =	vst v63  }
.LBB2_9:
0x9d: {  	_ =	sfence.sel $0x180000  }
0x9e: {  	[bflag:$0x0] =	sbarrier.arrive $0xFFFF  }
0x9f: {  	_ =	strace $0x9000004A  }
0xa0: {  	s0 =	stileid.u32;
	[bflag:$0x2] =	sbarrier.arrive $0xFFFF  }
0xa1: {  	p0 =	sne.s32 s0, $0x0;
	s0 =	rddreg [dreg:$0x3]  }
0xa2: {  	s0 =	sadd.s32 @!p0 $0x100000, s0  }
0xa3: {  	[sflag:s0] =	ssyncadd.tile.s32 @!p0 $0x1;
	_ =	shalt  }
.Lfunc_end2:
_tile_overlayer_lowered:
.L_overlay_start_2:
0xa4: {  	(tag) =	ssettag $0x2  }
0xa5: {  	s0 =	rddreg [dreg:$0x0];
	s2 =	stileid.u32  }
0xa6: {  	s1 =	rddreg [dreg:$0x1];
	p0 =	sne.s32 s2, $0x0  }
0xa7: {  	s3 =	rddreg [dreg:$0x2];
	[bflag:$0x3] =	sbarrier.arrive $0xFFFF;
	s2 =	simm.s32 @!p0 $0x1C05  }
0xa8: {  	[timem:s3], [sflag:s2] =	dma.local @!p0 [hbm:s0], s1  }
0xa9: {  	s0 =	simm.s32 @!p0 $0x5  }
0xaa: {  	_ =	swait.ge @!p0 [sflag:s0], s1  }
0xab: {  	s1 =	ssub.s32 @!p0 $0x0, s1;
	[sflag:s0] =	ssyncset.done @!p0 $0x0  }
0xac: {  	[sflag:s0] =	ssyncadd.s32 @!p0 s1  }
0xad: {  	[bflag:$0x3] =	sbarrier.arrive $0xFFFF  }
0xae: {  	_ =	shalt  }

// kernel: kernel.18.cloned.1.call-start
scs
__scs_entry_jumppad:
0x0: {  	(pc) =	sbr.rel $0x88, $3  }
0x1: {  	(tag) =	ssettag $0x0;
	lr =	simm.s32 $0x1  }
0x2: {  	[smem:$0x3F94] =	sst lr;
	_ =	strace $0xD0000000  }
0x3: {  	_ = 	snop  }
0x4: {  	_ = 	snop  }
0x5: {  	_ = 	snop  }
0x6: {  	_ = 	snop  }
0x7: {  	_ = 	snop  }
__scs_overlays_trampoline_lowered:
0x8: {  	[smem:$0x3FA3] =	sst s0  }
0x9: {  	[smem:$0x3FA4] =	sst s1  }
0xa: {  	[smem:$0x3FA5] =	sst s2  }
0xb: {  	[smem:$0x3FA6] =	sst s3  }
0xc: {  	[smem:$0x3FA7] =	sst s4  }
0xd: {  	[smem:$0x3FA8] =	sst s5  }
0xe: {  	[smem:$0x3FA9] =	sst s6  }
0xf: {  	[smem:$0x3FAA] =	sst s7  }
0x10: {  	[smem:$0x3FAB] =	sst s8  }
0x11: {  	[smem:$0x3FAC] =	sst s9;
	s0 =	simm.s32 @!p0 $0x0  }
0x12: {  	s1 =	sld [smem:$0x3F92];
	s0 =	simm.s32 @p0 $0x1  }
0x13: {  	[smem:$0x3FAD] =	sst s0;
	s0 =	simm.s32 @!p1 $0x0  }
0x14: {  	s2 =	sld [smem:$0x3F91];
	s0 =	simm.s32 @p1 $0x1  }
0x15: {  	[smem:$0x3FAE] =	sst s0;
	s0 =	simm.s32 @!p2 $0x0  }
0x16: {  	s3 =	sld [smem:$0x3FDB];
	s0 =	simm.s32 @p2 $0x1  }
0x17: {  	s4 =	simm.s32 $0x1BF5;
	[smem:$0x3FB0] =	sst s0  }
0x18: {  	s0 =	sld [smem:$0x3F93];
	_ =	swait.ge [sflag:s4], $0x0  }
0x19: {  	s7 =	sld [smem:$0x3F94]  }
0x1a: {  	s8 =	sadd.s32 $0xFFFFE003, lr  }
0x1b: {  	s9 =	sadd.s32 $0xFFFFFEF7, lr;
	s5 =	simm.s32 $0xFFFFFFFF;
	p2 =	slt.u32 s8, $0xFFFFF086  }
0x1c: {  	p1 =	slt.u32 s9, $0xF7A;
	s5 =	simm.s32 @!p2 $0x0  }
0x1d: {  	s5 =	simm.s32 @p1 $0x1;
	p0 =	seq.s32 s7, s2  }
0x1e: {  	s7 =	smul.u32 @!p0 $0xF7A, s2;
	p2 =	seq.s32 @!p0 s5, $0x0  }
0x1f: {  	s9 =	smul.u32 $0xF7A, s1;
	s8 =	simm.s32 @!p0 $0x1BF5;
	p2 =	por !p2, p0  }
0x20: {  	[sflag:s8] =	ssyncset.s32 @!p0 $0xFFFFF086;
	s6 =	sadd.s32 @!p0 s3, s7;
	s7 =	simm.s32 @!p0 $0x108  }
0x21: {  	s3 =	sadd.s32 s3, s9;
	s6 =	sadd.s32 @!p0 $0x88, s6;
	s7 =	simm.s32 @p2 $0x1082  }
0x22: {  	[simem:s7], [sflag:s8] =	dma.local @!p0 [hbm:s6], $0xF7A  }
0x23: {  	s9 =	sor.u32 $0xD0000000, s2;
	s6 =	simm.s32 $0x108;
	_ =	swait.ge @!p0 [sflag:s8], $0x0  }
0x24: {  	s3 =	sadd.s32 $0x88, s3;
	s6 =	simm.s32 @!p1 $0x1082;
	[sflag:s4] =	ssyncset.s32 $0xFFFFF086  }
0x25: {  	[simem:s6], [sflag:s4] =	dma.local [hbm:s3], $0xF7A  }
0x26: {  	[smem:$0x3F94] =	sst s1;
	(tag) =	ssettag s2;
	_ =	strace s9  }
0x27: {  	s1 =	sld [smem:$0x3FA4]  }
0x28: {  	s2 =	sld [smem:$0x3FA5]  }
0x29: {  	s4 =	sld [smem:$0x3FA7]  }
0x2a: {  	p0 =	seq.s32 s5, $0x0;
	s5 =	sld [smem:$0x3FA8]  }
0x2b: {  	s6 =	sld [smem:$0x3FA9]  }
0x2c: {  	s7 =	sld [smem:$0x3FAA]  }
0x2d: {  	s3 =	simm.s32 $0x108;
	s8 =	sld [smem:$0x3FAB]  }
0x2e: {  	s3 =	simm.s32 @!p0 $0x1082;
	s9 =	sld [smem:$0x3FAC]  }
0x2f: {  	lr =	sadd.s32 s0, s3;
	s0 =	sld [smem:$0x3FA3]  }
0x30: {  	s3 =	sld [smem:$0x3FA6]  }
0x31: {  	[smem:$0x3FAF] =	sst s10  }
0x32: {  	s10 =	sld [smem:$0x3FAD];
	_ =	sdelay $0x3  }
0x33: {  	p0 =	seq.s32 s10, $0x1;
	s10 =	sld [smem:$0x3FAF];
	_ =	sdelay $0x3  }
0x34: {  	[smem:$0x3FAF] =	sst s10  }
0x35: {  	s10 =	sld [smem:$0x3FAE];
	_ =	sdelay $0x3  }
0x36: {  	p1 =	seq.s32 s10, $0x1;
	s10 =	sld [smem:$0x3FAF];
	_ =	sdelay $0x3  }
0x37: {  	[smem:$0x3FAF] =	sst s10  }
0x38: {  	s10 =	sld [smem:$0x3FB0]  }
0x39: {  	_ = 	snop;
	(pc) =	sbr.ind lr, $3  }
0x3a: {  	_ = 	snop  }
0x3b: {  	_ = 	snop  }
0x3c: {  	p2 =	seq.s32 s10, $0x1;
	s10 =	sld [smem:$0x3FAF]  }
0x3d: {  	_ =	shalt  }
0x3e: {  	_ =	shalt  }
0x3f: {  	_ =	shalt  }
0x40: {  	_ =	shalt  }
0x41: {  	_ =	shalt  }
0x42: {  	_ =	shalt  }
0x43: {  	_ =	shalt  }
0x44: {  	_ =	shalt  }
0x45: {  	_ =	shalt  }
0x46: {  	_ =	shalt  }
0x47: {  	_ =	shalt  }
0x48: {  	_ =	shalt  }
0x49: {  	_ =	shalt  }
0x4a: {  	_ =	shalt  }
0x4b: {  	_ =	shalt  }
0x4c: {  	_ =	shalt  }
0x4d: {  	_ =	shalt  }
0x4e: {  	_ =	shalt  }
0x4f: {  	_ =	shalt  }
0x50: {  	_ =	shalt  }
0x51: {  	_ =	shalt  }
0x52: {  	_ =	shalt  }
0x53: {  	_ =	shalt  }
0x54: {  	_ =	shalt  }
0x55: {  	_ =	shalt  }
0x56: {  	_ =	shalt  }
0x57: {  	_ =	shalt  }
0x58: {  	_ =	shalt  }
0x59: {  	_ =	shalt  }
0x5a: {  	_ =	shalt  }
0x5b: {  	_ =	shalt  }
0x5c: {  	_ =	shalt  }
0x5d: {  	_ =	shalt  }
0x5e: {  	_ =	shalt  }
0x5f: {  	_ =	shalt  }
0x60: {  	_ =	shalt  }
0x61: {  	_ =	shalt  }
0x62: {  	_ =	shalt  }
0x63: {  	_ =	shalt  }
0x64: {  	_ =	shalt  }
0x65: {  	_ =	shalt  }
0x66: {  	_ =	shalt  }
0x67: {  	_ =	shalt  }
0x68: {  	_ =	shalt  }
0x69: {  	_ =	shalt  }
0x6a: {  	_ =	shalt  }
0x6b: {  	_ =	shalt  }
0x6c: {  	_ =	shalt  }
0x6d: {  	_ =	shalt  }
0x6e: {  	_ =	shalt  }
0x6f: {  	_ =	shalt  }
0x70: {  	_ =	shalt  }
0x71: {  	_ =	shalt  }
0x72: {  	_ =	shalt  }
0x73: {  	_ =	shalt  }
0x74: {  	_ =	shalt  }
0x75: {  	_ =	shalt  }
0x76: {  	_ =	shalt  }
0x77: {  	_ =	shalt  }
0x78: {  	_ =	shalt  }
0x79: {  	_ =	shalt  }
0x7a: {  	_ =	shalt  }
0x7b: {  	_ =	shalt  }
0x7c: {  	_ =	shalt  }
0x7d: {  	_ =	shalt  }
0x7e: {  	_ =	shalt  }
0x7f: {  	_ =	shalt  }
0x80: {  	_ =	shalt  }
0x81: {  	_ =	shalt  }
0x82: {  	_ =	shalt  }
0x83: {  	_ =	shalt  }
0x84: {  	_ =	shalt  }
0x85: {  	_ =	shalt  }
0x86: {  	_ =	shalt  }
0x87: {  	_ =	shalt  }
.Lfunc_end0:
.L_simem_size_0:
called_computation.2_lowered:
.L_overlay_start_0:
0x88: {  	s2 =	sld [smem:$0x3FD9]  }
0x89: {  	s3 =	sld [smem:$0x3FFE];
	_ =	sdelay $0x1  }
0x8a: {  	s1 =	srdreg.scid  }
0x8b: {  	s0 =	sand.u32 $0x1, s1  }
0x8c: {  	s17 =	sshll.u32 s0, $0xA;
	s2 =	sadd.s32 s3, s2  }
0x8d: {  	s2 =	sadd.s32 s2, s17  }
0x8e: {  	[smem:$0x3FBB] =	sst s2  }
0x8f: {  	_ = 	snop  }
0x90: {  	s2 =	sld [smem:$0x3FD0];
	(tm) =	ssettm $0x1  }
0x91: {  	s18 =	sld [smem:$0x3FFB];
	_ =	sdelay $0x3  }
0x92: {  	_ =	strace s18  }
0x93: {  	s3 =	sld [smem:$0x3FFC];
	_ =	sdelay $0x3  }
0x94: {  	_ =	strace s3  }
0x95: {  	s3 =	sld [smem:$0x3FFD];
	_ =	sdelay $0x3  }
0x96: {  	_ =	strace s3  }
0x97: {  	_ =	strace $0x8FFFFFFF  }
0x98: {  	s19 =	sld [smem:$0x3FDB];
	_ =	sdelay $0x1  }
0x99: {  	s4 =	simm.s32 $_scs_section_size  }
0x9a: {  	s5 =	simm.s32 $_size__tile_overlayer_lowered;
	s6 =	simm.s32 $_tile_overlayer_lowered  }
0x9b: {  	s22 =	simm.s32 $0x1BFF;
	s21 =	sshll.u32 s6, $0x1;
	s3 =	sadd.s32 s4, s19  }
0x9c: {  	s7 =	simm.s32 $0x0;
	s20 =	sshll.u32 s5, $0x1;
	s5 =	sadd.s32 s21, s3  }
0x9d: {  	[timem:s7], [sflag:s22] =	dma.local [hbm:s5], s20  }
0x9e: {  	_ =	swait.ge [sflag:s22], s20  }
0x9f: {  	s4 =	ssub.s32 $0x0, s20;
	[sflag:s22] =	ssyncset.done $0x0  }
0xa0: {  	[sflag:s22] =	ssyncadd.s32 s4;
	_ =	sdelay $0x1  }
0xa1: {  	s23 =	simm.s32 $0x1B8B  }
0xa2: {  	_ =	swait.ge [sflag:s23], $0x1  }
0xa3: {  	[sflag:s23] =	ssyncset.done $0x0  }
0xa4: {  	s25 =	simm.s32 $0x1B8E;
	s24 =	sld [smem:$0x3FFE];
	[sflag:s23] =	ssyncadd.s32 $0xFFFFFFFF  }
0xa5: {  	s26 =	simm.s32 $execute0_lowered;
	[smem:$0x3FD2] =	sst s25  }
0xa6: {  	s5 =	sshll.u32 s26, $0x1;
	_ =	strace $0x8000004C;
	[dreg:$0x1] =	wrdreg $0xFFFFFFFF  }
0xa7: {  	s28 =	simm.s32 $_size_execute0_lowered;
	s3 =	sadd.s32 s3, s5;
	[dreg:$0x0] =	wrdreg $0x0  }
0xa8: {  	s5 =	sshll.u32 s28, $0x1;
	[dreg:$0x2] =	wrdreg s3  }
0xa9: {  	[dreg:$0x3] =	wrdreg s5  }
0xaa: {  	[dreg:$0x4] =	wrdreg $0xC0  }
0xab: {  	_ =	task [dreg:s7], $0x5FFFF  }
0xac: {  	[dreg:$0x1] =	wrdreg $0xFFFFFFFF  }
0xad: {  	[dreg:$0x0] =	wrdreg $0x60  }
0xae: {  	[dreg:$0x2] =	wrdreg s24  }
0xaf: {  	[dreg:$0x3] =	wrdreg s2  }
0xb0: {  	[dreg:$0x4] =	wrdreg $0x6F400  }
0xb1: {  	[dreg:$0x5] =	wrdreg $0x9  }
0xb2: {  	_ =	task.clear_ibuf [dreg:s7], $0x6FFFF;
	_ =	strace $0x9000004C  }
0xb3: {  	s29 =	simm.s32 $0x9;
	_ =	strace $0x8000004E  }
0xb4: {  	_ =	swait.ge [sflag:s29], $0x1  }
0xb5: {  	[sflag:s29] =	ssyncadd.s32 $0xFFFFFFFF  }
0xb6: {  	_ =	strace $0x9000004E  }
0xb7: {  	_ =	sfence  }
0xb8: {  	s30 =	sld [smem:$0x0];
	_ =	sdelay $0x2  }
0xb9: {  	s31 =	sshll.u32 s1, $0xD;
	s1 =	sshrl.u32 s1, $0x2  }
0xba: {  	s3 =	sand.u32 $0x4000, s31;
	s1 =	sadd.s32 s1, s30  }
0xbb: {  	s0 =	sor.u32 s3, s0;
	s1 =	sshll.u32 s1, $0x11  }
0xbc: {  	s0 =	sor.u32 s1, s0  }
0xbd: {  	s0 =	sadd.s32 $0x8F2B, s0  }
0xbe: {  	[sflag:s0] =	ssyncadd.remote.s32 $0x1  }
0xbf: {  	_ =	sfence.sel $0xFFFF  }
0xc0: {  	[dreg:$0x0] =	wrdreg $0xFFFFFFFF;
	(pc) =	sbr.abs _section_cstart, $3  }
0xc1: {  	[dreg:$0x1] =	wrdreg $0xFFFFFFFF  }
0xc2: {  	_ =	task.clear_ibuf [dreg:s7], $0x2FFFF;
	_ =	strace $0x9FFFFFFF  }
0xc3: {  	(tm) =	ssettm $0x7FFFFFFF  }
tec
execute0_lowered:
.L_overlay_start_1:
0x0: {  	(tag) =	ssettag $0x1  }
0x1: {  	s0 =	rddreg [dreg:$0x0]  }
0x2: {  	s1 =	srdreg.scid;
	s2 =	rddreg [dreg:$0x1]  }
0x3: {  	s14 =	stileid.u32;
	s3 =	rddreg [dreg:$0x2]  }
0x4: {  	s4 =	simm.s32 $0x0;
	s28 =	simm.s32 $0x37A0;
	s5 =	smul.u32 $0x280, s14  }
0x5: {  	s29 =	simm.s32 $0x37F0;
	s30 =	simm.s32 $0x3840;
	s11 =	smul.u32 $0x4E20, s14  }
0x6: {  	s31 =	simm.s32 $0x2;
	s1 =	sand.u32 $0x1, s1;
	s20 =	smul.u32 $0x9C40, s14  }
0x7: {  	[smem:$0x7FF] =	sst s4;
	s17 =	sshll.u32 s14, $0x6;
	s6 =	smul.u32 $0x2710, s1  }
0x8: {  	_ =	strace $0x8000004D;
	s10 =	ssub.s32 $0x2, s1;
	s7 =	smin.u32 s5, $0x2490  }
0x9: {  	s12 =	sshrl.u32 s10, $0x1;
	s21 =	sshrl.u32 s11, $0x3;
	s22 =	sadd.s32 $0x50, s11  }
0xa: {  	s5 =	sadd.s32 s6, s7;
	s6 =	sadd.s32 $0x12800, s0;
	s8 =	smul.u32 $0x280, s7  }
0xb: {  	s7 =	sadd.s32 $0x4E5A00, s0;
	s12 =	ssub.s32 s10, s12;
	s10 =	sor.u32 $0x1C05, s17  }
0xc: {  	s25 =	sshrl.u32 s22, $0x3;
	s14 =	sshll.u32 s22, $0x1;
	s17 =	sadd.s32 $0xA0, s11  }
0xd: {  	s9 =	smul.u32 $0x14, s5;
	s5 =	sadd.s32 $0x9B600, s0;
	s23 =	sadd.s32 s7, s20  }
0xe: {  	s26 =	sadd.s32 s2, s25;
	s16 =	sadd.s32 s7, s14;
	s20 =	smax.u32 s12, $0x1  }
0xf: {  	s25 =	simm.s32 $0x1;
	s13 =	sshrl.u32 s8, $0x2;
	[dreg:$0x7] =	wrdreg s23  }
0x10: {  	s8 =	smul.u32 $0x4E200, s1;
	[dreg:$0x9] =	wrdreg s26;
	s23 =	simm.s32 $0x50  }
0x11: {  	s26 =	simm.s32 $0x5A0;
	s1 =	simm.s32 $0x3D40;
	s0 =	sadd.s32 s9, s0  }
0x12: {  	s15 =	sadd.s32 s13, s3;
	s9 =	sadd.s32 s5, s9;
	s18 =	sadd.s32 s11, s8  }
0x13: {  	[dreg:$0x4] =	wrdreg s9;
	s24 =	sadd.s32 s8, s22;
	s19 =	sshrl.u32 s18, $0x3  }
.Ltmp0:
0x14: {  	s22 =	simm.s32 $0x5;
	s9 =	sadd.s32 s6, s19;
	(pc) =	sbr.rel .LBB2_1-.Ltmp0, $4  }
0x15: {  	s18 =	sadd.s32 $0xF0, s11;
	[dreg:$0x5] =	wrdreg s9;
	s9 =	sadd.s32 s2, s21  }
0x16: {  	s19 =	sadd.s32 $0xFD200, s0;
	[dreg:$0x6] =	wrdreg s9;
	s9 =	sshrl.u32 s24, $0x3  }
0x17: {  	s0 =	simm.s32 $0x3;
	s21 =	sshrl.u32 s15, $0x3;
	s9 =	sadd.s32 s6, s9  }
0x18: {  	s24 =	simm.s32 $0x4;
	[dreg:$0x8] =	wrdreg s9;
	s9 =	simm.s32 $0x0  }
.LBB2_8:
0x19: {  	s9 =	sadd.s32 $0x1, s9  }
0x1a: {  	p0 =	sne.s32 s9, s20  }
.Ltmp1:
0x1b: {  	[bflag:$0x0] =	sbarrier.arrive $0xFFFF;
	(pc) =	sbr.rel @!p0 .LBB2_9-.Ltmp1, $4  }
0x1c: {  	[hbm:s19], [sflag:s10] =	dma.local [spmem:s21], $0x3200  }
0x1d: {  	_ =	swait.ge [sflag:s22], $0x3200  }
0x1e: {  	[sflag:s22] =	ssyncset.done $0x0  }
0x1f: {  	[sflag:s22] =	ssyncadd.s32 $0xFFFFCE00  }
.LBB2_1:
0x20: {  	s11 =	rddreg [dreg:$0x4]  }
0x21: {  	[spmem:s21], [sflag:s10] =	dma.local [hbm:s11], $0x3200  }
0x22: {  	_ =	swait.ge [sflag:s22], $0x3200  }
0x23: {  	[sflag:s22] =	ssyncset.done $0x0  }
0x24: {  	[sflag:s22] =	ssyncadd.s32 $0xFFFFCE00  }
0x25: {  	[bflag:$0x0] =	sbarrier.arrive $0xFFFF  }
0x26: {  	s15 =	rddreg [dreg:$0x5]  }
0x27: {  	[tilespmem:s4], [sflag:$0x1] =	stream.linear.gather [hbm4b:s15+s4], $0x50, $0x38;
	[tilespmem:$0x1F5E0] =	vst v63  }
0x28: {  	s12 =	rddreg [dreg:$0x6]  }
0x29: {  	[tilespmem:s23], [sflag:$0x1] =	stream.linear.gather [hbm4b:s12+s4], $0x50, $0x38;
	[tilespmem:$0x1F5E0] =	vst v63  }
0x2a: {  	s13 =	rddreg [dreg:$0x7];
	s12 =	simm.s32 $0xA0  }
0x2b: {  	[tilespmem:s12], [sflag:$0x1] =	stream.linear.gather [hbm4b:s13+s4], $0x500, $0x38;
	[tilespmem:$0x1F5E0] =	vst v63  }
0x2c: {  	_ =	swait.ge [sflag:s25], $0x50  }
0x2d: {  	[sflag:s25] =	ssyncset.done $0x0  }
0x2e: {  	[sflag:s25] =	ssyncadd.s32 $0xFFFFFFB0  }
0x2f: {  	_ =	swait.ge [sflag:s25], $0x50  }
0x30: {  	[sflag:s25] =	ssyncset.done $0x0  }
0x31: {  	[sflag:s25] =	ssyncadd.s32 $0xFFFFFFB0  }
0x32: {  	_ =	swait.ge [sflag:s25], $0x500  }
0x33: {  	[sflag:s25] =	ssyncset.done $0x0  }
0x34: {  	[sflag:s25] =	ssyncadd.s32 $0xFFFFFB00  }
0x35: {  	[tilespmem:s26], [sflag:$0x3] =	stream.indirect.gather [hbm4b:s5+s23], $0xA0, s4, s23, $0xb8;
	[tilespmem:$0x1F5E0] =	vst v63  }
0x36: {  	s14 =	rddreg [dreg:$0x8]  }
0x37: {  	[tilespmem:s28], [sflag:$0x2] =	stream.linear.gather [hbm4b:s14+s4], $0x50, $0x38;
	[tilespmem:$0x1F5E0] =	vst v63  }
0x38: {  	s15 =	rddreg [dreg:$0x9]  }
0x39: {  	[tilespmem:s29], [sflag:$0x2] =	stream.linear.gather [hbm4b:s15+s4], $0x50, $0x38;
	[tilespmem:$0x1F5E0] =	vst v63  }
0x3a: {  	s11 =	simm.s32 $0x0  }
0x3b: {  	[tilespmem:s30], [sflag:$0x2] =	stream.linear.gather [hbm4b:s16+s4], $0x500, $0x38;
	[tilespmem:$0x1F5E0] =	vst v63  }
.LBB2_2:
0x3c: {  	_ =	swait.ge [sflag:s31], $0x50  }
0x3d: {  	[sflag:s31] =	ssyncset.done $0x0  }
0x3e: {  	[sflag:s31] =	ssyncadd.s32 $0xFFFFFFB0  }
0x3f: {  	_ =	swait.ge [sflag:s31], $0x50  }
0x40: {  	[sflag:s31] =	ssyncset.done $0x0  }
0x41: {  	[sflag:s31] =	ssyncadd.s32 $0xFFFFFFB0  }
0x42: {  	_ =	swait.ge [sflag:s31], $0x500  }
0x43: {  	[sflag:s31] =	ssyncset.done $0x0  }
0x44: {  	[sflag:s31] =	ssyncadd.s32 $0xFFFFFB00  }
0x45: {  	[tilespmem:s1], [sflag:$0x4] =	stream.indirect.gather [hbm4b:s5+s23], $0xA0, s28, s23, $0xb8;
	[tilespmem:$0x1F5E0] =	vst v63  }
0x46: {  	_ =	swait.ge [sflag:s0], $0x3200  }
0x47: {  	[sflag:s0] =	ssyncset.done $0x0  }
0x48: {  	s12 =	simm.s32 $0x5F0;
	[sflag:s0] =	ssyncadd.s32 $0xFFFFCE00  }
0x49: {  	v0 =	vld [tilespmem:s12+$0xFFFFFFF0]  }
0x4a: {  	v6 =	vld [tilespmem:s12+$0x40]  }
0x4b: {  	v9 =	vld [tilespmem:s12+$0x20]  }
0x4c: {  	s13 =	simm.s32 $0x0;
	v7 =	vld [tilespmem:s12+$0xFFFFFFB0]  }
0x4d: {  	v1 =	vld [tilespmem:s13+$0xA0]  }
0x4e: {  	v11 =	vld [tilespmem:s12+$0xFFFFFFD0]  }
0x4f: {  	v3 =	vld [tilespmem:s12+$0x0]  }
0x50: {  	v2 =	vld [tilespmem:s12+$0x30]  }
0x51: {  	v5 =	vld [tilespmem:s12+$0xFFFFFFC0]  }
0x52: {  	v4 =	vld [tilespmem:s12+$0xFFFFFFE0]  }
0x53: {  	v8 =	vmul.f32 v7, v1;
	v10 =	vmul.f32 v6, v1;
	v6 =	vld [tilespmem:s12+$0x10]  }
0x54: {  	s14 =	simm.s32 $0x5F0;
	s13 =	simm.s32 $0x40;
	v7 =	vmul.f32 v11, v1;
	v9 =	vmul.f32 v9, v1  }
.LBB2_3:
0x55: {  	p0 =	sne.s32 s13, $0x13C0  }
0x56: {  	v5 =	vmul.f32 v5, v1;
	v3 =	vmul.f32 v3, v1;
	[tilespmem:s12+$0x40] =	vst v10;
	s14 =	sadd.s32 $0xA0, s14;
	s15 =	smov.u32 s13;
	s13 =	sadd.s32 $0x40, s13  }
0x57: {  	[tilespmem:s12+$0xFFFFFFB0] =	vst v8;
	v4 =	vmul.f32 v4, v1;
	v8 =	vmul.f32 v0, v1  }
0x58: {  	v6 =	vmul.f32 v6, v1;
	[tilespmem:s12+$0x20] =	vst v9;
	v1 =	vmul.f32 v2, v1  }
0x59: {  	[tilespmem:s12+$0x0] =	vst v3  }
0x5a: {  	v0 =	vld [tilespmem:s14+$0xFFFFFFF0];
	[tilespmem:s12+$0xFFFFFFD0] =	vst v7  }
0x5b: {  	v7 =	vld [tilespmem:s14+$0x40];
	[tilespmem:s12+$0xFFFFFFF0] =	vst v8  }
0x5c: {  	v3 =	vld [tilespmem:s14+$0x0];
	[tilespmem:s12+$0x30] =	vst v1  }
0x5d: {  	v9 =	vld [tilespmem:s14+$0x20];
	[tilespmem:s12+$0x10] =	vst v6  }
0x5e: {  	v8 =	vld [tilespmem:s14+$0xFFFFFFB0];
	[tilespmem:s12+$0xFFFFFFE0] =	vst v4  }
0x5f: {  	s15 =	sshra.s32 s15, $0x2;
	v2 =	vld [tilespmem:s14+$0x30];
	[tilespmem:s12+$0xFFFFFFC0] =	vst v5;
	s12 =	smov.u32 s14  }
0x60: {  	v1 =	vld [tilespmem:s15+$0xA0]  }
0x61: {  	v11 =	vld [tilespmem:s14+$0xFFFFFFD0]  }
.Ltmp2:
0x62: {  	v5 =	vld [tilespmem:s14+$0xFFFFFFC0];
	(pc) =	sbr.rel @p0 .LBB2_3-.Ltmp2, $4  }
0x63: {  	v4 =	vld [tilespmem:s14+$0xFFFFFFE0]  }
0x64: {  	v6 =	vld [tilespmem:s14+$0x10]  }
0x65: {  	v8 =	vmul.f32 v8, v1;
	v10 =	vmul.f32 v7, v1  }
0x66: {  	v9 =	vmul.f32 v9, v1;
	v7 =	vmul.f32 v11, v1  }
0x67: {  	[tilespmem:s12+$0x40] =	vst v10  }
0x68: {  	[tilespmem:s12+$0xFFFFFFB0] =	vst v8  }
0x69: {  	v3 =	vmul.f32 v3, v1;
	[tilespmem:s12+$0x20] =	vst v9  }
0x6a: {  	v0 =	vmul.f32 v0, v1;
	[tilespmem:s12+$0xFFFFFFD0] =	vst v7  }
0x6b: {  	v2 =	vmul.f32 v2, v1;
	[tilespmem:s12+$0x0] =	vst v3  }
0x6c: {  	v3 =	vmul.f32 v6, v1;
	[tilespmem:s12+$0xFFFFFFF0] =	vst v0  }
0x6d: {  	v0 =	vmul.f32 v4, v1;
	[tilespmem:s12+$0x30] =	vst v2  }
0x6e: {  	v1 =	vmul.f32 v5, v1;
	[tilespmem:s12+$0x10] =	vst v3  }
0x6f: {  	p0 =	seq.s32 s11, $0x7C;
	[tilespmem:s12+$0xFFFFFFE0] =	vst v0  }
0x70: {  	[tilespmem:s12+$0xFFFFFFC0] =	vst v1;
	s12 =	smul.u32 @!p0 $0xA0, s11  }
0x71: {  	[spmem:s3] =	stream.indirect.scatter.add.f32 [tilespmem:s26], [sflag:$0x5], $0xA0, s23, s23, $0xb8;
	[tilespmem:$0x1F5E0] =	vst v63  }
0x72: {  	s12 =	sadd.s32 @!p0 s12, s17  }
0x73: {  	_ =	swait.ge [sflag:s22], $0x3200;
	s13 =	sadd.s32 @!p0 s8, s12  }
0x74: {  	[sflag:s22] =	ssyncset.done $0x0;
	s13 =	sshrl.u32 @!p0 s13, $0x3  }
0x75: {  	s14 =	simm.s32 @!p0 $0x0;
	[sflag:s22] =	ssyncadd.s32 $0xFFFFCE00;
	s13 =	sadd.s32 @!p0 s6, s13  }
0x76: {  	[tilespmem:s14], [sflag:$0x1] =	stream.linear.gather @!p0 [hbm4b:s13+s14], $0x50, $0x38;
	[tilespmem:$0x1F5E0] =	vst v63  }
0x77: {  	s13 =	sshrl.u32 @!p0 s12, $0x3  }
0x78: {  	s15 =	simm.s32 @!p0 $0x50;
	s12 =	sshll.u32 @!p0 s12, $0x1;
	s13 =	sadd.s32 @!p0 s2, s13  }
0x79: {  	[tilespmem:s15], [sflag:$0x1] =	stream.linear.gather @!p0 [hbm4b:s13+s14], $0x50, $0x38;
	[tilespmem:$0x1F5E0] =	vst v63  }
0x7a: {  	s12 =	sadd.s32 @!p0 s7, s12;
	s13 =	simm.s32 @!p0 $0xA0  }
0x7b: {  	[tilespmem:s13], [sflag:$0x1] =	stream.linear.gather @!p0 [hbm4b:s12+s14], $0x500, $0x38;
	[tilespmem:$0x1F5E0] =	vst v63  }
0x7c: {  	s12 =	simm.s32 @!p0 $0x1  }
0x7d: {  	_ =	swait.ge @!p0 [sflag:s12], $0x50  }
0x7e: {  	[sflag:s12] =	ssyncset.done @!p0 $0x0  }
0x7f: {  	[sflag:s12] =	ssyncadd.s32 @!p0 $0xFFFFFFB0  }
0x80: {  	_ =	swait.ge @!p0 [sflag:s12], $0x50  }
0x81: {  	[sflag:s12] =	ssyncset.done @!p0 $0x0  }
0x82: {  	[sflag:s12] =	ssyncadd.s32 @!p0 $0xFFFFFFB0  }
0x83: {  	_ =	swait.ge @!p0 [sflag:s12], $0x500  }
0x84: {  	[sflag:s12] =	ssyncset.done @!p0 $0x0  }
0x85: {  	[sflag:s12] =	ssyncadd.s32 @!p0 $0xFFFFFB00;
	s12 =	simm.s32 @!p0 $0x5A0  }
0x86: {  	[tilespmem:s12], [sflag:$0x3] =	stream.indirect.gather @!p0 [hbm4b:s5+s15], $0xA0, s14, s15, $0xb8;
	[tilespmem:$0x1F5E0] =	vst v63  }
0x87: {  	_ =	swait.ge [sflag:s24], $0x3200  }
0x88: {  	[sflag:s24] =	ssyncset.done $0x0  }
0x89: {  	s12 =	simm.s32 $0x3D90;
	[sflag:s24] =	ssyncadd.s32 $0xFFFFCE00  }
0x8a: {  	v0 =	vld [tilespmem:s12+$0xFFFFFFF0]  }
0x8b: {  	v6 =	vld [tilespmem:s12+$0x40]  }
0x8c: {  	v9 =	vld [tilespmem:s12+$0x20]  }
0x8d: {  	s15 =	simm.s32 $0x0;
	v7 =	vld [tilespmem:s12+$0xFFFFFFB0]  }
0x8e: {  	v1 =	vld [tilespmem:s15+$0x3840]  }
0x8f: {  	v11 =	vld [tilespmem:s12+$0xFFFFFFD0]  }
0x90: {  	v3 =	vld [tilespmem:s12+$0x0]  }
0x91: {  	v2 =	vld [tilespmem:s12+$0x30]  }
0x92: {  	v5 =	vld [tilespmem:s12+$0xFFFFFFC0]  }
0x93: {  	v4 =	vld [tilespmem:s12+$0xFFFFFFE0]  }
0x94: {  	v8 =	vmul.f32 v7, v1;
	v10 =	vmul.f32 v6, v1;
	v6 =	vld [tilespmem:s12+$0x10]  }
0x95: {  	s13 =	simm.s32 $0x40;
	s14 =	simm.s32 $0x3D90;
	v7 =	vmul.f32 v11, v1;
	v9 =	vmul.f32 v9, v1  }
.LBB2_5:
0x96: {  	p1 =	sne.s32 s13, $0x13C0  }
0x97: {  	v5 =	vmul.f32 v5, v1;
	v3 =	vmul.f32 v3, v1;
	[tilespmem:s12+$0x40] =	vst v10;
	s14 =	sadd.s32 $0xA0, s14;
	s15 =	smov.u32 s13;
	s13 =	sadd.s32 $0x40, s13  }
0x98: {  	[tilespmem:s12+$0xFFFFFFB0] =	vst v8;
	v4 =	vmul.f32 v4, v1;
	v8 =	vmul.f32 v0, v1  }
0x99: {  	v6 =	vmul.f32 v6, v1;
	[tilespmem:s12+$0x20] =	vst v9;
	v1 =	vmul.f32 v2, v1  }
0x9a: {  	[tilespmem:s12+$0x0] =	vst v3  }
0x9b: {  	v0 =	vld [tilespmem:s14+$0xFFFFFFF0];
	[tilespmem:s12+$0xFFFFFFD0] =	vst v7  }
0x9c: {  	v7 =	vld [tilespmem:s14+$0x40];
	[tilespmem:s12+$0xFFFFFFF0] =	vst v8  }
0x9d: {  	v3 =	vld [tilespmem:s14+$0x0];
	[tilespmem:s12+$0x30] =	vst v1  }
0x9e: {  	v9 =	vld [tilespmem:s14+$0x20];
	[tilespmem:s12+$0x10] =	vst v6  }
0x9f: {  	v8 =	vld [tilespmem:s14+$0xFFFFFFB0];
	[tilespmem:s12+$0xFFFFFFE0] =	vst v4  }
0xa0: {  	s15 =	sshra.s32 s15, $0x2;
	v2 =	vld [tilespmem:s14+$0x30];
	[tilespmem:s12+$0xFFFFFFC0] =	vst v5;
	s12 =	smov.u32 s14  }
0xa1: {  	v1 =	vld [tilespmem:s15+$0x3840]  }
0xa2: {  	v11 =	vld [tilespmem:s14+$0xFFFFFFD0]  }
.Ltmp3:
0xa3: {  	v5 =	vld [tilespmem:s14+$0xFFFFFFC0];
	(pc) =	sbr.rel @p1 .LBB2_5-.Ltmp3, $4  }
0xa4: {  	v4 =	vld [tilespmem:s14+$0xFFFFFFE0]  }
0xa5: {  	v6 =	vld [tilespmem:s14+$0x10]  }
0xa6: {  	v8 =	vmul.f32 v8, v1;
	v10 =	vmul.f32 v7, v1  }
0xa7: {  	v9 =	vmul.f32 v9, v1;
	v7 =	vmul.f32 v11, v1  }
0xa8: {  	[tilespmem:s12+$0x40] =	vst v10  }
0xa9: {  	[tilespmem:s12+$0xFFFFFFB0] =	vst v8  }
0xaa: {  	v3 =	vmul.f32 v3, v1;
	[tilespmem:s12+$0x20] =	vst v9  }
0xab: {  	v0 =	vmul.f32 v0, v1;
	[tilespmem:s12+$0xFFFFFFD0] =	vst v7  }
0xac: {  	v2 =	vmul.f32 v2, v1;
	[tilespmem:s12+$0x0] =	vst v3  }
0xad: {  	v63 =	vmul.f32 v5, v1;
	[tilespmem:s12+$0xFFFFFFF0] =	vst v0  }
0xae: {  	v62 =	vmul.f32 v4, v1;
	[tilespmem:s12+$0x30] =	vst v2  }
0xaf: {  	v61 =	vmul.f32 v6, v1;
	[tilespmem:s12+$0xFFFFFFC0] =	vst v63  }
0xb0: {  	[tilespmem:s12+$0xFFFFFFE0] =	vst v62  }
.Ltmp4:
0xb1: {  	[tilespmem:s12+$0x10] =	vst v61;
	(pc) =	sbr.rel @p0 .LBB2_8-.Ltmp4, $4  }
0xb2: {  	[spmem:s3] =	stream.indirect.scatter.add.f32 [tilespmem:s1], [sflag:$0x5], $0xA0, s29, s23, $0xb8;
	[tilespmem:$0x1F5E0] =	vst v63  }
0xb3: {  	_ =	swait.ge [sflag:s22], $0x3200  }
0xb4: {  	[sflag:s22] =	ssyncset.done $0x0  }
0xb5: {  	[sflag:s22] =	ssyncadd.s32 $0xFFFFCE00  }
0xb6: {  	s12 =	smul.u32 $0xA0, s11;
	_ =	sdelay $0x1  }
0xb7: {  	s12 =	sadd.s32 s12, s18  }
0xb8: {  	s13 =	sadd.s32 s8, s12  }
0xb9: {  	s13 =	sshrl.u32 s13, $0x3  }
0xba: {  	s13 =	sadd.s32 s6, s13  }
0xbb: {  	[tilespmem:s28], [sflag:$0x2] =	stream.linear.gather [hbm4b:s13+s4], $0x50, $0x38;
	[tilespmem:$0x1F5E0] =	vst v63  }
.Ltmp5:
0xbc: {  	s15 =	sshrl.u32 s12, $0x3;
	(pc) =	sbr.rel .LBB2_2-.Ltmp5, $4  }
0xbd: {  	s12 =	sshll.u32 s12, $0x1;
	s13 =	sadd.s32 s2, s15  }
0xbe: {  	[tilespmem:s29], [sflag:$0x2] =	stream.linear.gather [hbm4b:s13+s4], $0x50, $0x38;
	[tilespmem:$0x1F5E0] =	vst v63  }
0xbf: {  	s11 =	sadd.s32 $0x1, s11;
	s12 =	sadd.s32 s7, s12  }
0xc0: {  	[tilespmem:s30], [sflag:$0x2] =	stream.linear.gather [hbm4b:s12+s4], $0x500, $0x38;
	[tilespmem:$0x1F5E0] =	vst v63  }
.LBB2_9:
0xc1: {  	_ =	sfence.sel $0x180000  }
0xc2: {  	[bflag:$0x0] =	sbarrier.arrive $0xFFFF  }
0xc3: {  	_ =	strace $0x9000004D  }
0xc4: {  	s0 =	stileid.u32;
	[bflag:$0x2] =	sbarrier.arrive $0xFFFF  }
0xc5: {  	p0 =	sne.s32 s0, $0x0;
	s0 =	rddreg [dreg:$0x3]  }
0xc6: {  	s0 =	sadd.s32 @!p0 $0x100000, s0  }
0xc7: {  	[sflag:s0] =	ssyncadd.tile.s32 @!p0 $0x1;
	_ =	shalt  }
.Lfunc_end2:
_tile_overlayer_lowered:
.L_overlay_start_2:
0xc8: {  	(tag) =	ssettag $0x2  }
0xc9: {  	s0 =	rddreg [dreg:$0x0];
	s2 =	stileid.u32  }
0xca: {  	s1 =	rddreg [dreg:$0x1];
	p0 =	sne.s32 s2, $0x0  }
0xcb: {  	s3 =	rddreg [dreg:$0x2];
	[bflag:$0x3] =	sbarrier.arrive $0xFFFF;
	s2 =	simm.s32 @!p0 $0x1C05  }
0xcc: {  	[timem:s3], [sflag:s2] =	dma.local @!p0 [hbm:s0], s1  }
0xcd: {  	s0 =	simm.s32 @!p0 $0x5  }
0xce: {  	_ =	swait.ge @!p0 [sflag:s0], s1  }
0xcf: {  	s1 =	ssub.s32 @!p0 $0x0, s1;
	[sflag:s0] =	ssyncset.done @!p0 $0x0  }
0xd0: {  	[sflag:s0] =	ssyncadd.s32 @!p0 s1  }
0xd1: {  	[bflag:$0x3] =	sbarrier.arrive $0xFFFF  }
0xd2: {  	_ =	shalt  }

</sc_bundles>
